<compile_context>
chip_gen: v7x
topology: tpu7x:2x2x1
jax: 0.10.2.dev20260603
libtpu: 0.0.44.dev20260713+nightly
codegen_flags: <defaults>
</compile_context>

<pallas_src>
import functools

import jax
import jax.numpy as jnp
from jax import lax
from jax.experimental import pallas as pl
from jax.experimental.pallas import tpu as pltpu
from jax.experimental.pallas import tpu_sc as plsc

N = 10000
NP_ = 10240
E = 320000
D = 128

NC = 2
NS = 16
NW = NC * NS
E_PER_TILE = E // NW
K = 80
CHUNKS = E_PER_TILE // K
ROWS_PER_TILE = NP_ // NS


def _sc_segment_sum(x, src2d, dst3d, z128, ones, with_deg):
    out_types = [jax.ShapeDtypeStruct((NC, NP_, D), jnp.float32)]
    if with_deg:
        out_types.append(jax.ShapeDtypeStruct((NC, NP_, D), jnp.float32))

    scratch = [
        pltpu.VMEM((E_PER_TILE,), jnp.int32),
        pltpu.VMEM((CHUNKS, K), jnp.int32),
        pltpu.VMEM((K, D), jnp.float32),
        pltpu.VMEM((K, D), jnp.float32),
        pltpu.VMEM_SHARED((NP_, D), jnp.float32),
        pltpu.SemaphoreType.DMA,
        pltpu.SemaphoreType.DMA,
    ]

    def body(x_hbm, src_hbm, dst_hbm, z128_hbm, ones_hbm, *refs):
        if with_deg:
            parts_hbm, degp_hbm = refs[0], refs[1]
            rest = refs[2:]
        else:
            parts_hbm = refs[0]
            rest = refs[1:]
        src_v, dst_v, rows_v, rows_w, acc_sh, sem0, sem1 = rest

        c = lax.axis_index("c")
        s = lax.axis_index("s")
        wid = c * NS + s
        rbase = s * ROWS_PER_TILE

        def zero_acc():
            @pl.loop(0, ROWS_PER_TILE // (2 * K))
            def _(j):
                ra = rbase + 2 * j * K
                rb = ra + K
                ha = pltpu.async_copy(z128_hbm.at[pl.ds(ra, K)], rows_v, sem0)
                hb = pltpu.async_copy(z128_hbm.at[pl.ds(rb, K)], rows_w, sem1)
                ha.wait()
                hc = pltpu.async_copy(rows_v, acc_sh.at[pl.ds(ra, K)], sem0)
                hb.wait()
                hd = pltpu.async_copy(rows_w, acc_sh.at[pl.ds(rb, K)], sem1)
                hc.wait()
                hd.wait()

        def copy_acc_out(dst_ref):
            @pl.loop(0, ROWS_PER_TILE // (2 * K))
            def _(j):
                ra = rbase + 2 * j * K
                rb = ra + K
                ha = pltpu.async_copy(acc_sh.at[pl.ds(ra, K)], rows_v, sem0)
                hb = pltpu.async_copy(acc_sh.at[pl.ds(rb, K)], rows_w, sem1)
                ha.wait()
                hc = pltpu.async_copy(rows_v, dst_ref.at[c].at[pl.ds(ra, K)],
                                      sem0)
                hb.wait()
                hd = pltpu.async_copy(rows_w, dst_ref.at[c].at[pl.ds(rb, K)],
                                      sem1)
                hc.wait()
                hd.wait()

        pltpu.sync_copy(src_hbm.at[wid], src_v)
        pltpu.sync_copy(dst_hbm.at[wid], dst_v)

        zero_acc()
        plsc.subcore_barrier()

        def gath(i, buf, sm):
            return pltpu.async_copy(x_hbm.at[src_v.at[pl.ds(i * K, K)]],
                                    buf, sm)

        def scat(i, buf, sm):
            return pltpu.async_copy(buf, acc_sh.at[dst_v.at[i]], sm,
                                    add=True)

        @pl.loop(0, CHUNKS // 4)
        def _(j):
            i = 4 * j
            g0 = gath(i, rows_v, sem0)
            g1 = gath(i + 1, rows_w, sem1)
            g0.wait()
            s0 = scat(i, rows_v, sem0)
            g1.wait()
            s1 = scat(i + 1, rows_w, sem1)
            s0.wait()
            g2 = gath(i + 2, rows_v, sem0)
            s1.wait()
            g3 = gath(i + 3, rows_w, sem1)
            g2.wait()
            s2 = scat(i + 2, rows_v, sem0)
            g3.wait()
            s3 = scat(i + 3, rows_w, sem1)
            s2.wait()
            s3.wait()

        hl = gath(CHUNKS - 1, rows_v, sem0)
        hl.wait()
        pltpu.sync_copy(rows_v, acc_sh.at[dst_v.at[CHUNKS - 1]], add=True)

        plsc.subcore_barrier()
        copy_acc_out(parts_hbm)

        if with_deg:
            plsc.subcore_barrier()
            zero_acc()
            pltpu.sync_copy(ones_hbm, rows_v)
            plsc.subcore_barrier()

            @pl.loop(0, CHUNKS // 10)
            def _(g):
                handles = [
                    pltpu.async_copy(rows_v, acc_sh.at[dst_v.at[10 * g + u]],
                                     sem0, add=True)
                    for u in range(10)
                ]
                for hh in handles:
                    hh.wait()

            handles = [
                pltpu.async_copy(rows_v,
                                 acc_sh.at[dst_v.at[10 * (CHUNKS // 10) + u]],
                                 sem0, add=True)
                for u in range(CHUNKS % 10)
            ]
            for hh in handles:
                hh.wait()

            plsc.subcore_barrier()
            copy_acc_out(degp_hbm)

    mesh = plsc.VectorSubcoreMesh(core_axis_name="c", subcore_axis_name="s")
    kfn = pl.kernel(body, out_type=out_types, mesh=mesh,
                    scratch_types=scratch)
    return kfn(x, src2d, dst3d, z128, ones)


def _tc_body(parts_ref, degp_ref, x_ref, wl_ref, bl_ref, wr_ref, o_ref, *,
             relu):
    p = parts_ref[0] + parts_ref[1]
    dg = degp_ref[0, :, :1] + degp_ref[1, :, :1]
    inv = 1.0 / jnp.maximum(dg, 1.0)
    agg = p * inv
    acc = lax.dot_general(agg, wl_ref[...], (((1,), (1,)), ((), ())),
                          preferred_element_type=jnp.float32)
    acc = acc + bl_ref[...]
    acc = acc + lax.dot_general(x_ref[...], wr_ref[...],
                                (((1,), (1,)), ((), ())),
                                preferred_element_type=jnp.float32)
    o_ref[...] = jnp.maximum(acc, 0.0) if relu else acc


def _tc_combine(parts, degp, x, Wl, bl, Wr, relu):
    R = 2000
    grid = (N // R,)
    return pl.pallas_call(
        functools.partial(_tc_body, relu=relu),
        grid=grid,
        in_specs=[
            pl.BlockSpec((NC, R, D), lambda i: (0, i, 0)),
            pl.BlockSpec((NC, R, D), lambda i: (0, i, 0)),
            pl.BlockSpec((R, D), lambda i: (i, 0)),
            pl.BlockSpec((D, D), lambda i: (0, 0)),
            pl.BlockSpec((1, D), lambda i: (0, 0)),
            pl.BlockSpec((D, D), lambda i: (0, 0)),
        ],
        out_specs=pl.BlockSpec((R, D), lambda i: (i, 0)),
        out_shape=jax.ShapeDtypeStruct((N, D), jnp.float32),
    )(parts, degp, x, Wl, bl.reshape(1, D), Wr)


def kernel(x, edge_index, W1l, b1l, W1r, W2l, b2l, W2r):
    src2d = edge_index[0].astype(jnp.int32).reshape(NW, E_PER_TILE)
    dst3d = edge_index[1].astype(jnp.int32).reshape(NW, CHUNKS, K)
    z128 = jnp.zeros((NP_, D), jnp.float32)
    ones = jnp.ones((K, D), jnp.float32)

    parts1, degp = _sc_segment_sum(x, src2d, dst3d, z128, ones, True)
    h = _tc_combine(parts1, degp, x, W1l, b1l, W1r, relu=True)
    (parts2,) = _sc_segment_sum(h, src2d, dst3d, z128, ones, False)
    out = _tc_combine(parts2, degp, h, W2l, b2l, W2r, relu=False)
    return out

# --- scband reference (transcript-rebuilt; emitter-appended) ---
"""Pipeline reference for scband-macro-gnn-86586540687514 (READ-ONLY COPY).

The authoritative reference and input builder live on the scoring server;
editing this copy changes nothing except your own understanding.
"""

import jax, jax.numpy as jnp
import numpy as np

N_NODES = 10000
N_EDGES = 320000
D = 128
HIDDEN = 128

def setup_inputs(seed: int = 0) -> dict:
    key = jax.random.key(seed)
    ks = jax.random.split(key, 8)
    x = jax.random.normal(ks[0], (N_NODES, D), dtype=jnp.float32)
    edge_index = jax.random.randint(ks[1], (2, N_EDGES), 0, N_NODES, dtype=jnp.int64)
    s = 1.0 / np.sqrt(D)
    W1l = jax.random.uniform(ks[2], (HIDDEN, D), minval=-s, maxval=s, dtype=jnp.float32)
    b1l = jnp.zeros((HIDDEN,), dtype=jnp.float32)
    W1r = jax.random.uniform(ks[3], (HIDDEN, D), minval=-s, maxval=s, dtype=jnp.float32)
    s2 = 1.0 / np.sqrt(HIDDEN)
    W2l = jax.random.uniform(ks[4], (HIDDEN, HIDDEN), minval=-s2, maxval=s2, dtype=jnp.float32)
    b2l = jnp.zeros((HIDDEN,), dtype=jnp.float32)
    W2r = jax.random.uniform(ks[5], (HIDDEN, HIDDEN), minval=-s2, maxval=s2, dtype=jnp.float32)
    return {"x": x, "edge_index": edge_index, "W1l": W1l, "b1l": b1l, "W1r": W1r, "W2l": W2l, "b2l": b2l, "W2r": W2r}

def _sage_conv(x, src, dst, Wl, bl, Wr):
    # PyG SAGEConv with mean aggregation: out = lin_l(mean_j x_j) + lin_r(x_i)
    msgs = x[src]
    summed = jax.ops.segment_sum(msgs, dst, num_segments=N_NODES)
    deg = jax.ops.segment_sum(jnp.ones((src.shape[0],), dtype=x.dtype), dst, num_segments=N_NODES)
    agg = summed / jnp.clip(deg, 1.0, None)[:, None]
    return agg @ Wl.T + bl + x @ Wr.T

def reference(x, edge_index, W1l, b1l, W1r, W2l, b2l, W2r):
    src = edge_index[0]
    dst = edge_index[1]
    h = jax.nn.relu(_sage_conv(x, src, dst, W1l, b1l, W1r))
    out = _sage_conv(h, src, dst, W2l, b2l, W2r)
    return out

if __name__ == "__main__":
    import jax
    _d = setup_inputs()
    print(jax.jit(kernel)(*tuple(_d.values())))

</pallas_src>

<mosaic_0001>
#map = affine_map<(d0, d1) -> (0, 0)>
#map1 = affine_map<(d0, d1) -> (0, 0, 0)>
module attributes {stable_mosaic.version = 14 : i64} {
  func.func @body(%arg0: i32, %arg1: i32, %arg2: memref<10000x128xf32, #tpu.memory_space<hbm>>, %arg3: memref<32x10000xi32, #tpu.memory_space<hbm>>, %arg4: memref<32x125x80xi32, #tpu.memory_space<hbm>>, %arg5: memref<10240x128xf32, #tpu.memory_space<hbm>>, %arg6: memref<80x128xf32, #tpu.memory_space<hbm>>, %arg7: memref<2x10240x128xf32, #tpu.memory_space<hbm>>, %arg8: memref<2x10240x128xf32, #tpu.memory_space<hbm>>, %arg9: memref<10000xi32, #tpu.memory_space<vmem>>, %arg10: memref<125x80xi32, #tpu.memory_space<vmem>>, %arg11: memref<80x128xf32, #tpu.memory_space<vmem>>, %arg12: memref<80x128xf32, #tpu.memory_space<vmem>>, %arg13: memref<10240x128xf32, #tpu.memory_space<vmem_shared>>, %arg14: memref<!tpu.dma_semaphore, #tpu.memory_space<semaphore_mem>>, %arg15: memref<!tpu.dma_semaphore, #tpu.memory_space<semaphore_mem>>) attributes {dimension_semantics = [#tpu.dimension_semantics<core_parallel>, #tpu.dimension_semantics<subcore_parallel>], iteration_bounds = array<i64: 2, 16>, scalar_prefetch = 0 : i64, scratch_operands = 7 : i64, tpu.core_type = #tpu.core_type<sc_vector_subcore>, window_params = [{transform_indices = #map}, {transform_indices = #map}, {transform_indices = #map1}, {transform_indices = #map}, {transform_indices = #map}, {transform_indices = #map1}, {transform_indices = #map1}]} {
    %mul3A = arith.constant 16 : i32
    %mul3A_0 = arith.muli %arg0, %mul3A : i32
    %add3A = arith.addi %mul3A_0, %arg1 : i32
    %mul3A_1 = arith.constant 640 : i32
    %mul3A_2 = arith.muli %arg1, %mul3A_1 : i32
    "tpu.region"() ({
      %run_scoped3A_114 = tpu.sem_alloc : memref<!tpu.dma_semaphore, #tpu.memory_space<semaphore_mem>>
      %dma_start3A_115 = arith.constant 0 : i32
      %dma_start3A_116 = tpu.memref_slice %arg3[%add3A, %dma_start3A_115] : memref<32x10000xi32, #tpu.memory_space<hbm>> -> memref<1x10000xi32, #tpu.memory_space<hbm>>
      %dma_start3A_117 = tpu.memref_squeeze %dma_start3A_116 : memref<1x10000xi32, #tpu.memory_space<hbm>> -> memref<10000xi32, #tpu.memory_space<hbm>>
      %dma_start3A_118 = arith.constant 0 : i32
      %dma_start3A_119 = tpu.memref_slice %arg3[%add3A, %dma_start3A_118] : memref<32x10000xi32, #tpu.memory_space<hbm>> -> memref<1x10000xi32, #tpu.memory_space<hbm>>
      %dma_start3A_120 = tpu.memref_squeeze %dma_start3A_119 : memref<1x10000xi32, #tpu.memory_space<hbm>> -> memref<10000xi32, #tpu.memory_space<hbm>>
      tpu.enqueue_dma source(%dma_start3A_120 : memref<10000xi32, #tpu.memory_space<hbm>>) target(%arg9 : memref<10000xi32, #tpu.memory_space<vmem>>) target_semaphore(%run_scoped3A_114 : memref<!tpu.dma_semaphore, #tpu.memory_space<semaphore_mem>>)
      %dma_wait3A_121 = arith.constant 0 : i32
      %dma_wait3A_122 = tpu.memref_slice %arg3[%add3A, %dma_wait3A_121] : memref<32x10000xi32, #tpu.memory_space<hbm>> -> memref<1x10000xi32, #tpu.memory_space<hbm>>
      %dma_wait3A_123 = tpu.memref_squeeze %dma_wait3A_122 : memref<1x10000xi32, #tpu.memory_space<hbm>> -> memref<10000xi32, #tpu.memory_space<hbm>>
      %dma_wait3A_124 = arith.constant 0 : i32
      %dma_wait3A_125 = tpu.memref_slice %arg3[%add3A, %dma_wait3A_124] : memref<32x10000xi32, #tpu.memory_space<hbm>> -> memref<1x10000xi32, #tpu.memory_space<hbm>>
      %dma_wait3A_126 = tpu.memref_squeeze %dma_wait3A_125 : memref<1x10000xi32, #tpu.memory_space<hbm>> -> memref<10000xi32, #tpu.memory_space<hbm>>
      tpu.wait_dma2 semaphore(%run_scoped3A_114 : memref<!tpu.dma_semaphore, #tpu.memory_space<semaphore_mem>>) src(%dma_wait3A_126 : memref<10000xi32, #tpu.memory_space<hbm>>) dst(%arg9 : memref<10000xi32, #tpu.memory_space<vmem>>)
      tpu.yield
    }) : () -> ()
    "tpu.region"() ({
      %run_scoped3A_114 = tpu.sem_alloc : memref<!tpu.dma_semaphore, #tpu.memory_space<semaphore_mem>>
      %dma_start3A_115 = arith.constant 0 : i32
      %dma_start3A_116 = arith.constant 0 : i32
      %dma_start3A_117 = tpu.memref_slice %arg4[%add3A, %dma_start3A_115, %dma_start3A_116] : memref<32x125x80xi32, #tpu.memory_space<hbm>> -> memref<1x125x80xi32, #tpu.memory_space<hbm>>
      %dma_start3A_118 = tpu.memref_squeeze %dma_start3A_117 : memref<1x125x80xi32, #tpu.memory_space<hbm>> -> memref<125x80xi32, #tpu.memory_space<hbm>>
      %dma_start3A_119 = arith.constant 0 : i32
      %dma_start3A_120 = arith.constant 0 : i32
      %dma_start3A_121 = tpu.memref_slice %arg4[%add3A, %dma_start3A_119, %dma_start3A_120] : memref<32x125x80xi32, #tpu.memory_space<hbm>> -> memref<1x125x80xi32, #tpu.memory_space<hbm>>
      %dma_start3A_122 = tpu.memref_squeeze %dma_start3A_121 : memref<1x125x80xi32, #tpu.memory_space<hbm>> -> memref<125x80xi32, #tpu.memory_space<hbm>>
      tpu.enqueue_dma source(%dma_start3A_122 : memref<125x80xi32, #tpu.memory_space<hbm>>) target(%arg10 : memref<125x80xi32, #tpu.memory_space<vmem>>) target_semaphore(%run_scoped3A_114 : memref<!tpu.dma_semaphore, #tpu.memory_space<semaphore_mem>>)
      %dma_wait3A_123 = arith.constant 0 : i32
      %dma_wait3A_124 = arith.constant 0 : i32
      %dma_wait3A_125 = tpu.memref_slice %arg4[%add3A, %dma_wait3A_123, %dma_wait3A_124] : memref<32x125x80xi32, #tpu.memory_space<hbm>> -> memref<1x125x80xi32, #tpu.memory_space<hbm>>
      %dma_wait3A_126 = tpu.memref_squeeze %dma_wait3A_125 : memref<1x125x80xi32, #tpu.memory_space<hbm>> -> memref<125x80xi32, #tpu.memory_space<hbm>>
      %dma_wait3A_127 = arith.constant 0 : i32
      %dma_wait3A_128 = arith.constant 0 : i32
      %dma_wait3A_129 = tpu.memref_slice %arg4[%add3A, %dma_wait3A_127, %dma_wait3A_128] : memref<32x125x80xi32, #tpu.memory_space<hbm>> -> memref<1x125x80xi32, #tpu.memory_space<hbm>>
      %dma_wait3A_130 = tpu.memref_squeeze %dma_wait3A_129 : memref<1x125x80xi32, #tpu.memory_space<hbm>> -> memref<125x80xi32, #tpu.memory_space<hbm>>
      tpu.wait_dma2 semaphore(%run_scoped3A_114 : memref<!tpu.dma_semaphore, #tpu.memory_space<semaphore_mem>>) src(%dma_wait3A_130 : memref<125x80xi32, #tpu.memory_space<hbm>>) dst(%arg10 : memref<125x80xi32, #tpu.memory_space<vmem>>)
      tpu.yield
    }) : () -> ()
    %scan3A = arith.constant 0 : i32
    %scan3A_3 = arith.constant 4 : i32
    %scan3A_4 = arith.addi %scan3A, %scan3A_3 : i32
    %scan3A_5 = arith.constant 1 : i32
    scf.for %scan3A_114 = %scan3A to %scan3A_4 step %scan3A_5  : i32 {
      %mul3A_115 = arith.constant 1 : i32
      %mul3A_116 = arith.muli %scan3A_114, %mul3A_115 : i32
      %add3A_117 = arith.constant 0 : i32
      %add3A_118 = arith.addi %add3A_117, %mul3A_116 : i32
      %mul3A_119 = arith.constant 2 : i32
      %mul3A_120 = arith.muli %mul3A_119, %add3A_118 : i32
      %mul3A_121 = arith.constant 80 : i32
      %mul3A_122 = arith.muli %mul3A_120, %mul3A_121 : i32
      %add3A_123 = arith.addi %mul3A_2, %mul3A_122 : i32
      %add3A_124 = arith.constant 80 : i32
      %add3A_125 = arith.addi %add3A_123, %add3A_124 : i32
      %dma_start3A_126 = arith.constant 0 : i32
      %dma_start3A_127 = tpu.memref_slice %arg5[%add3A_123, %dma_start3A_126] : memref<10240x128xf32, #tpu.memory_space<hbm>> -> memref<80x128xf32, #tpu.memory_space<hbm>>
      %dma_start3A_128 = arith.constant 0 : i32
      %dma_start3A_129 = tpu.memref_slice %arg5[%add3A_123, %dma_start3A_128] : memref<10240x128xf32, #tpu.memory_space<hbm>> -> memref<80x128xf32, #tpu.memory_space<hbm>>
      tpu.enqueue_dma source(%dma_start3A_129 : memref<80x128xf32, #tpu.memory_space<hbm>>) target(%arg11 : memref<80x128xf32, #tpu.memory_space<vmem>>) target_semaphore(%arg14 : memref<!tpu.dma_semaphore, #tpu.memory_space<semaphore_mem>>)
      %dma_start3A_130 = arith.constant 0 : i32
      %dma_start3A_131 = tpu.memref_slice %arg5[%add3A_125, %dma_start3A_130] : memref<10240x128xf32, #tpu.memory_space<hbm>> -> memref<80x128xf32, #tpu.memory_space<hbm>>
      %dma_start3A_132 = arith.constant 0 : i32
      %dma_start3A_133 = tpu.memref_slice %arg5[%add3A_125, %dma_start3A_132] : memref<10240x128xf32, #tpu.memory_space<hbm>> -> memref<80x128xf32, #tpu.memory_space<hbm>>
      tpu.enqueue_dma source(%dma_start3A_133 : memref<80x128xf32, #tpu.memory_space<hbm>>) target(%arg12 : memref<80x128xf32, #tpu.memory_space<vmem>>) target_semaphore(%arg15 : memref<!tpu.dma_semaphore, #tpu.memory_space<semaphore_mem>>)
      %dma_wait3A_134 = arith.constant 0 : i32
      %dma_wait3A_135 = tpu.memref_slice %arg5[%add3A_123, %dma_wait3A_134] : memref<10240x128xf32, #tpu.memory_space<hbm>> -> memref<80x128xf32, #tpu.memory_space<hbm>>
      %dma_wait3A_136 = arith.constant 0 : i32
      %dma_wait3A_137 = tpu.memref_slice %arg5[%add3A_123, %dma_wait3A_136] : memref<10240x128xf32, #tpu.memory_space<hbm>> -> memref<80x128xf32, #tpu.memory_space<hbm>>
      tpu.wait_dma2 semaphore(%arg14 : memref<!tpu.dma_semaphore, #tpu.memory_space<semaphore_mem>>) src(%dma_wait3A_137 : memref<80x128xf32, #tpu.memory_space<hbm>>) dst(%arg11 : memref<80x128xf32, #tpu.memory_space<vmem>>)
      %dma_start3A_138 = arith.constant 0 : i32
      %dma_start3A_139 = tpu.memref_slice %arg13[%add3A_123, %dma_start3A_138] : memref<10240x128xf32, #tpu.memory_space<vmem_shared>> -> memref<80x128xf32, #tpu.memory_space<vmem_shared>>
      %dma_start3A_140 = arith.constant 0 : i32
      %dma_start3A_141 = tpu.memref_slice %arg13[%add3A_123, %dma_start3A_140] : memref<10240x128xf32, #tpu.memory_space<vmem_shared>> -> memref<80x128xf32, #tpu.memory_space<vmem_shared>>
      tpu.enqueue_dma source(%arg11 : memref<80x128xf32, #tpu.memory_space<vmem>>) target(%dma_start3A_141 : memref<80x128xf32, #tpu.memory_space<vmem_shared>>) target_semaphore(%arg14 : memref<!tpu.dma_semaphore, #tpu.memory_space<semaphore_mem>>)
      %dma_wait3A_142 = arith.constant 0 : i32
      %dma_wait3A_143 = tpu.memref_slice %arg5[%add3A_125, %dma_wait3A_142] : memref<10240x128xf32, #tpu.memory_space<hbm>> -> memref<80x128xf32, #tpu.memory_space<hbm>>
      %dma_wait3A_144 = arith.constant 0 : i32
      %dma_wait3A_145 = tpu.memref_slice %arg5[%add3A_125, %dma_wait3A_144] : memref<10240x128xf32, #tpu.memory_space<hbm>> -> memref<80x128xf32, #tpu.memory_space<hbm>>
      tpu.wait_dma2 semaphore(%arg15 : memref<!tpu.dma_semaphore, #tpu.memory_space<semaphore_mem>>) src(%dma_wait3A_145 : memref<80x128xf32, #tpu.memory_space<hbm>>) dst(%arg12 : memref<80x128xf32, #tpu.memory_space<vmem>>)
      %dma_start3A_146 = arith.constant 0 : i32
      %dma_start3A_147 = tpu.memref_slice %arg13[%add3A_125, %dma_start3A_146] : memref<10240x128xf32, #tpu.memory_space<vmem_shared>> -> memref<80x128xf32, #tpu.memory_space<vmem_shared>>
      %dma_start3A_148 = arith.constant 0 : i32
      %dma_start3A_149 = tpu.memref_slice %arg13[%add3A_125, %dma_start3A_148] : memref<10240x128xf32, #tpu.memory_space<vmem_shared>> -> memref<80x128xf32, #tpu.memory_space<vmem_shared>>
      tpu.enqueue_dma source(%arg12 : memref<80x128xf32, #tpu.memory_space<vmem>>) target(%dma_start3A_149 : memref<80x128xf32, #tpu.memory_space<vmem_shared>>) target_semaphore(%arg15 : memref<!tpu.dma_semaphore, #tpu.memory_space<semaphore_mem>>)
      %dma_wait3A_150 = arith.constant 0 : i32
      %dma_wait3A_151 = tpu.memref_slice %arg13[%add3A_123, %dma_wait3A_150] : memref<10240x128xf32, #tpu.memory_space<vmem_shared>> -> memref<80x128xf32, #tpu.memory_space<vmem_shared>>
      %dma_wait3A_152 = arith.constant 0 : i32
      %dma_wait3A_153 = tpu.memref_slice %arg13[%add3A_123, %dma_wait3A_152] : memref<10240x128xf32, #tpu.memory_space<vmem_shared>> -> memref<80x128xf32, #tpu.memory_space<vmem_shared>>
      tpu.wait_dma2 semaphore(%arg14 : memref<!tpu.dma_semaphore, #tpu.memory_space<semaphore_mem>>) src(%arg11 : memref<80x128xf32, #tpu.memory_space<vmem>>) dst(%dma_wait3A_153 : memref<80x128xf32, #tpu.memory_space<vmem_shared>>)
      %dma_wait3A_154 = arith.constant 0 : i32
      %dma_wait3A_155 = tpu.memref_slice %arg13[%add3A_125, %dma_wait3A_154] : memref<10240x128xf32, #tpu.memory_space<vmem_shared>> -> memref<80x128xf32, #tpu.memory_space<vmem_shared>>
      %dma_wait3A_156 = arith.constant 0 : i32
      %dma_wait3A_157 = tpu.memref_slice %arg13[%add3A_125, %dma_wait3A_156] : memref<10240x128xf32, #tpu.memory_space<vmem_shared>> -> memref<80x128xf32, #tpu.memory_space<vmem_shared>>
      tpu.wait_dma2 semaphore(%arg15 : memref<!tpu.dma_semaphore, #tpu.memory_space<semaphore_mem>>) src(%arg12 : memref<80x128xf32, #tpu.memory_space<vmem>>) dst(%dma_wait3A_157 : memref<80x128xf32, #tpu.memory_space<vmem_shared>>)
    }
    %scan3A_6 = arith.constant 4 : i32
    %barrier3A = arith.constant 0 : index
    tpu.barrier barrier_id(%barrier3A)
    %scan3A_7 = arith.constant 0 : i32
    %scan3A_8 = arith.constant 31 : i32
    %scan3A_9 = arith.addi %scan3A_7, %scan3A_8 : i32
    %scan3A_10 = arith.constant 1 : i32
    scf.for %scan3A_114 = %scan3A_7 to %scan3A_9 step %scan3A_10  : i32 {
      %mul3A_115 = arith.constant 1 : i32
      %mul3A_116 = arith.muli %scan3A_114, %mul3A_115 : i32
      %add3A_117 = arith.constant 0 : i32
      %add3A_118 = arith.addi %add3A_117, %mul3A_116 : i32
      %mul3A_119 = arith.constant 4 : i32
      %mul3A_120 = arith.muli %mul3A_119, %add3A_118 : i32
      %mul3A_121 = arith.constant 80 : i32
      %mul3A_122 = arith.muli %mul3A_120, %mul3A_121 : i32
      %dma_start3A_123 = tpu.memref_slice %arg9[%mul3A_122] : memref<10000xi32, #tpu.memory_space<vmem>> -> memref<80xi32, #tpu.memory_space<vmem>>
      %dma_start3A_124 = arith.constant 0 : i32
      %dma_start3A_125 = arith.constant 0 : i32
      %dma_start3A_126 = tpu.memref_slice %arg2[%dma_start3A_124, %dma_start3A_125] : memref<10000x128xf32, #tpu.memory_space<hbm>> -> memref<10000x128xf32, #tpu.memory_space<hbm>>
      tpu.enqueue_indirect_dma source(%dma_start3A_126 : memref<10000x128xf32, #tpu.memory_space<hbm>>) target(%arg11 : memref<80x128xf32, #tpu.memory_space<vmem>>) offsets(%dma_start3A_123 : memref<80xi32, #tpu.memory_space<vmem>>) semaphore(%arg14 : memref<!tpu.dma_semaphore, #tpu.memory_space<semaphore_mem>>)
      %add3A_127 = arith.constant 1 : i32
      %add3A_128 = arith.addi %mul3A_120, %add3A_127 : i32
      %mul3A_129 = arith.constant 80 : i32
      %mul3A_130 = arith.muli %add3A_128, %mul3A_129 : i32
      %dma_start3A_131 = tpu.memref_slice %arg9[%mul3A_130] : memref<10000xi32, #tpu.memory_space<vmem>> -> memref<80xi32, #tpu.memory_space<vmem>>
      %dma_start3A_132 = arith.constant 0 : i32
      %dma_start3A_133 = arith.constant 0 : i32
      %dma_start3A_134 = tpu.memref_slice %arg2[%dma_start3A_132, %dma_start3A_133] : memref<10000x128xf32, #tpu.memory_space<hbm>> -> memref<10000x128xf32, #tpu.memory_space<hbm>>
      tpu.enqueue_indirect_dma source(%dma_start3A_134 : memref<10000x128xf32, #tpu.memory_space<hbm>>) target(%arg12 : memref<80x128xf32, #tpu.memory_space<vmem>>) offsets(%dma_start3A_131 : memref<80xi32, #tpu.memory_space<vmem>>) semaphore(%arg15 : memref<!tpu.dma_semaphore, #tpu.memory_space<semaphore_mem>>)
      %dma_wait3A_135 = tpu.memref_slice %arg9[%mul3A_122] : memref<10000xi32, #tpu.memory_space<vmem>> -> memref<80xi32, #tpu.memory_space<vmem>>
      %dma_wait3A_136 = arith.constant 0 : i32
      %dma_wait3A_137 = arith.constant 0 : i32
      %dma_wait3A_138 = tpu.memref_slice %arg2[%dma_wait3A_136, %dma_wait3A_137] : memref<10000x128xf32, #tpu.memory_space<hbm>> -> memref<10000x128xf32, #tpu.memory_space<hbm>>
      tpu.wait_indirect_dma semaphore(%arg14 : memref<!tpu.dma_semaphore, #tpu.memory_space<semaphore_mem>>) src(%dma_wait3A_138 : memref<10000x128xf32, #tpu.memory_space<hbm>>) dst(%arg11 : memref<80x128xf32, #tpu.memory_space<vmem>>)
      %dma_start3A_139 = arith.constant 0 : i32
      %dma_start3A_140 = tpu.memref_slice %arg10[%mul3A_120, %dma_start3A_139] : memref<125x80xi32, #tpu.memory_space<vmem>> -> memref<1x80xi32, #tpu.memory_space<vmem>>
      %dma_start3A_141 = tpu.memref_squeeze %dma_start3A_140 : memref<1x80xi32, #tpu.memory_space<vmem>> -> memref<80xi32, #tpu.memory_space<vmem>>
      %dma_start3A_142 = arith.constant 0 : i32
      %dma_start3A_143 = arith.constant 0 : i32
      %dma_start3A_144 = tpu.memref_slice %arg13[%dma_start3A_142, %dma_start3A_143] : memref<10240x128xf32, #tpu.memory_space<vmem_shared>> -> memref<10240x128xf32, #tpu.memory_space<vmem_shared>>
      tpu.enqueue_indirect_dma source(%arg11 : memref<80x128xf32, #tpu.memory_space<vmem>>) target(%dma_start3A_144 : memref<10240x128xf32, #tpu.memory_space<vmem_shared>>) offsets(%dma_start3A_141 : memref<80xi32, #tpu.memory_space<vmem>>) semaphore(%arg14 : memref<!tpu.dma_semaphore, #tpu.memory_space<semaphore_mem>>) {add = true}
      %dma_wait3A_145 = tpu.memref_slice %arg9[%mul3A_130] : memref<10000xi32, #tpu.memory_space<vmem>> -> memref<80xi32, #tpu.memory_space<vmem>>
      %dma_wait3A_146 = arith.constant 0 : i32
      %dma_wait3A_147 = arith.constant 0 : i32
      %dma_wait3A_148 = tpu.memref_slice %arg2[%dma_wait3A_146, %dma_wait3A_147] : memref<10000x128xf32, #tpu.memory_space<hbm>> -> memref<10000x128xf32, #tpu.memory_space<hbm>>
      tpu.wait_indirect_dma semaphore(%arg15 : memref<!tpu.dma_semaphore, #tpu.memory_space<semaphore_mem>>) src(%dma_wait3A_148 : memref<10000x128xf32, #tpu.memory_space<hbm>>) dst(%arg12 : memref<80x128xf32, #tpu.memory_space<vmem>>)
      %add3A_149 = arith.constant 1 : i32
      %add3A_150 = arith.addi %mul3A_120, %add3A_149 : i32
      %dma_start3A_151 = arith.constant 0 : i32
      %dma_start3A_152 = tpu.memref_slice %arg10[%add3A_150, %dma_start3A_151] : memref<125x80xi32, #tpu.memory_space<vmem>> -> memref<1x80xi32, #tpu.memory_space<vmem>>
      %dma_start3A_153 = tpu.memref_squeeze %dma_start3A_152 : memref<1x80xi32, #tpu.memory_space<vmem>> -> memref<80xi32, #tpu.memory_space<vmem>>
      %dma_start3A_154 = arith.constant 0 : i32
      %dma_start3A_155 = arith.constant 0 : i32
      %dma_start3A_156 = tpu.memref_slice %arg13[%dma_start3A_154, %dma_start3A_155] : memref<10240x128xf32, #tpu.memory_space<vmem_shared>> -> memref<10240x128xf32, #tpu.memory_space<vmem_shared>>
      tpu.enqueue_indirect_dma source(%arg12 : memref<80x128xf32, #tpu.memory_space<vmem>>) target(%dma_start3A_156 : memref<10240x128xf32, #tpu.memory_space<vmem_shared>>) offsets(%dma_start3A_153 : memref<80xi32, #tpu.memory_space<vmem>>) semaphore(%arg15 : memref<!tpu.dma_semaphore, #tpu.memory_space<semaphore_mem>>) {add = true}
      %dma_wait3A_157 = arith.constant 0 : i32
      %dma_wait3A_158 = tpu.memref_slice %arg10[%mul3A_120, %dma_wait3A_157] : memref<125x80xi32, #tpu.memory_space<vmem>> -> memref<1x80xi32, #tpu.memory_space<vmem>>
      %dma_wait3A_159 = tpu.memref_squeeze %dma_wait3A_158 : memref<1x80xi32, #tpu.memory_space<vmem>> -> memref<80xi32, #tpu.memory_space<vmem>>
      %dma_wait3A_160 = arith.constant 0 : i32
      %dma_wait3A_161 = arith.constant 0 : i32
      %dma_wait3A_162 = tpu.memref_slice %arg13[%dma_wait3A_160, %dma_wait3A_161] : memref<10240x128xf32, #tpu.memory_space<vmem_shared>> -> memref<10240x128xf32, #tpu.memory_space<vmem_shared>>
      tpu.wait_indirect_dma semaphore(%arg14 : memref<!tpu.dma_semaphore, #tpu.memory_space<semaphore_mem>>) src(%arg11 : memref<80x128xf32, #tpu.memory_space<vmem>>) dst(%dma_wait3A_162 : memref<10240x128xf32, #tpu.memory_space<vmem_shared>>)
      %add3A_163 = arith.constant 2 : i32
      %add3A_164 = arith.addi %mul3A_120, %add3A_163 : i32
      %mul3A_165 = arith.constant 80 : i32
      %mul3A_166 = arith.muli %add3A_164, %mul3A_165 : i32
      %dma_start3A_167 = tpu.memref_slice %arg9[%mul3A_166] : memref<10000xi32, #tpu.memory_space<vmem>> -> memref<80xi32, #tpu.memory_space<vmem>>
      %dma_start3A_168 = arith.constant 0 : i32
      %dma_start3A_169 = arith.constant 0 : i32
      %dma_start3A_170 = tpu.memref_slice %arg2[%dma_start3A_168, %dma_start3A_169] : memref<10000x128xf32, #tpu.memory_space<hbm>> -> memref<10000x128xf32, #tpu.memory_space<hbm>>
      tpu.enqueue_indirect_dma source(%dma_start3A_170 : memref<10000x128xf32, #tpu.memory_space<hbm>>) target(%arg11 : memref<80x128xf32, #tpu.memory_space<vmem>>) offsets(%dma_start3A_167 : memref<80xi32, #tpu.memory_space<vmem>>) semaphore(%arg14 : memref<!tpu.dma_semaphore, #tpu.memory_space<semaphore_mem>>)
      %dma_wait3A_171 = arith.constant 0 : i32
      %dma_wait3A_172 = tpu.memref_slice %arg10[%add3A_150, %dma_wait3A_171] : memref<125x80xi32, #tpu.memory_space<vmem>> -> memref<1x80xi32, #tpu.memory_space<vmem>>
      %dma_wait3A_173 = tpu.memref_squeeze %dma_wait3A_172 : memref<1x80xi32, #tpu.memory_space<vmem>> -> memref<80xi32, #tpu.memory_space<vmem>>
      %dma_wait3A_174 = arith.constant 0 : i32
      %dma_wait3A_175 = arith.constant 0 : i32
      %dma_wait3A_176 = tpu.memref_slice %arg13[%dma_wait3A_174, %dma_wait3A_175] : memref<10240x128xf32, #tpu.memory_space<vmem_shared>> -> memref<10240x128xf32, #tpu.memory_space<vmem_shared>>
      tpu.wait_indirect_dma semaphore(%arg15 : memref<!tpu.dma_semaphore, #tpu.memory_space<semaphore_mem>>) src(%arg12 : memref<80x128xf32, #tpu.memory_space<vmem>>) dst(%dma_wait3A_176 : memref<10240x128xf32, #tpu.memory_space<vmem_shared>>)
      %add3A_177 = arith.constant 3 : i32
      %add3A_178 = arith.addi %mul3A_120, %add3A_177 : i32
      %mul3A_179 = arith.constant 80 : i32
      %mul3A_180 = arith.muli %add3A_178, %mul3A_179 : i32
      %dma_start3A_181 = tpu.memref_slice %arg9[%mul3A_180] : memref<10000xi32, #tpu.memory_space<vmem>> -> memref<80xi32, #tpu.memory_space<vmem>>
      %dma_start3A_182 = arith.constant 0 : i32
      %dma_start3A_183 = arith.constant 0 : i32
      %dma_start3A_184 = tpu.memref_slice %arg2[%dma_start3A_182, %dma_start3A_183] : memref<10000x128xf32, #tpu.memory_space<hbm>> -> memref<10000x128xf32, #tpu.memory_space<hbm>>
      tpu.enqueue_indirect_dma source(%dma_start3A_184 : memref<10000x128xf32, #tpu.memory_space<hbm>>) target(%arg12 : memref<80x128xf32, #tpu.memory_space<vmem>>) offsets(%dma_start3A_181 : memref<80xi32, #tpu.memory_space<vmem>>) semaphore(%arg15 : memref<!tpu.dma_semaphore, #tpu.memory_space<semaphore_mem>>)
      %dma_wait3A_185 = tpu.memref_slice %arg9[%mul3A_166] : memref<10000xi32, #tpu.memory_space<vmem>> -> memref<80xi32, #tpu.memory_space<vmem>>
      %dma_wait3A_186 = arith.constant 0 : i32
      %dma_wait3A_187 = arith.constant 0 : i32
      %dma_wait3A_188 = tpu.memref_slice %arg2[%dma_wait3A_186, %dma_wait3A_187] : memref<10000x128xf32, #tpu.memory_space<hbm>> -> memref<10000x128xf32, #tpu.memory_space<hbm>>
      tpu.wait_indirect_dma semaphore(%arg14 : memref<!tpu.dma_semaphore, #tpu.memory_space<semaphore_mem>>) src(%dma_wait3A_188 : memref<10000x128xf32, #tpu.memory_space<hbm>>) dst(%arg11 : memref<80x128xf32, #tpu.memory_space<vmem>>)
      %add3A_189 = arith.constant 2 : i32
      %add3A_190 = arith.addi %mul3A_120, %add3A_189 : i32
      %dma_start3A_191 = arith.constant 0 : i32
      %dma_start3A_192 = tpu.memref_slice %arg10[%add3A_190, %dma_start3A_191] : memref<125x80xi32, #tpu.memory_space<vmem>> -> memref<1x80xi32, #tpu.memory_space<vmem>>
      %dma_start3A_193 = tpu.memref_squeeze %dma_start3A_192 : memref<1x80xi32, #tpu.memory_space<vmem>> -> memref<80xi32, #tpu.memory_space<vmem>>
      %dma_start3A_194 = arith.constant 0 : i32
      %dma_start3A_195 = arith.constant 0 : i32
      %dma_start3A_196 = tpu.memref_slice %arg13[%dma_start3A_194, %dma_start3A_195] : memref<10240x128xf32, #tpu.memory_space<vmem_shared>> -> memref<10240x128xf32, #tpu.memory_space<vmem_shared>>
      tpu.enqueue_indirect_dma source(%arg11 : memref<80x128xf32, #tpu.memory_space<vmem>>) target(%dma_start3A_196 : memref<10240x128xf32, #tpu.memory_space<vmem_shared>>) offsets(%dma_start3A_193 : memref<80xi32, #tpu.memory_space<vmem>>) semaphore(%arg14 : memref<!tpu.dma_semaphore, #tpu.memory_space<semaphore_mem>>) {add = true}
      %dma_wait3A_197 = tpu.memref_slice %arg9[%mul3A_180] : memref<10000xi32, #tpu.memory_space<vmem>> -> memref<80xi32, #tpu.memory_space<vmem>>
      %dma_wait3A_198 = arith.constant 0 : i32
      %dma_wait3A_199 = arith.constant 0 : i32
      %dma_wait3A_200 = tpu.memref_slice %arg2[%dma_wait3A_198, %dma_wait3A_199] : memref<10000x128xf32, #tpu.memory_space<hbm>> -> memref<10000x128xf32, #tpu.memory_space<hbm>>
      tpu.wait_indirect_dma semaphore(%arg15 : memref<!tpu.dma_semaphore, #tpu.memory_space<semaphore_mem>>) src(%dma_wait3A_200 : memref<10000x128xf32, #tpu.memory_space<hbm>>) dst(%arg12 : memref<80x128xf32, #tpu.memory_space<vmem>>)
      %add3A_201 = arith.constant 3 : i32
      %add3A_202 = arith.addi %mul3A_120, %add3A_201 : i32
      %dma_start3A_203 = arith.constant 0 : i32
      %dma_start3A_204 = tpu.memref_slice %arg10[%add3A_202, %dma_start3A_203] : memref<125x80xi32, #tpu.memory_space<vmem>> -> memref<1x80xi32, #tpu.memory_space<vmem>>
      %dma_start3A_205 = tpu.memref_squeeze %dma_start3A_204 : memref<1x80xi32, #tpu.memory_space<vmem>> -> memref<80xi32, #tpu.memory_space<vmem>>
      %dma_start3A_206 = arith.constant 0 : i32
      %dma_start3A_207 = arith.constant 0 : i32
      %dma_start3A_208 = tpu.memref_slice %arg13[%dma_start3A_206, %dma_start3A_207] : memref<10240x128xf32, #tpu.memory_space<vmem_shared>> -> memref<10240x128xf32, #tpu.memory_space<vmem_shared>>
      tpu.enqueue_indirect_dma source(%arg12 : memref<80x128xf32, #tpu.memory_space<vmem>>) target(%dma_start3A_208 : memref<10240x128xf32, #tpu.memory_space<vmem_shared>>) offsets(%dma_start3A_205 : memref<80xi32, #tpu.memory_space<vmem>>) semaphore(%arg15 : memref<!tpu.dma_semaphore, #tpu.memory_space<semaphore_mem>>) {add = true}
      %dma_wait3A_209 = arith.constant 0 : i32
      %dma_wait3A_210 = tpu.memref_slice %arg10[%add3A_190, %dma_wait3A_209] : memref<125x80xi32, #tpu.memory_space<vmem>> -> memref<1x80xi32, #tpu.memory_space<vmem>>
      %dma_wait3A_211 = tpu.memref_squeeze %dma_wait3A_210 : memref<1x80xi32, #tpu.memory_space<vmem>> -> memref<80xi32, #tpu.memory_space<vmem>>
      %dma_wait3A_212 = arith.constant 0 : i32
      %dma_wait3A_213 = arith.constant 0 : i32
      %dma_wait3A_214 = tpu.memref_slice %arg13[%dma_wait3A_212, %dma_wait3A_213] : memref<10240x128xf32, #tpu.memory_space<vmem_shared>> -> memref<10240x128xf32, #tpu.memory_space<vmem_shared>>
      tpu.wait_indirect_dma semaphore(%arg14 : memref<!tpu.dma_semaphore, #tpu.memory_space<semaphore_mem>>) src(%arg11 : memref<80x128xf32, #tpu.memory_space<vmem>>) dst(%dma_wait3A_214 : memref<10240x128xf32, #tpu.memory_space<vmem_shared>>)
      %dma_wait3A_215 = arith.constant 0 : i32
      %dma_wait3A_216 = tpu.memref_slice %arg10[%add3A_202, %dma_wait3A_215] : memref<125x80xi32, #tpu.memory_space<vmem>> -> memref<1x80xi32, #tpu.memory_space<vmem>>
      %dma_wait3A_217 = tpu.memref_squeeze %dma_wait3A_216 : memref<1x80xi32, #tpu.memory_space<vmem>> -> memref<80xi32, #tpu.memory_space<vmem>>
      %dma_wait3A_218 = arith.constant 0 : i32
      %dma_wait3A_219 = arith.constant 0 : i32
      %dma_wait3A_220 = tpu.memref_slice %arg13[%dma_wait3A_218, %dma_wait3A_219] : memref<10240x128xf32, #tpu.memory_space<vmem_shared>> -> memref<10240x128xf32, #tpu.memory_space<vmem_shared>>
      tpu.wait_indirect_dma semaphore(%arg15 : memref<!tpu.dma_semaphore, #tpu.memory_space<semaphore_mem>>) src(%arg12 : memref<80x128xf32, #tpu.memory_space<vmem>>) dst(%dma_wait3A_220 : memref<10240x128xf32, #tpu.memory_space<vmem_shared>>)
    }
    %scan3A_11 = arith.constant 31 : i32
    %dma_start3A = arith.constant 9920 : i32
    %dma_start3A_12 = tpu.memref_slice %arg9[%dma_start3A] : memref<10000xi32, #tpu.memory_space<vmem>> -> memref<80xi32, #tpu.memory_space<vmem>>
    %dma_start3A_13 = arith.constant 0 : i32
    %dma_start3A_14 = arith.constant 0 : i32
    %dma_start3A_15 = tpu.memref_slice %arg2[%dma_start3A_13, %dma_start3A_14] : memref<10000x128xf32, #tpu.memory_space<hbm>> -> memref<10000x128xf32, #tpu.memory_space<hbm>>
    tpu.enqueue_indirect_dma source(%dma_start3A_15 : memref<10000x128xf32, #tpu.memory_space<hbm>>) target(%arg11 : memref<80x128xf32, #tpu.memory_space<vmem>>) offsets(%dma_start3A_12 : memref<80xi32, #tpu.memory_space<vmem>>) semaphore(%arg14 : memref<!tpu.dma_semaphore, #tpu.memory_space<semaphore_mem>>)
    %dma_wait3A = arith.constant 9920 : i32
    %dma_wait3A_16 = tpu.memref_slice %arg9[%dma_wait3A] : memref<10000xi32, #tpu.memory_space<vmem>> -> memref<80xi32, #tpu.memory_space<vmem>>
    %dma_wait3A_17 = arith.constant 0 : i32
    %dma_wait3A_18 = arith.constant 0 : i32
    %dma_wait3A_19 = tpu.memref_slice %arg2[%dma_wait3A_17, %dma_wait3A_18] : memref<10000x128xf32, #tpu.memory_space<hbm>> -> memref<10000x128xf32, #tpu.memory_space<hbm>>
    tpu.wait_indirect_dma semaphore(%arg14 : memref<!tpu.dma_semaphore, #tpu.memory_space<semaphore_mem>>) src(%dma_wait3A_19 : memref<10000x128xf32, #tpu.memory_space<hbm>>) dst(%arg11 : memref<80x128xf32, #tpu.memory_space<vmem>>)
    %run_scoped3A = arith.constant 124 : i32
    "tpu.region"() ({
      %run_scoped3A_114 = tpu.sem_alloc : memref<!tpu.dma_semaphore, #tpu.memory_space<semaphore_mem>>
      %dma_start3A_115 = arith.constant 0 : i32
      %dma_start3A_116 = tpu.memref_slice %arg10[%run_scoped3A, %dma_start3A_115] : memref<125x80xi32, #tpu.memory_space<vmem>> -> memref<1x80xi32, #tpu.memory_space<vmem>>
      %dma_start3A_117 = tpu.memref_squeeze %dma_start3A_116 : memref<1x80xi32, #tpu.memory_space<vmem>> -> memref<80xi32, #tpu.memory_space<vmem>>
      %dma_start3A_118 = arith.constant 0 : i32
      %dma_start3A_119 = arith.constant 0 : i32
      %dma_start3A_120 = tpu.memref_slice %arg13[%dma_start3A_118, %dma_start3A_119] : memref<10240x128xf32, #tpu.memory_space<vmem_shared>> -> memref<10240x128xf32, #tpu.memory_space<vmem_shared>>
      tpu.enqueue_indirect_dma source(%arg11 : memref<80x128xf32, #tpu.memory_space<vmem>>) target(%dma_start3A_120 : memref<10240x128xf32, #tpu.memory_space<vmem_shared>>) offsets(%dma_start3A_117 : memref<80xi32, #tpu.memory_space<vmem>>) semaphore(%run_scoped3A_114 : memref<!tpu.dma_semaphore, #tpu.memory_space<semaphore_mem>>) {add = true}
      %dma_wait3A_121 = arith.constant 0 : i32
      %dma_wait3A_122 = tpu.memref_slice %arg10[%run_scoped3A, %dma_wait3A_121] : memref<125x80xi32, #tpu.memory_space<vmem>> -> memref<1x80xi32, #tpu.memory_space<vmem>>
      %dma_wait3A_123 = tpu.memref_squeeze %dma_wait3A_122 : memref<1x80xi32, #tpu.memory_space<vmem>> -> memref<80xi32, #tpu.memory_space<vmem>>
      %dma_wait3A_124 = arith.constant 0 : i32
      %dma_wait3A_125 = arith.constant 0 : i32
      %dma_wait3A_126 = tpu.memref_slice %arg13[%dma_wait3A_124, %dma_wait3A_125] : memref<10240x128xf32, #tpu.memory_space<vmem_shared>> -> memref<10240x128xf32, #tpu.memory_space<vmem_shared>>
      tpu.wait_indirect_dma semaphore(%run_scoped3A_114 : memref<!tpu.dma_semaphore, #tpu.memory_space<semaphore_mem>>) src(%arg11 : memref<80x128xf32, #tpu.memory_space<vmem>>) dst(%dma_wait3A_126 : memref<10240x128xf32, #tpu.memory_space<vmem_shared>>)
      tpu.yield
    }) : () -> ()
    %barrier3A_20 = arith.constant 0 : index
    tpu.barrier barrier_id(%barrier3A_20)
    %scan3A_21 = arith.constant 0 : i32
    %scan3A_22 = arith.constant 4 : i32
    %scan3A_23 = arith.addi %scan3A_21, %scan3A_22 : i32
    %scan3A_24 = arith.constant 1 : i32
    scf.for %scan3A_114 = %scan3A_21 to %scan3A_23 step %scan3A_24  : i32 {
      %mul3A_115 = arith.constant 1 : i32
      %mul3A_116 = arith.muli %scan3A_114, %mul3A_115 : i32
      %add3A_117 = arith.constant 0 : i32
      %add3A_118 = arith.addi %add3A_117, %mul3A_116 : i32
      %mul3A_119 = arith.constant 2 : i32
      %mul3A_120 = arith.muli %mul3A_119, %add3A_118 : i32
      %mul3A_121 = arith.constant 80 : i32
      %mul3A_122 = arith.muli %mul3A_120, %mul3A_121 : i32
      %add3A_123 = arith.addi %mul3A_2, %mul3A_122 : i32
      %add3A_124 = arith.constant 80 : i32
      %add3A_125 = arith.addi %add3A_123, %add3A_124 : i32
      %dma_start3A_126 = arith.constant 0 : i32
      %dma_start3A_127 = tpu.memref_slice %arg13[%add3A_123, %dma_start3A_126] : memref<10240x128xf32, #tpu.memory_space<vmem_shared>> -> memref<80x128xf32, #tpu.memory_space<vmem_shared>>
      %dma_start3A_128 = arith.constant 0 : i32
      %dma_start3A_129 = tpu.memref_slice %arg13[%add3A_123, %dma_start3A_128] : memref<10240x128xf32, #tpu.memory_space<vmem_shared>> -> memref<80x128xf32, #tpu.memory_space<vmem_shared>>
      tpu.enqueue_dma source(%dma_start3A_129 : memref<80x128xf32, #tpu.memory_space<vmem_shared>>) target(%arg11 : memref<80x128xf32, #tpu.memory_space<vmem>>) target_semaphore(%arg14 : memref<!tpu.dma_semaphore, #tpu.memory_space<semaphore_mem>>)
      %dma_start3A_130 = arith.constant 0 : i32
      %dma_start3A_131 = tpu.memref_slice %arg13[%add3A_125, %dma_start3A_130] : memref<10240x128xf32, #tpu.memory_space<vmem_shared>> -> memref<80x128xf32, #tpu.memory_space<vmem_shared>>
      %dma_start3A_132 = arith.constant 0 : i32
      %dma_start3A_133 = tpu.memref_slice %arg13[%add3A_125, %dma_start3A_132] : memref<10240x128xf32, #tpu.memory_space<vmem_shared>> -> memref<80x128xf32, #tpu.memory_space<vmem_shared>>
      tpu.enqueue_dma source(%dma_start3A_133 : memref<80x128xf32, #tpu.memory_space<vmem_shared>>) target(%arg12 : memref<80x128xf32, #tpu.memory_space<vmem>>) target_semaphore(%arg15 : memref<!tpu.dma_semaphore, #tpu.memory_space<semaphore_mem>>)
      %dma_wait3A_134 = arith.constant 0 : i32
      %dma_wait3A_135 = tpu.memref_slice %arg13[%add3A_123, %dma_wait3A_134] : memref<10240x128xf32, #tpu.memory_space<vmem_shared>> -> memref<80x128xf32, #tpu.memory_space<vmem_shared>>
      %dma_wait3A_136 = arith.constant 0 : i32
      %dma_wait3A_137 = tpu.memref_slice %arg13[%add3A_123, %dma_wait3A_136] : memref<10240x128xf32, #tpu.memory_space<vmem_shared>> -> memref<80x128xf32, #tpu.memory_space<vmem_shared>>
      tpu.wait_dma2 semaphore(%arg14 : memref<!tpu.dma_semaphore, #tpu.memory_space<semaphore_mem>>) src(%dma_wait3A_137 : memref<80x128xf32, #tpu.memory_space<vmem_shared>>) dst(%arg11 : memref<80x128xf32, #tpu.memory_space<vmem>>)
      %dma_start3A_138 = arith.constant 0 : i32
      %dma_start3A_139 = arith.constant 0 : i32
      %dma_start3A_140 = tpu.memref_slice %arg7[%arg0, %dma_start3A_138, %dma_start3A_139] : memref<2x10240x128xf32, #tpu.memory_space<hbm>> -> memref<1x10240x128xf32, #tpu.memory_space<hbm>>
      %dma_start3A_141 = tpu.memref_squeeze %dma_start3A_140 : memref<1x10240x128xf32, #tpu.memory_space<hbm>> -> memref<10240x128xf32, #tpu.memory_space<hbm>>
      %dma_start3A_142 = arith.constant 0 : i32
      %dma_start3A_143 = tpu.memref_slice %dma_start3A_141[%add3A_123, %dma_start3A_142] : memref<10240x128xf32, #tpu.memory_space<hbm>> -> memref<80x128xf32, #tpu.memory_space<hbm>>
      %dma_start3A_144 = arith.constant 0 : i32
      %dma_start3A_145 = arith.constant 0 : i32
      %dma_start3A_146 = tpu.memref_slice %arg7[%arg0, %dma_start3A_144, %dma_start3A_145] : memref<2x10240x128xf32, #tpu.memory_space<hbm>> -> memref<1x10240x128xf32, #tpu.memory_space<hbm>>
      %dma_start3A_147 = tpu.memref_squeeze %dma_start3A_146 : memref<1x10240x128xf32, #tpu.memory_space<hbm>> -> memref<10240x128xf32, #tpu.memory_space<hbm>>
      %dma_start3A_148 = arith.constant 0 : i32
      %dma_start3A_149 = tpu.memref_slice %dma_start3A_147[%add3A_123, %dma_start3A_148] : memref<10240x128xf32, #tpu.memory_space<hbm>> -> memref<80x128xf32, #tpu.memory_space<hbm>>
      tpu.enqueue_dma source(%arg11 : memref<80x128xf32, #tpu.memory_space<vmem>>) target(%dma_start3A_149 : memref<80x128xf32, #tpu.memory_space<hbm>>) target_semaphore(%arg14 : memref<!tpu.dma_semaphore, #tpu.memory_space<semaphore_mem>>)
      %dma_wait3A_150 = arith.constant 0 : i32
      %dma_wait3A_151 = tpu.memref_slice %arg13[%add3A_125, %dma_wait3A_150] : memref<10240x128xf32, #tpu.memory_space<vmem_shared>> -> memref<80x128xf32, #tpu.memory_space<vmem_shared>>
      %dma_wait3A_152 = arith.constant 0 : i32
      %dma_wait3A_153 = tpu.memref_slice %arg13[%add3A_125, %dma_wait3A_152] : memref<10240x128xf32, #tpu.memory_space<vmem_shared>> -> memref<80x128xf32, #tpu.memory_space<vmem_shared>>
      tpu.wait_dma2 semaphore(%arg15 : memref<!tpu.dma_semaphore, #tpu.memory_space<semaphore_mem>>) src(%dma_wait3A_153 : memref<80x128xf32, #tpu.memory_space<vmem_shared>>) dst(%arg12 : memref<80x128xf32, #tpu.memory_space<vmem>>)
      %dma_start3A_154 = arith.constant 0 : i32
      %dma_start3A_155 = arith.constant 0 : i32
      %dma_start3A_156 = tpu.memref_slice %arg7[%arg0, %dma_start3A_154, %dma_start3A_155] : memref<2x10240x128xf32, #tpu.memory_space<hbm>> -> memref<1x10240x128xf32, #tpu.memory_space<hbm>>
      %dma_start3A_157 = tpu.memref_squeeze %dma_start3A_156 : memref<1x10240x128xf32, #tpu.memory_space<hbm>> -> memref<10240x128xf32, #tpu.memory_space<hbm>>
      %dma_start3A_158 = arith.constant 0 : i32
      %dma_start3A_159 = tpu.memref_slice %dma_start3A_157[%add3A_125, %dma_start3A_158] : memref<10240x128xf32, #tpu.memory_space<hbm>> -> memref<80x128xf32, #tpu.memory_space<hbm>>
      %dma_start3A_160 = arith.constant 0 : i32
      %dma_start3A_161 = arith.constant 0 : i32
      %dma_start3A_162 = tpu.memref_slice %arg7[%arg0, %dma_start3A_160, %dma_start3A_161] : memref<2x10240x128xf32, #tpu.memory_space<hbm>> -> memref<1x10240x128xf32, #tpu.memory_space<hbm>>
      %dma_start3A_163 = tpu.memref_squeeze %dma_start3A_162 : memref<1x10240x128xf32, #tpu.memory_space<hbm>> -> memref<10240x128xf32, #tpu.memory_space<hbm>>
      %dma_start3A_164 = arith.constant 0 : i32
      %dma_start3A_165 = tpu.memref_slice %dma_start3A_163[%add3A_125, %dma_start3A_164] : memref<10240x128xf32, #tpu.memory_space<hbm>> -> memref<80x128xf32, #tpu.memory_space<hbm>>
      tpu.enqueue_dma source(%arg12 : memref<80x128xf32, #tpu.memory_space<vmem>>) target(%dma_start3A_165 : memref<80x128xf32, #tpu.memory_space<hbm>>) target_semaphore(%arg15 : memref<!tpu.dma_semaphore, #tpu.memory_space<semaphore_mem>>)
      %dma_wait3A_166 = arith.constant 0 : i32
      %dma_wait3A_167 = arith.constant 0 : i32
      %dma_wait3A_168 = tpu.memref_slice %arg7[%arg0, %dma_wait3A_166, %dma_wait3A_167] : memref<2x10240x128xf32, #tpu.memory_space<hbm>> -> memref<1x10240x128xf32, #tpu.memory_space<hbm>>
      %dma_wait3A_169 = tpu.memref_squeeze %dma_wait3A_168 : memref<1x10240x128xf32, #tpu.memory_space<hbm>> -> memref<10240x128xf32, #tpu.memory_space<hbm>>
      %dma_wait3A_170 = arith.constant 0 : i32
      %dma_wait3A_171 = tpu.memref_slice %dma_wait3A_169[%add3A_123, %dma_wait3A_170] : memref<10240x128xf32, #tpu.memory_space<hbm>> -> memref<80x128xf32, #tpu.memory_space<hbm>>
      %dma_wait3A_172 = arith.constant 0 : i32
      %dma_wait3A_173 = arith.constant 0 : i32
      %dma_wait3A_174 = tpu.memref_slice %arg7[%arg0, %dma_wait3A_172, %dma_wait3A_173] : memref<2x10240x128xf32, #tpu.memory_space<hbm>> -> memref<1x10240x128xf32, #tpu.memory_space<hbm>>
      %dma_wait3A_175 = tpu.memref_squeeze %dma_wait3A_174 : memref<1x10240x128xf32, #tpu.memory_space<hbm>> -> memref<10240x128xf32, #tpu.memory_space<hbm>>
      %dma_wait3A_176 = arith.constant 0 : i32
      %dma_wait3A_177 = tpu.memref_slice %dma_wait3A_175[%add3A_123, %dma_wait3A_176] : memref<10240x128xf32, #tpu.memory_space<hbm>> -> memref<80x128xf32, #tpu.memory_space<hbm>>
      tpu.wait_dma2 semaphore(%arg14 : memref<!tpu.dma_semaphore, #tpu.memory_space<semaphore_mem>>) src(%arg11 : memref<80x128xf32, #tpu.memory_space<vmem>>) dst(%dma_wait3A_177 : memref<80x128xf32, #tpu.memory_space<hbm>>)
      %dma_wait3A_178 = arith.constant 0 : i32
      %dma_wait3A_179 = arith.constant 0 : i32
      %dma_wait3A_180 = tpu.memref_slice %arg7[%arg0, %dma_wait3A_178, %dma_wait3A_179] : memref<2x10240x128xf32, #tpu.memory_space<hbm>> -> memref<1x10240x128xf32, #tpu.memory_space<hbm>>
      %dma_wait3A_181 = tpu.memref_squeeze %dma_wait3A_180 : memref<1x10240x128xf32, #tpu.memory_space<hbm>> -> memref<10240x128xf32, #tpu.memory_space<hbm>>
      %dma_wait3A_182 = arith.constant 0 : i32
      %dma_wait3A_183 = tpu.memref_slice %dma_wait3A_181[%add3A_125, %dma_wait3A_182] : memref<10240x128xf32, #tpu.memory_space<hbm>> -> memref<80x128xf32, #tpu.memory_space<hbm>>
      %dma_wait3A_184 = arith.constant 0 : i32
      %dma_wait3A_185 = arith.constant 0 : i32
      %dma_wait3A_186 = tpu.memref_slice %arg7[%arg0, %dma_wait3A_184, %dma_wait3A_185] : memref<2x10240x128xf32, #tpu.memory_space<hbm>> -> memref<1x10240x128xf32, #tpu.memory_space<hbm>>
      %dma_wait3A_187 = tpu.memref_squeeze %dma_wait3A_186 : memref<1x10240x128xf32, #tpu.memory_space<hbm>> -> memref<10240x128xf32, #tpu.memory_space<hbm>>
      %dma_wait3A_188 = arith.constant 0 : i32
      %dma_wait3A_189 = tpu.memref_slice %dma_wait3A_187[%add3A_125, %dma_wait3A_188] : memref<10240x128xf32, #tpu.memory_space<hbm>> -> memref<80x128xf32, #tpu.memory_space<hbm>>
      tpu.wait_dma2 semaphore(%arg15 : memref<!tpu.dma_semaphore, #tpu.memory_space<semaphore_mem>>) src(%arg12 : memref<80x128xf32, #tpu.memory_space<vmem>>) dst(%dma_wait3A_189 : memref<80x128xf32, #tpu.memory_space<hbm>>)
    }
    %scan3A_25 = arith.constant 4 : i32
    %barrier3A_26 = arith.constant 0 : index
    tpu.barrier barrier_id(%barrier3A_26)
    %scan3A_27 = arith.constant 0 : i32
    %scan3A_28 = arith.constant 4 : i32
    %scan3A_29 = arith.addi %scan3A_27, %scan3A_28 : i32
    %scan3A_30 = arith.constant 1 : i32
    scf.for %scan3A_114 = %scan3A_27 to %scan3A_29 step %scan3A_30  : i32 {
      %mul3A_115 = arith.constant 1 : i32
      %mul3A_116 = arith.muli %scan3A_114, %mul3A_115 : i32
      %add3A_117 = arith.constant 0 : i32
      %add3A_118 = arith.addi %add3A_117, %mul3A_116 : i32
      %mul3A_119 = arith.constant 2 : i32
      %mul3A_120 = arith.muli %mul3A_119, %add3A_118 : i32
      %mul3A_121 = arith.constant 80 : i32
      %mul3A_122 = arith.muli %mul3A_120, %mul3A_121 : i32
      %add3A_123 = arith.addi %mul3A_2, %mul3A_122 : i32
      %add3A_124 = arith.constant 80 : i32
      %add3A_125 = arith.addi %add3A_123, %add3A_124 : i32
      %dma_start3A_126 = arith.constant 0 : i32
      %dma_start3A_127 = tpu.memref_slice %arg5[%add3A_123, %dma_start3A_126] : memref<10240x128xf32, #tpu.memory_space<hbm>> -> memref<80x128xf32, #tpu.memory_space<hbm>>
      %dma_start3A_128 = arith.constant 0 : i32
      %dma_start3A_129 = tpu.memref_slice %arg5[%add3A_123, %dma_start3A_128] : memref<10240x128xf32, #tpu.memory_space<hbm>> -> memref<80x128xf32, #tpu.memory_space<hbm>>
      tpu.enqueue_dma source(%dma_start3A_129 : memref<80x128xf32, #tpu.memory_space<hbm>>) target(%arg11 : memref<80x128xf32, #tpu.memory_space<vmem>>) target_semaphore(%arg14 : memref<!tpu.dma_semaphore, #tpu.memory_space<semaphore_mem>>)
      %dma_start3A_130 = arith.constant 0 : i32
      %dma_start3A_131 = tpu.memref_slice %arg5[%add3A_125, %dma_start3A_130] : memref<10240x128xf32, #tpu.memory_space<hbm>> -> memref<80x128xf32, #tpu.memory_space<hbm>>
      %dma_start3A_132 = arith.constant 0 : i32
      %dma_start3A_133 = tpu.memref_slice %arg5[%add3A_125, %dma_start3A_132] : memref<10240x128xf32, #tpu.memory_space<hbm>> -> memref<80x128xf32, #tpu.memory_space<hbm>>
      tpu.enqueue_dma source(%dma_start3A_133 : memref<80x128xf32, #tpu.memory_space<hbm>>) target(%arg12 : memref<80x128xf32, #tpu.memory_space<vmem>>) target_semaphore(%arg15 : memref<!tpu.dma_semaphore, #tpu.memory_space<semaphore_mem>>)
      %dma_wait3A_134 = arith.constant 0 : i32
      %dma_wait3A_135 = tpu.memref_slice %arg5[%add3A_123, %dma_wait3A_134] : memref<10240x128xf32, #tpu.memory_space<hbm>> -> memref<80x128xf32, #tpu.memory_space<hbm>>
      %dma_wait3A_136 = arith.constant 0 : i32
      %dma_wait3A_137 = tpu.memref_slice %arg5[%add3A_123, %dma_wait3A_136] : memref<10240x128xf32, #tpu.memory_space<hbm>> -> memref<80x128xf32, #tpu.memory_space<hbm>>
      tpu.wait_dma2 semaphore(%arg14 : memref<!tpu.dma_semaphore, #tpu.memory_space<semaphore_mem>>) src(%dma_wait3A_137 : memref<80x128xf32, #tpu.memory_space<hbm>>) dst(%arg11 : memref<80x128xf32, #tpu.memory_space<vmem>>)
      %dma_start3A_138 = arith.constant 0 : i32
      %dma_start3A_139 = tpu.memref_slice %arg13[%add3A_123, %dma_start3A_138] : memref<10240x128xf32, #tpu.memory_space<vmem_shared>> -> memref<80x128xf32, #tpu.memory_space<vmem_shared>>
      %dma_start3A_140 = arith.constant 0 : i32
      %dma_start3A_141 = tpu.memref_slice %arg13[%add3A_123, %dma_start3A_140] : memref<10240x128xf32, #tpu.memory_space<vmem_shared>> -> memref<80x128xf32, #tpu.memory_space<vmem_shared>>
      tpu.enqueue_dma source(%arg11 : memref<80x128xf32, #tpu.memory_space<vmem>>) target(%dma_start3A_141 : memref<80x128xf32, #tpu.memory_space<vmem_shared>>) target_semaphore(%arg14 : memref<!tpu.dma_semaphore, #tpu.memory_space<semaphore_mem>>)
      %dma_wait3A_142 = arith.constant 0 : i32
      %dma_wait3A_143 = tpu.memref_slice %arg5[%add3A_125, %dma_wait3A_142] : memref<10240x128xf32, #tpu.memory_space<hbm>> -> memref<80x128xf32, #tpu.memory_space<hbm>>
      %dma_wait3A_144 = arith.constant 0 : i32
      %dma_wait3A_145 = tpu.memref_slice %arg5[%add3A_125, %dma_wait3A_144] : memref<10240x128xf32, #tpu.memory_space<hbm>> -> memref<80x128xf32, #tpu.memory_space<hbm>>
      tpu.wait_dma2 semaphore(%arg15 : memref<!tpu.dma_semaphore, #tpu.memory_space<semaphore_mem>>) src(%dma_wait3A_145 : memref<80x128xf32, #tpu.memory_space<hbm>>) dst(%arg12 : memref<80x128xf32, #tpu.memory_space<vmem>>)
      %dma_start3A_146 = arith.constant 0 : i32
      %dma_start3A_147 = tpu.memref_slice %arg13[%add3A_125, %dma_start3A_146] : memref<10240x128xf32, #tpu.memory_space<vmem_shared>> -> memref<80x128xf32, #tpu.memory_space<vmem_shared>>
      %dma_start3A_148 = arith.constant 0 : i32
      %dma_start3A_149 = tpu.memref_slice %arg13[%add3A_125, %dma_start3A_148] : memref<10240x128xf32, #tpu.memory_space<vmem_shared>> -> memref<80x128xf32, #tpu.memory_space<vmem_shared>>
      tpu.enqueue_dma source(%arg12 : memref<80x128xf32, #tpu.memory_space<vmem>>) target(%dma_start3A_149 : memref<80x128xf32, #tpu.memory_space<vmem_shared>>) target_semaphore(%arg15 : memref<!tpu.dma_semaphore, #tpu.memory_space<semaphore_mem>>)
      %dma_wait3A_150 = arith.constant 0 : i32
      %dma_wait3A_151 = tpu.memref_slice %arg13[%add3A_123, %dma_wait3A_150] : memref<10240x128xf32, #tpu.memory_space<vmem_shared>> -> memref<80x128xf32, #tpu.memory_space<vmem_shared>>
      %dma_wait3A_152 = arith.constant 0 : i32
      %dma_wait3A_153 = tpu.memref_slice %arg13[%add3A_123, %dma_wait3A_152] : memref<10240x128xf32, #tpu.memory_space<vmem_shared>> -> memref<80x128xf32, #tpu.memory_space<vmem_shared>>
      tpu.wait_dma2 semaphore(%arg14 : memref<!tpu.dma_semaphore, #tpu.memory_space<semaphore_mem>>) src(%arg11 : memref<80x128xf32, #tpu.memory_space<vmem>>) dst(%dma_wait3A_153 : memref<80x128xf32, #tpu.memory_space<vmem_shared>>)
      %dma_wait3A_154 = arith.constant 0 : i32
      %dma_wait3A_155 = tpu.memref_slice %arg13[%add3A_125, %dma_wait3A_154] : memref<10240x128xf32, #tpu.memory_space<vmem_shared>> -> memref<80x128xf32, #tpu.memory_space<vmem_shared>>
      %dma_wait3A_156 = arith.constant 0 : i32
      %dma_wait3A_157 = tpu.memref_slice %arg13[%add3A_125, %dma_wait3A_156] : memref<10240x128xf32, #tpu.memory_space<vmem_shared>> -> memref<80x128xf32, #tpu.memory_space<vmem_shared>>
      tpu.wait_dma2 semaphore(%arg15 : memref<!tpu.dma_semaphore, #tpu.memory_space<semaphore_mem>>) src(%arg12 : memref<80x128xf32, #tpu.memory_space<vmem>>) dst(%dma_wait3A_157 : memref<80x128xf32, #tpu.memory_space<vmem_shared>>)
    }
    %scan3A_31 = arith.constant 4 : i32
    "tpu.region"() ({
      %run_scoped3A_114 = tpu.sem_alloc : memref<!tpu.dma_semaphore, #tpu.memory_space<semaphore_mem>>
      tpu.enqueue_dma source(%arg6 : memref<80x128xf32, #tpu.memory_space<hbm>>) target(%arg11 : memref<80x128xf32, #tpu.memory_space<vmem>>) target_semaphore(%run_scoped3A_114 : memref<!tpu.dma_semaphore, #tpu.memory_space<semaphore_mem>>)
      tpu.wait_dma2 semaphore(%run_scoped3A_114 : memref<!tpu.dma_semaphore, #tpu.memory_space<semaphore_mem>>) src(%arg6 : memref<80x128xf32, #tpu.memory_space<hbm>>) dst(%arg11 : memref<80x128xf32, #tpu.memory_space<vmem>>)
      tpu.yield
    }) : () -> ()
    %barrier3A_32 = arith.constant 0 : index
    tpu.barrier barrier_id(%barrier3A_32)
    %scan3A_33 = arith.constant 0 : i32
    %scan3A_34 = arith.constant 12 : i32
    %scan3A_35 = arith.addi %scan3A_33, %scan3A_34 : i32
    %scan3A_36 = arith.constant 1 : i32
    scf.for %scan3A_114 = %scan3A_33 to %scan3A_35 step %scan3A_36  : i32 {
      %mul3A_115 = arith.constant 1 : i32
      %mul3A_116 = arith.muli %scan3A_114, %mul3A_115 : i32
      %add3A_117 = arith.constant 0 : i32
      %add3A_118 = arith.addi %add3A_117, %mul3A_116 : i32
      %mul3A_119 = arith.constant 10 : i32
      %mul3A_120 = arith.muli %mul3A_119, %add3A_118 : i32
      %add3A_121 = arith.constant 0 : i32
      %add3A_122 = arith.addi %mul3A_120, %add3A_121 : i32
      %dma_start3A_123 = arith.constant 0 : i32
      %dma_start3A_124 = tpu.memref_slice %arg10[%add3A_122, %dma_start3A_123] : memref<125x80xi32, #tpu.memory_space<vmem>> -> memref<1x80xi32, #tpu.memory_space<vmem>>
      %dma_start3A_125 = tpu.memref_squeeze %dma_start3A_124 : memref<1x80xi32, #tpu.memory_space<vmem>> -> memref<80xi32, #tpu.memory_space<vmem>>
      %dma_start3A_126 = arith.constant 0 : i32
      %dma_start3A_127 = arith.constant 0 : i32
      %dma_start3A_128 = tpu.memref_slice %arg13[%dma_start3A_126, %dma_start3A_127] : memref<10240x128xf32, #tpu.memory_space<vmem_shared>> -> memref<10240x128xf32, #tpu.memory_space<vmem_shared>>
      tpu.enqueue_indirect_dma source(%arg11 : memref<80x128xf32, #tpu.memory_space<vmem>>) target(%dma_start3A_128 : memref<10240x128xf32, #tpu.memory_space<vmem_shared>>) offsets(%dma_start3A_125 : memref<80xi32, #tpu.memory_space<vmem>>) semaphore(%arg14 : memref<!tpu.dma_semaphore, #tpu.memory_space<semaphore_mem>>) {add = true}
      %mul3A_129 = arith.constant 10 : i32
      %mul3A_130 = arith.muli %mul3A_129, %add3A_118 : i32
      %add3A_131 = arith.constant 1 : i32
      %add3A_132 = arith.addi %mul3A_130, %add3A_131 : i32
      %dma_start3A_133 = arith.constant 0 : i32
      %dma_start3A_134 = tpu.memref_slice %arg10[%add3A_132, %dma_start3A_133] : memref<125x80xi32, #tpu.memory_space<vmem>> -> memref<1x80xi32, #tpu.memory_space<vmem>>
      %dma_start3A_135 = tpu.memref_squeeze %dma_start3A_134 : memref<1x80xi32, #tpu.memory_space<vmem>> -> memref<80xi32, #tpu.memory_space<vmem>>
      %dma_start3A_136 = arith.constant 0 : i32
      %dma_start3A_137 = arith.constant 0 : i32
      %dma_start3A_138 = tpu.memref_slice %arg13[%dma_start3A_136, %dma_start3A_137] : memref<10240x128xf32, #tpu.memory_space<vmem_shared>> -> memref<10240x128xf32, #tpu.memory_space<vmem_shared>>
      tpu.enqueue_indirect_dma source(%arg11 : memref<80x128xf32, #tpu.memory_space<vmem>>) target(%dma_start3A_138 : memref<10240x128xf32, #tpu.memory_space<vmem_shared>>) offsets(%dma_start3A_135 : memref<80xi32, #tpu.memory_space<vmem>>) semaphore(%arg14 : memref<!tpu.dma_semaphore, #tpu.memory_space<semaphore_mem>>) {add = true}
      %mul3A_139 = arith.constant 10 : i32
      %mul3A_140 = arith.muli %mul3A_139, %add3A_118 : i32
      %add3A_141 = arith.constant 2 : i32
      %add3A_142 = arith.addi %mul3A_140, %add3A_141 : i32
      %dma_start3A_143 = arith.constant 0 : i32
      %dma_start3A_144 = tpu.memref_slice %arg10[%add3A_142, %dma_start3A_143] : memref<125x80xi32, #tpu.memory_space<vmem>> -> memref<1x80xi32, #tpu.memory_space<vmem>>
      %dma_start3A_145 = tpu.memref_squeeze %dma_start3A_144 : memref<1x80xi32, #tpu.memory_space<vmem>> -> memref<80xi32, #tpu.memory_space<vmem>>
      %dma_start3A_146 = arith.constant 0 : i32
      %dma_start3A_147 = arith.constant 0 : i32
      %dma_start3A_148 = tpu.memref_slice %arg13[%dma_start3A_146, %dma_start3A_147] : memref<10240x128xf32, #tpu.memory_space<vmem_shared>> -> memref<10240x128xf32, #tpu.memory_space<vmem_shared>>
      tpu.enqueue_indirect_dma source(%arg11 : memref<80x128xf32, #tpu.memory_space<vmem>>) target(%dma_start3A_148 : memref<10240x128xf32, #tpu.memory_space<vmem_shared>>) offsets(%dma_start3A_145 : memref<80xi32, #tpu.memory_space<vmem>>) semaphore(%arg14 : memref<!tpu.dma_semaphore, #tpu.memory_space<semaphore_mem>>) {add = true}
      %mul3A_149 = arith.constant 10 : i32
      %mul3A_150 = arith.muli %mul3A_149, %add3A_118 : i32
      %add3A_151 = arith.constant 3 : i32
      %add3A_152 = arith.addi %mul3A_150, %add3A_151 : i32
      %dma_start3A_153 = arith.constant 0 : i32
      %dma_start3A_154 = tpu.memref_slice %arg10[%add3A_152, %dma_start3A_153] : memref<125x80xi32, #tpu.memory_space<vmem>> -> memref<1x80xi32, #tpu.memory_space<vmem>>
      %dma_start3A_155 = tpu.memref_squeeze %dma_start3A_154 : memref<1x80xi32, #tpu.memory_space<vmem>> -> memref<80xi32, #tpu.memory_space<vmem>>
      %dma_start3A_156 = arith.constant 0 : i32
      %dma_start3A_157 = arith.constant 0 : i32
      %dma_start3A_158 = tpu.memref_slice %arg13[%dma_start3A_156, %dma_start3A_157] : memref<10240x128xf32, #tpu.memory_space<vmem_shared>> -> memref<10240x128xf32, #tpu.memory_space<vmem_shared>>
      tpu.enqueue_indirect_dma source(%arg11 : memref<80x128xf32, #tpu.memory_space<vmem>>) target(%dma_start3A_158 : memref<10240x128xf32, #tpu.memory_space<vmem_shared>>) offsets(%dma_start3A_155 : memref<80xi32, #tpu.memory_space<vmem>>) semaphore(%arg14 : memref<!tpu.dma_semaphore, #tpu.memory_space<semaphore_mem>>) {add = true}
      %mul3A_159 = arith.constant 10 : i32
      %mul3A_160 = arith.muli %mul3A_159, %add3A_118 : i32
      %add3A_161 = arith.constant 4 : i32
      %add3A_162 = arith.addi %mul3A_160, %add3A_161 : i32
      %dma_start3A_163 = arith.constant 0 : i32
      %dma_start3A_164 = tpu.memref_slice %arg10[%add3A_162, %dma_start3A_163] : memref<125x80xi32, #tpu.memory_space<vmem>> -> memref<1x80xi32, #tpu.memory_space<vmem>>
      %dma_start3A_165 = tpu.memref_squeeze %dma_start3A_164 : memref<1x80xi32, #tpu.memory_space<vmem>> -> memref<80xi32, #tpu.memory_space<vmem>>
      %dma_start3A_166 = arith.constant 0 : i32
      %dma_start3A_167 = arith.constant 0 : i32
      %dma_start3A_168 = tpu.memref_slice %arg13[%dma_start3A_166, %dma_start3A_167] : memref<10240x128xf32, #tpu.memory_space<vmem_shared>> -> memref<10240x128xf32, #tpu.memory_space<vmem_shared>>
      tpu.enqueue_indirect_dma source(%arg11 : memref<80x128xf32, #tpu.memory_space<vmem>>) target(%dma_start3A_168 : memref<10240x128xf32, #tpu.memory_space<vmem_shared>>) offsets(%dma_start3A_165 : memref<80xi32, #tpu.memory_space<vmem>>) semaphore(%arg14 : memref<!tpu.dma_semaphore, #tpu.memory_space<semaphore_mem>>) {add = true}
      %mul3A_169 = arith.constant 10 : i32
      %mul3A_170 = arith.muli %mul3A_169, %add3A_118 : i32
      %add3A_171 = arith.constant 5 : i32
      %add3A_172 = arith.addi %mul3A_170, %add3A_171 : i32
      %dma_start3A_173 = arith.constant 0 : i32
      %dma_start3A_174 = tpu.memref_slice %arg10[%add3A_172, %dma_start3A_173] : memref<125x80xi32, #tpu.memory_space<vmem>> -> memref<1x80xi32, #tpu.memory_space<vmem>>
      %dma_start3A_175 = tpu.memref_squeeze %dma_start3A_174 : memref<1x80xi32, #tpu.memory_space<vmem>> -> memref<80xi32, #tpu.memory_space<vmem>>
      %dma_start3A_176 = arith.constant 0 : i32
      %dma_start3A_177 = arith.constant 0 : i32
      %dma_start3A_178 = tpu.memref_slice %arg13[%dma_start3A_176, %dma_start3A_177] : memref<10240x128xf32, #tpu.memory_space<vmem_shared>> -> memref<10240x128xf32, #tpu.memory_space<vmem_shared>>
      tpu.enqueue_indirect_dma source(%arg11 : memref<80x128xf32, #tpu.memory_space<vmem>>) target(%dma_start3A_178 : memref<10240x128xf32, #tpu.memory_space<vmem_shared>>) offsets(%dma_start3A_175 : memref<80xi32, #tpu.memory_space<vmem>>) semaphore(%arg14 : memref<!tpu.dma_semaphore, #tpu.memory_space<semaphore_mem>>) {add = true}
      %mul3A_179 = arith.constant 10 : i32
      %mul3A_180 = arith.muli %mul3A_179, %add3A_118 : i32
      %add3A_181 = arith.constant 6 : i32
      %add3A_182 = arith.addi %mul3A_180, %add3A_181 : i32
      %dma_start3A_183 = arith.constant 0 : i32
      %dma_start3A_184 = tpu.memref_slice %arg10[%add3A_182, %dma_start3A_183] : memref<125x80xi32, #tpu.memory_space<vmem>> -> memref<1x80xi32, #tpu.memory_space<vmem>>
      %dma_start3A_185 = tpu.memref_squeeze %dma_start3A_184 : memref<1x80xi32, #tpu.memory_space<vmem>> -> memref<80xi32, #tpu.memory_space<vmem>>
      %dma_start3A_186 = arith.constant 0 : i32
      %dma_start3A_187 = arith.constant 0 : i32
      %dma_start3A_188 = tpu.memref_slice %arg13[%dma_start3A_186, %dma_start3A_187] : memref<10240x128xf32, #tpu.memory_space<vmem_shared>> -> memref<10240x128xf32, #tpu.memory_space<vmem_shared>>
      tpu.enqueue_indirect_dma source(%arg11 : memref<80x128xf32, #tpu.memory_space<vmem>>) target(%dma_start3A_188 : memref<10240x128xf32, #tpu.memory_space<vmem_shared>>) offsets(%dma_start3A_185 : memref<80xi32, #tpu.memory_space<vmem>>) semaphore(%arg14 : memref<!tpu.dma_semaphore, #tpu.memory_space<semaphore_mem>>) {add = true}
      %mul3A_189 = arith.constant 10 : i32
      %mul3A_190 = arith.muli %mul3A_189, %add3A_118 : i32
      %add3A_191 = arith.constant 7 : i32
      %add3A_192 = arith.addi %mul3A_190, %add3A_191 : i32
      %dma_start3A_193 = arith.constant 0 : i32
      %dma_start3A_194 = tpu.memref_slice %arg10[%add3A_192, %dma_start3A_193] : memref<125x80xi32, #tpu.memory_space<vmem>> -> memref<1x80xi32, #tpu.memory_space<vmem>>
      %dma_start3A_195 = tpu.memref_squeeze %dma_start3A_194 : memref<1x80xi32, #tpu.memory_space<vmem>> -> memref<80xi32, #tpu.memory_space<vmem>>
      %dma_start3A_196 = arith.constant 0 : i32
      %dma_start3A_197 = arith.constant 0 : i32
      %dma_start3A_198 = tpu.memref_slice %arg13[%dma_start3A_196, %dma_start3A_197] : memref<10240x128xf32, #tpu.memory_space<vmem_shared>> -> memref<10240x128xf32, #tpu.memory_space<vmem_shared>>
      tpu.enqueue_indirect_dma source(%arg11 : memref<80x128xf32, #tpu.memory_space<vmem>>) target(%dma_start3A_198 : memref<10240x128xf32, #tpu.memory_space<vmem_shared>>) offsets(%dma_start3A_195 : memref<80xi32, #tpu.memory_space<vmem>>) semaphore(%arg14 : memref<!tpu.dma_semaphore, #tpu.memory_space<semaphore_mem>>) {add = true}
      %mul3A_199 = arith.constant 10 : i32
      %mul3A_200 = arith.muli %mul3A_199, %add3A_118 : i32
      %add3A_201 = arith.constant 8 : i32
      %add3A_202 = arith.addi %mul3A_200, %add3A_201 : i32
      %dma_start3A_203 = arith.constant 0 : i32
      %dma_start3A_204 = tpu.memref_slice %arg10[%add3A_202, %dma_start3A_203] : memref<125x80xi32, #tpu.memory_space<vmem>> -> memref<1x80xi32, #tpu.memory_space<vmem>>
      %dma_start3A_205 = tpu.memref_squeeze %dma_start3A_204 : memref<1x80xi32, #tpu.memory_space<vmem>> -> memref<80xi32, #tpu.memory_space<vmem>>
      %dma_start3A_206 = arith.constant 0 : i32
      %dma_start3A_207 = arith.constant 0 : i32
      %dma_start3A_208 = tpu.memref_slice %arg13[%dma_start3A_206, %dma_start3A_207] : memref<10240x128xf32, #tpu.memory_space<vmem_shared>> -> memref<10240x128xf32, #tpu.memory_space<vmem_shared>>
      tpu.enqueue_indirect_dma source(%arg11 : memref<80x128xf32, #tpu.memory_space<vmem>>) target(%dma_start3A_208 : memref<10240x128xf32, #tpu.memory_space<vmem_shared>>) offsets(%dma_start3A_205 : memref<80xi32, #tpu.memory_space<vmem>>) semaphore(%arg14 : memref<!tpu.dma_semaphore, #tpu.memory_space<semaphore_mem>>) {add = true}
      %mul3A_209 = arith.constant 10 : i32
      %mul3A_210 = arith.muli %mul3A_209, %add3A_118 : i32
      %add3A_211 = arith.constant 9 : i32
      %add3A_212 = arith.addi %mul3A_210, %add3A_211 : i32
      %dma_start3A_213 = arith.constant 0 : i32
      %dma_start3A_214 = tpu.memref_slice %arg10[%add3A_212, %dma_start3A_213] : memref<125x80xi32, #tpu.memory_space<vmem>> -> memref<1x80xi32, #tpu.memory_space<vmem>>
      %dma_start3A_215 = tpu.memref_squeeze %dma_start3A_214 : memref<1x80xi32, #tpu.memory_space<vmem>> -> memref<80xi32, #tpu.memory_space<vmem>>
      %dma_start3A_216 = arith.constant 0 : i32
      %dma_start3A_217 = arith.constant 0 : i32
      %dma_start3A_218 = tpu.memref_slice %arg13[%dma_start3A_216, %dma_start3A_217] : memref<10240x128xf32, #tpu.memory_space<vmem_shared>> -> memref<10240x128xf32, #tpu.memory_space<vmem_shared>>
      tpu.enqueue_indirect_dma source(%arg11 : memref<80x128xf32, #tpu.memory_space<vmem>>) target(%dma_start3A_218 : memref<10240x128xf32, #tpu.memory_space<vmem_shared>>) offsets(%dma_start3A_215 : memref<80xi32, #tpu.memory_space<vmem>>) semaphore(%arg14 : memref<!tpu.dma_semaphore, #tpu.memory_space<semaphore_mem>>) {add = true}
      %dma_wait3A_219 = arith.constant 0 : i32
      %dma_wait3A_220 = tpu.memref_slice %arg10[%add3A_122, %dma_wait3A_219] : memref<125x80xi32, #tpu.memory_space<vmem>> -> memref<1x80xi32, #tpu.memory_space<vmem>>
      %dma_wait3A_221 = tpu.memref_squeeze %dma_wait3A_220 : memref<1x80xi32, #tpu.memory_space<vmem>> -> memref<80xi32, #tpu.memory_space<vmem>>
      %dma_wait3A_222 = arith.constant 0 : i32
      %dma_wait3A_223 = arith.constant 0 : i32
      %dma_wait3A_224 = tpu.memref_slice %arg13[%dma_wait3A_222, %dma_wait3A_223] : memref<10240x128xf32, #tpu.memory_space<vmem_shared>> -> memref<10240x128xf32, #tpu.memory_space<vmem_shared>>
      tpu.wait_indirect_dma semaphore(%arg14 : memref<!tpu.dma_semaphore, #tpu.memory_space<semaphore_mem>>) src(%arg11 : memref<80x128xf32, #tpu.memory_space<vmem>>) dst(%dma_wait3A_224 : memref<10240x128xf32, #tpu.memory_space<vmem_shared>>)
      %dma_wait3A_225 = arith.constant 0 : i32
      %dma_wait3A_226 = tpu.memref_slice %arg10[%add3A_132, %dma_wait3A_225] : memref<125x80xi32, #tpu.memory_space<vmem>> -> memref<1x80xi32, #tpu.memory_space<vmem>>
      %dma_wait3A_227 = tpu.memref_squeeze %dma_wait3A_226 : memref<1x80xi32, #tpu.memory_space<vmem>> -> memref<80xi32, #tpu.memory_space<vmem>>
      %dma_wait3A_228 = arith.constant 0 : i32
      %dma_wait3A_229 = arith.constant 0 : i32
      %dma_wait3A_230 = tpu.memref_slice %arg13[%dma_wait3A_228, %dma_wait3A_229] : memref<10240x128xf32, #tpu.memory_space<vmem_shared>> -> memref<10240x128xf32, #tpu.memory_space<vmem_shared>>
      tpu.wait_indirect_dma semaphore(%arg14 : memref<!tpu.dma_semaphore, #tpu.memory_space<semaphore_mem>>) src(%arg11 : memref<80x128xf32, #tpu.memory_space<vmem>>) dst(%dma_wait3A_230 : memref<10240x128xf32, #tpu.memory_space<vmem_shared>>)
      %dma_wait3A_231 = arith.constant 0 : i32
      %dma_wait3A_232 = tpu.memref_slice %arg10[%add3A_142, %dma_wait3A_231] : memref<125x80xi32, #tpu.memory_space<vmem>> -> memref<1x80xi32, #tpu.memory_space<vmem>>
      %dma_wait3A_233 = tpu.memref_squeeze %dma_wait3A_232 : memref<1x80xi32, #tpu.memory_space<vmem>> -> memref<80xi32, #tpu.memory_space<vmem>>
      %dma_wait3A_234 = arith.constant 0 : i32
      %dma_wait3A_235 = arith.constant 0 : i32
      %dma_wait3A_236 = tpu.memref_slice %arg13[%dma_wait3A_234, %dma_wait3A_235] : memref<10240x128xf32, #tpu.memory_space<vmem_shared>> -> memref<10240x128xf32, #tpu.memory_space<vmem_shared>>
      tpu.wait_indirect_dma semaphore(%arg14 : memref<!tpu.dma_semaphore, #tpu.memory_space<semaphore_mem>>) src(%arg11 : memref<80x128xf32, #tpu.memory_space<vmem>>) dst(%dma_wait3A_236 : memref<10240x128xf32, #tpu.memory_space<vmem_shared>>)
      %dma_wait3A_237 = arith.constant 0 : i32
      %dma_wait3A_238 = tpu.memref_slice %arg10[%add3A_152, %dma_wait3A_237] : memref<125x80xi32, #tpu.memory_space<vmem>> -> memref<1x80xi32, #tpu.memory_space<vmem>>
      %dma_wait3A_239 = tpu.memref_squeeze %dma_wait3A_238 : memref<1x80xi32, #tpu.memory_space<vmem>> -> memref<80xi32, #tpu.memory_space<vmem>>
      %dma_wait3A_240 = arith.constant 0 : i32
      %dma_wait3A_241 = arith.constant 0 : i32
      %dma_wait3A_242 = tpu.memref_slice %arg13[%dma_wait3A_240, %dma_wait3A_241] : memref<10240x128xf32, #tpu.memory_space<vmem_shared>> -> memref<10240x128xf32, #tpu.memory_space<vmem_shared>>
      tpu.wait_indirect_dma semaphore(%arg14 : memref<!tpu.dma_semaphore, #tpu.memory_space<semaphore_mem>>) src(%arg11 : memref<80x128xf32, #tpu.memory_space<vmem>>) dst(%dma_wait3A_242 : memref<10240x128xf32, #tpu.memory_space<vmem_shared>>)
      %dma_wait3A_243 = arith.constant 0 : i32
      %dma_wait3A_244 = tpu.memref_slice %arg10[%add3A_162, %dma_wait3A_243] : memref<125x80xi32, #tpu.memory_space<vmem>> -> memref<1x80xi32, #tpu.memory_space<vmem>>
      %dma_wait3A_245 = tpu.memref_squeeze %dma_wait3A_244 : memref<1x80xi32, #tpu.memory_space<vmem>> -> memref<80xi32, #tpu.memory_space<vmem>>
      %dma_wait3A_246 = arith.constant 0 : i32
      %dma_wait3A_247 = arith.constant 0 : i32
      %dma_wait3A_248 = tpu.memref_slice %arg13[%dma_wait3A_246, %dma_wait3A_247] : memref<10240x128xf32, #tpu.memory_space<vmem_shared>> -> memref<10240x128xf32, #tpu.memory_space<vmem_shared>>
      tpu.wait_indirect_dma semaphore(%arg14 : memref<!tpu.dma_semaphore, #tpu.memory_space<semaphore_mem>>) src(%arg11 : memref<80x128xf32, #tpu.memory_space<vmem>>) dst(%dma_wait3A_248 : memref<10240x128xf32, #tpu.memory_space<vmem_shared>>)
      %dma_wait3A_249 = arith.constant 0 : i32
      %dma_wait3A_250 = tpu.memref_slice %arg10[%add3A_172, %dma_wait3A_249] : memref<125x80xi32, #tpu.memory_space<vmem>> -> memref<1x80xi32, #tpu.memory_space<vmem>>
      %dma_wait3A_251 = tpu.memref_squeeze %dma_wait3A_250 : memref<1x80xi32, #tpu.memory_space<vmem>> -> memref<80xi32, #tpu.memory_space<vmem>>
      %dma_wait3A_252 = arith.constant 0 : i32
      %dma_wait3A_253 = arith.constant 0 : i32
      %dma_wait3A_254 = tpu.memref_slice %arg13[%dma_wait3A_252, %dma_wait3A_253] : memref<10240x128xf32, #tpu.memory_space<vmem_shared>> -> memref<10240x128xf32, #tpu.memory_space<vmem_shared>>
      tpu.wait_indirect_dma semaphore(%arg14 : memref<!tpu.dma_semaphore, #tpu.memory_space<semaphore_mem>>) src(%arg11 : memref<80x128xf32, #tpu.memory_space<vmem>>) dst(%dma_wait3A_254 : memref<10240x128xf32, #tpu.memory_space<vmem_shared>>)
      %dma_wait3A_255 = arith.constant 0 : i32
      %dma_wait3A_256 = tpu.memref_slice %arg10[%add3A_182, %dma_wait3A_255] : memref<125x80xi32, #tpu.memory_space<vmem>> -> memref<1x80xi32, #tpu.memory_space<vmem>>
      %dma_wait3A_257 = tpu.memref_squeeze %dma_wait3A_256 : memref<1x80xi32, #tpu.memory_space<vmem>> -> memref<80xi32, #tpu.memory_space<vmem>>
      %dma_wait3A_258 = arith.constant 0 : i32
      %dma_wait3A_259 = arith.constant 0 : i32
      %dma_wait3A_260 = tpu.memref_slice %arg13[%dma_wait3A_258, %dma_wait3A_259] : memref<10240x128xf32, #tpu.memory_space<vmem_shared>> -> memref<10240x128xf32, #tpu.memory_space<vmem_shared>>
      tpu.wait_indirect_dma semaphore(%arg14 : memref<!tpu.dma_semaphore, #tpu.memory_space<semaphore_mem>>) src(%arg11 : memref<80x128xf32, #tpu.memory_space<vmem>>) dst(%dma_wait3A_260 : memref<10240x128xf32, #tpu.memory_space<vmem_shared>>)
      %dma_wait3A_261 = arith.constant 0 : i32
      %dma_wait3A_262 = tpu.memref_slice %arg10[%add3A_192, %dma_wait3A_261] : memref<125x80xi32, #tpu.memory_space<vmem>> -> memref<1x80xi32, #tpu.memory_space<vmem>>
      %dma_wait3A_263 = tpu.memref_squeeze %dma_wait3A_262 : memref<1x80xi32, #tpu.memory_space<vmem>> -> memref<80xi32, #tpu.memory_space<vmem>>
      %dma_wait3A_264 = arith.constant 0 : i32
      %dma_wait3A_265 = arith.constant 0 : i32
      %dma_wait3A_266 = tpu.memref_slice %arg13[%dma_wait3A_264, %dma_wait3A_265] : memref<10240x128xf32, #tpu.memory_space<vmem_shared>> -> memref<10240x128xf32, #tpu.memory_space<vmem_shared>>
      tpu.wait_indirect_dma semaphore(%arg14 : memref<!tpu.dma_semaphore, #tpu.memory_space<semaphore_mem>>) src(%arg11 : memref<80x128xf32, #tpu.memory_space<vmem>>) dst(%dma_wait3A_266 : memref<10240x128xf32, #tpu.memory_space<vmem_shared>>)
      %dma_wait3A_267 = arith.constant 0 : i32
      %dma_wait3A_268 = tpu.memref_slice %arg10[%add3A_202, %dma_wait3A_267] : memref<125x80xi32, #tpu.memory_space<vmem>> -> memref<1x80xi32, #tpu.memory_space<vmem>>
      %dma_wait3A_269 = tpu.memref_squeeze %dma_wait3A_268 : memref<1x80xi32, #tpu.memory_space<vmem>> -> memref<80xi32, #tpu.memory_space<vmem>>
      %dma_wait3A_270 = arith.constant 0 : i32
      %dma_wait3A_271 = arith.constant 0 : i32
      %dma_wait3A_272 = tpu.memref_slice %arg13[%dma_wait3A_270, %dma_wait3A_271] : memref<10240x128xf32, #tpu.memory_space<vmem_shared>> -> memref<10240x128xf32, #tpu.memory_space<vmem_shared>>
      tpu.wait_indirect_dma semaphore(%arg14 : memref<!tpu.dma_semaphore, #tpu.memory_space<semaphore_mem>>) src(%arg11 : memref<80x128xf32, #tpu.memory_space<vmem>>) dst(%dma_wait3A_272 : memref<10240x128xf32, #tpu.memory_space<vmem_shared>>)
      %dma_wait3A_273 = arith.constant 0 : i32
      %dma_wait3A_274 = tpu.memref_slice %arg10[%add3A_212, %dma_wait3A_273] : memref<125x80xi32, #tpu.memory_space<vmem>> -> memref<1x80xi32, #tpu.memory_space<vmem>>
      %dma_wait3A_275 = tpu.memref_squeeze %dma_wait3A_274 : memref<1x80xi32, #tpu.memory_space<vmem>> -> memref<80xi32, #tpu.memory_space<vmem>>
      %dma_wait3A_276 = arith.constant 0 : i32
      %dma_wait3A_277 = arith.constant 0 : i32
      %dma_wait3A_278 = tpu.memref_slice %arg13[%dma_wait3A_276, %dma_wait3A_277] : memref<10240x128xf32, #tpu.memory_space<vmem_shared>> -> memref<10240x128xf32, #tpu.memory_space<vmem_shared>>
      tpu.wait_indirect_dma semaphore(%arg14 : memref<!tpu.dma_semaphore, #tpu.memory_space<semaphore_mem>>) src(%arg11 : memref<80x128xf32, #tpu.memory_space<vmem>>) dst(%dma_wait3A_278 : memref<10240x128xf32, #tpu.memory_space<vmem_shared>>)
    }
    %scan3A_37 = arith.constant 12 : i32
    %dma_start3A_38 = arith.constant 120 : i32
    %dma_start3A_39 = arith.constant 0 : i32
    %dma_start3A_40 = tpu.memref_slice %arg10[%dma_start3A_38, %dma_start3A_39] : memref<125x80xi32, #tpu.memory_space<vmem>> -> memref<1x80xi32, #tpu.memory_space<vmem>>
    %dma_start3A_41 = tpu.memref_squeeze %dma_start3A_40 : memref<1x80xi32, #tpu.memory_space<vmem>> -> memref<80xi32, #tpu.memory_space<vmem>>
    %dma_start3A_42 = arith.constant 0 : i32
    %dma_start3A_43 = arith.constant 0 : i32
    %dma_start3A_44 = tpu.memref_slice %arg13[%dma_start3A_42, %dma_start3A_43] : memref<10240x128xf32, #tpu.memory_space<vmem_shared>> -> memref<10240x128xf32, #tpu.memory_space<vmem_shared>>
    tpu.enqueue_indirect_dma source(%arg11 : memref<80x128xf32, #tpu.memory_space<vmem>>) target(%dma_start3A_44 : memref<10240x128xf32, #tpu.memory_space<vmem_shared>>) offsets(%dma_start3A_41 : memref<80xi32, #tpu.memory_space<vmem>>) semaphore(%arg14 : memref<!tpu.dma_semaphore, #tpu.memory_space<semaphore_mem>>) {add = true}
    %dma_start3A_45 = arith.constant 121 : i32
    %dma_start3A_46 = arith.constant 0 : i32
    %dma_start3A_47 = tpu.memref_slice %arg10[%dma_start3A_45, %dma_start3A_46] : memref<125x80xi32, #tpu.memory_space<vmem>> -> memref<1x80xi32, #tpu.memory_space<vmem>>
    %dma_start3A_48 = tpu.memref_squeeze %dma_start3A_47 : memref<1x80xi32, #tpu.memory_space<vmem>> -> memref<80xi32, #tpu.memory_space<vmem>>
    %dma_start3A_49 = arith.constant 0 : i32
    %dma_start3A_50 = arith.constant 0 : i32
    %dma_start3A_51 = tpu.memref_slice %arg13[%dma_start3A_49, %dma_start3A_50] : memref<10240x128xf32, #tpu.memory_space<vmem_shared>> -> memref<10240x128xf32, #tpu.memory_space<vmem_shared>>
    tpu.enqueue_indirect_dma source(%arg11 : memref<80x128xf32, #tpu.memory_space<vmem>>) target(%dma_start3A_51 : memref<10240x128xf32, #tpu.memory_space<vmem_shared>>) offsets(%dma_start3A_48 : memref<80xi32, #tpu.memory_space<vmem>>) semaphore(%arg14 : memref<!tpu.dma_semaphore, #tpu.memory_space<semaphore_mem>>) {add = true}
    %dma_start3A_52 = arith.constant 122 : i32
    %dma_start3A_53 = arith.constant 0 : i32
    %dma_start3A_54 = tpu.memref_slice %arg10[%dma_start3A_52, %dma_start3A_53] : memref<125x80xi32, #tpu.memory_space<vmem>> -> memref<1x80xi32, #tpu.memory_space<vmem>>
    %dma_start3A_55 = tpu.memref_squeeze %dma_start3A_54 : memref<1x80xi32, #tpu.memory_space<vmem>> -> memref<80xi32, #tpu.memory_space<vmem>>
    %dma_start3A_56 = arith.constant 0 : i32
    %dma_start3A_57 = arith.constant 0 : i32
    %dma_start3A_58 = tpu.memref_slice %arg13[%dma_start3A_56, %dma_start3A_57] : memref<10240x128xf32, #tpu.memory_space<vmem_shared>> -> memref<10240x128xf32, #tpu.memory_space<vmem_shared>>
    tpu.enqueue_indirect_dma source(%arg11 : memref<80x128xf32, #tpu.memory_space<vmem>>) target(%dma_start3A_58 : memref<10240x128xf32, #tpu.memory_space<vmem_shared>>) offsets(%dma_start3A_55 : memref<80xi32, #tpu.memory_space<vmem>>) semaphore(%arg14 : memref<!tpu.dma_semaphore, #tpu.memory_space<semaphore_mem>>) {add = true}
    %dma_start3A_59 = arith.constant 123 : i32
    %dma_start3A_60 = arith.constant 0 : i32
    %dma_start3A_61 = tpu.memref_slice %arg10[%dma_start3A_59, %dma_start3A_60] : memref<125x80xi32, #tpu.memory_space<vmem>> -> memref<1x80xi32, #tpu.memory_space<vmem>>
    %dma_start3A_62 = tpu.memref_squeeze %dma_start3A_61 : memref<1x80xi32, #tpu.memory_space<vmem>> -> memref<80xi32, #tpu.memory_space<vmem>>
    %dma_start3A_63 = arith.constant 0 : i32
    %dma_start3A_64 = arith.constant 0 : i32
    %dma_start3A_65 = tpu.memref_slice %arg13[%dma_start3A_63, %dma_start3A_64] : memref<10240x128xf32, #tpu.memory_space<vmem_shared>> -> memref<10240x128xf32, #tpu.memory_space<vmem_shared>>
    tpu.enqueue_indirect_dma source(%arg11 : memref<80x128xf32, #tpu.memory_space<vmem>>) target(%dma_start3A_65 : memref<10240x128xf32, #tpu.memory_space<vmem_shared>>) offsets(%dma_start3A_62 : memref<80xi32, #tpu.memory_space<vmem>>) semaphore(%arg14 : memref<!tpu.dma_semaphore, #tpu.memory_space<semaphore_mem>>) {add = true}
    %dma_start3A_66 = arith.constant 124 : i32
    %dma_start3A_67 = arith.constant 0 : i32
    %dma_start3A_68 = tpu.memref_slice %arg10[%dma_start3A_66, %dma_start3A_67] : memref<125x80xi32, #tpu.memory_space<vmem>> -> memref<1x80xi32, #tpu.memory_space<vmem>>
    %dma_start3A_69 = tpu.memref_squeeze %dma_start3A_68 : memref<1x80xi32, #tpu.memory_space<vmem>> -> memref<80xi32, #tpu.memory_space<vmem>>
    %dma_start3A_70 = arith.constant 0 : i32
    %dma_start3A_71 = arith.constant 0 : i32
    %dma_start3A_72 = tpu.memref_slice %arg13[%dma_start3A_70, %dma_start3A_71] : memref<10240x128xf32, #tpu.memory_space<vmem_shared>> -> memref<10240x128xf32, #tpu.memory_space<vmem_shared>>
    tpu.enqueue_indirect_dma source(%arg11 : memref<80x128xf32, #tpu.memory_space<vmem>>) target(%dma_start3A_72 : memref<10240x128xf32, #tpu.memory_space<vmem_shared>>) offsets(%dma_start3A_69 : memref<80xi32, #tpu.memory_space<vmem>>) semaphore(%arg14 : memref<!tpu.dma_semaphore, #tpu.memory_space<semaphore_mem>>) {add = true}
    %dma_wait3A_73 = arith.constant 120 : i32
    %dma_wait3A_74 = arith.constant 0 : i32
    %dma_wait3A_75 = tpu.memref_slice %arg10[%dma_wait3A_73, %dma_wait3A_74] : memref<125x80xi32, #tpu.memory_space<vmem>> -> memref<1x80xi32, #tpu.memory_space<vmem>>
    %dma_wait3A_76 = tpu.memref_squeeze %dma_wait3A_75 : memref<1x80xi32, #tpu.memory_space<vmem>> -> memref<80xi32, #tpu.memory_space<vmem>>
    %dma_wait3A_77 = arith.constant 0 : i32
    %dma_wait3A_78 = arith.constant 0 : i32
    %dma_wait3A_79 = tpu.memref_slice %arg13[%dma_wait3A_77, %dma_wait3A_78] : memref<10240x128xf32, #tpu.memory_space<vmem_shared>> -> memref<10240x128xf32, #tpu.memory_space<vmem_shared>>
    tpu.wait_indirect_dma semaphore(%arg14 : memref<!tpu.dma_semaphore, #tpu.memory_space<semaphore_mem>>) src(%arg11 : memref<80x128xf32, #tpu.memory_space<vmem>>) dst(%dma_wait3A_79 : memref<10240x128xf32, #tpu.memory_space<vmem_shared>>)
    %dma_wait3A_80 = arith.constant 121 : i32
    %dma_wait3A_81 = arith.constant 0 : i32
    %dma_wait3A_82 = tpu.memref_slice %arg10[%dma_wait3A_80, %dma_wait3A_81] : memref<125x80xi32, #tpu.memory_space<vmem>> -> memref<1x80xi32, #tpu.memory_space<vmem>>
    %dma_wait3A_83 = tpu.memref_squeeze %dma_wait3A_82 : memref<1x80xi32, #tpu.memory_space<vmem>> -> memref<80xi32, #tpu.memory_space<vmem>>
    %dma_wait3A_84 = arith.constant 0 : i32
    %dma_wait3A_85 = arith.constant 0 : i32
    %dma_wait3A_86 = tpu.memref_slice %arg13[%dma_wait3A_84, %dma_wait3A_85] : memref<10240x128xf32, #tpu.memory_space<vmem_shared>> -> memref<10240x128xf32, #tpu.memory_space<vmem_shared>>
    tpu.wait_indirect_dma semaphore(%arg14 : memref<!tpu.dma_semaphore, #tpu.memory_space<semaphore_mem>>) src(%arg11 : memref<80x128xf32, #tpu.memory_space<vmem>>) dst(%dma_wait3A_86 : memref<10240x128xf32, #tpu.memory_space<vmem_shared>>)
    %dma_wait3A_87 = arith.constant 122 : i32
    %dma_wait3A_88 = arith.constant 0 : i32
    %dma_wait3A_89 = tpu.memref_slice %arg10[%dma_wait3A_87, %dma_wait3A_88] : memref<125x80xi32, #tpu.memory_space<vmem>> -> memref<1x80xi32, #tpu.memory_space<vmem>>
    %dma_wait3A_90 = tpu.memref_squeeze %dma_wait3A_89 : memref<1x80xi32, #tpu.memory_space<vmem>> -> memref<80xi32, #tpu.memory_space<vmem>>
    %dma_wait3A_91 = arith.constant 0 : i32
    %dma_wait3A_92 = arith.constant 0 : i32
    %dma_wait3A_93 = tpu.memref_slice %arg13[%dma_wait3A_91, %dma_wait3A_92] : memref<10240x128xf32, #tpu.memory_space<vmem_shared>> -> memref<10240x128xf32, #tpu.memory_space<vmem_shared>>
    tpu.wait_indirect_dma semaphore(%arg14 : memref<!tpu.dma_semaphore, #tpu.memory_space<semaphore_mem>>) src(%arg11 : memref<80x128xf32, #tpu.memory_space<vmem>>) dst(%dma_wait3A_93 : memref<10240x128xf32, #tpu.memory_space<vmem_shared>>)
    %dma_wait3A_94 = arith.constant 123 : i32
    %dma_wait3A_95 = arith.constant 0 : i32
    %dma_wait3A_96 = tpu.memref_slice %arg10[%dma_wait3A_94, %dma_wait3A_95] : memref<125x80xi32, #tpu.memory_space<vmem>> -> memref<1x80xi32, #tpu.memory_space<vmem>>
    %dma_wait3A_97 = tpu.memref_squeeze %dma_wait3A_96 : memref<1x80xi32, #tpu.memory_space<vmem>> -> memref<80xi32, #tpu.memory_space<vmem>>
    %dma_wait3A_98 = arith.constant 0 : i32
    %dma_wait3A_99 = arith.constant 0 : i32
    %dma_wait3A_100 = tpu.memref_slice %arg13[%dma_wait3A_98, %dma_wait3A_99] : memref<10240x128xf32, #tpu.memory_space<vmem_shared>> -> memref<10240x128xf32, #tpu.memory_space<vmem_shared>>
    tpu.wait_indirect_dma semaphore(%arg14 : memref<!tpu.dma_semaphore, #tpu.memory_space<semaphore_mem>>) src(%arg11 : memref<80x128xf32, #tpu.memory_space<vmem>>) dst(%dma_wait3A_100 : memref<10240x128xf32, #tpu.memory_space<vmem_shared>>)
    %dma_wait3A_101 = arith.constant 124 : i32
    %dma_wait3A_102 = arith.constant 0 : i32
    %dma_wait3A_103 = tpu.memref_slice %arg10[%dma_wait3A_101, %dma_wait3A_102] : memref<125x80xi32, #tpu.memory_space<vmem>> -> memref<1x80xi32, #tpu.memory_space<vmem>>
    %dma_wait3A_104 = tpu.memref_squeeze %dma_wait3A_103 : memref<1x80xi32, #tpu.memory_space<vmem>> -> memref<80xi32, #tpu.memory_space<vmem>>
    %dma_wait3A_105 = arith.constant 0 : i32
    %dma_wait3A_106 = arith.constant 0 : i32
    %dma_wait3A_107 = tpu.memref_slice %arg13[%dma_wait3A_105, %dma_wait3A_106] : memref<10240x128xf32, #tpu.memory_space<vmem_shared>> -> memref<10240x128xf32, #tpu.memory_space<vmem_shared>>
    tpu.wait_indirect_dma semaphore(%arg14 : memref<!tpu.dma_semaphore, #tpu.memory_space<semaphore_mem>>) src(%arg11 : memref<80x128xf32, #tpu.memory_space<vmem>>) dst(%dma_wait3A_107 : memref<10240x128xf32, #tpu.memory_space<vmem_shared>>)
    %barrier3A_108 = arith.constant 0 : index
    tpu.barrier barrier_id(%barrier3A_108)
    %scan3A_109 = arith.constant 0 : i32
    %scan3A_110 = arith.constant 4 : i32
    %scan3A_111 = arith.addi %scan3A_109, %scan3A_110 : i32
    %scan3A_112 = arith.constant 1 : i32
    scf.for %scan3A_114 = %scan3A_109 to %scan3A_111 step %scan3A_112  : i32 {
      %mul3A_115 = arith.constant 1 : i32
      %mul3A_116 = arith.muli %scan3A_114, %mul3A_115 : i32
      %add3A_117 = arith.constant 0 : i32
      %add3A_118 = arith.addi %add3A_117, %mul3A_116 : i32
      %mul3A_119 = arith.constant 2 : i32
      %mul3A_120 = arith.muli %mul3A_119, %add3A_118 : i32
      %mul3A_121 = arith.constant 80 : i32
      %mul3A_122 = arith.muli %mul3A_120, %mul3A_121 : i32
      %add3A_123 = arith.addi %mul3A_2, %mul3A_122 : i32
      %add3A_124 = arith.constant 80 : i32
      %add3A_125 = arith.addi %add3A_123, %add3A_124 : i32
      %dma_start3A_126 = arith.constant 0 : i32
      %dma_start3A_127 = tpu.memref_slice %arg13[%add3A_123, %dma_start3A_126] : memref<10240x128xf32, #tpu.memory_space<vmem_shared>> -> memref<80x128xf32, #tpu.memory_space<vmem_shared>>
      %dma_start3A_128 = arith.constant 0 : i32
      %dma_start3A_129 = tpu.memref_slice %arg13[%add3A_123, %dma_start3A_128] : memref<10240x128xf32, #tpu.memory_space<vmem_shared>> -> memref<80x128xf32, #tpu.memory_space<vmem_shared>>
      tpu.enqueue_dma source(%dma_start3A_129 : memref<80x128xf32, #tpu.memory_space<vmem_shared>>) target(%arg11 : memref<80x128xf32, #tpu.memory_space<vmem>>) target_semaphore(%arg14 : memref<!tpu.dma_semaphore, #tpu.memory_space<semaphore_mem>>)
      %dma_start3A_130 = arith.constant 0 : i32
      %dma_start3A_131 = tpu.memref_slice %arg13[%add3A_125, %dma_start3A_130] : memref<10240x128xf32, #tpu.memory_space<vmem_shared>> -> memref<80x128xf32, #tpu.memory_space<vmem_shared>>
      %dma_start3A_132 = arith.constant 0 : i32
      %dma_start3A_133 = tpu.memref_slice %arg13[%add3A_125, %dma_start3A_132] : memref<10240x128xf32, #tpu.memory_space<vmem_shared>> -> memref<80x128xf32, #tpu.memory_space<vmem_shared>>
      tpu.enqueue_dma source(%dma_start3A_133 : memref<80x128xf32, #tpu.memory_space<vmem_shared>>) target(%arg12 : memref<80x128xf32, #tpu.memory_space<vmem>>) target_semaphore(%arg15 : memref<!tpu.dma_semaphore, #tpu.memory_space<semaphore_mem>>)
      %dma_wait3A_134 = arith.constant 0 : i32
      %dma_wait3A_135 = tpu.memref_slice %arg13[%add3A_123, %dma_wait3A_134] : memref<10240x128xf32, #tpu.memory_space<vmem_shared>> -> memref<80x128xf32, #tpu.memory_space<vmem_shared>>
      %dma_wait3A_136 = arith.constant 0 : i32
      %dma_wait3A_137 = tpu.memref_slice %arg13[%add3A_123, %dma_wait3A_136] : memref<10240x128xf32, #tpu.memory_space<vmem_shared>> -> memref<80x128xf32, #tpu.memory_space<vmem_shared>>
      tpu.wait_dma2 semaphore(%arg14 : memref<!tpu.dma_semaphore, #tpu.memory_space<semaphore_mem>>) src(%dma_wait3A_137 : memref<80x128xf32, #tpu.memory_space<vmem_shared>>) dst(%arg11 : memref<80x128xf32, #tpu.memory_space<vmem>>)
      %dma_start3A_138 = arith.constant 0 : i32
      %dma_start3A_139 = arith.constant 0 : i32
      %dma_start3A_140 = tpu.memref_slice %arg8[%arg0, %dma_start3A_138, %dma_start3A_139] : memref<2x10240x128xf32, #tpu.memory_space<hbm>> -> memref<1x10240x128xf32, #tpu.memory_space<hbm>>
      %dma_start3A_141 = tpu.memref_squeeze %dma_start3A_140 : memref<1x10240x128xf32, #tpu.memory_space<hbm>> -> memref<10240x128xf32, #tpu.memory_space<hbm>>
      %dma_start3A_142 = arith.constant 0 : i32
      %dma_start3A_143 = tpu.memref_slice %dma_start3A_141[%add3A_123, %dma_start3A_142] : memref<10240x128xf32, #tpu.memory_space<hbm>> -> memref<80x128xf32, #tpu.memory_space<hbm>>
      %dma_start3A_144 = arith.constant 0 : i32
      %dma_start3A_145 = arith.constant 0 : i32
      %dma_start3A_146 = tpu.memref_slice %arg8[%arg0, %dma_start3A_144, %dma_start3A_145] : memref<2x10240x128xf32, #tpu.memory_space<hbm>> -> memref<1x10240x128xf32, #tpu.memory_space<hbm>>
      %dma_start3A_147 = tpu.memref_squeeze %dma_start3A_146 : memref<1x10240x128xf32, #tpu.memory_space<hbm>> -> memref<10240x128xf32, #tpu.memory_space<hbm>>
      %dma_start3A_148 = arith.constant 0 : i32
      %dma_start3A_149 = tpu.memref_slice %dma_start3A_147[%add3A_123, %dma_start3A_148] : memref<10240x128xf32, #tpu.memory_space<hbm>> -> memref<80x128xf32, #tpu.memory_space<hbm>>
      tpu.enqueue_dma source(%arg11 : memref<80x128xf32, #tpu.memory_space<vmem>>) target(%dma_start3A_149 : memref<80x128xf32, #tpu.memory_space<hbm>>) target_semaphore(%arg14 : memref<!tpu.dma_semaphore, #tpu.memory_space<semaphore_mem>>)
      %dma_wait3A_150 = arith.constant 0 : i32
      %dma_wait3A_151 = tpu.memref_slice %arg13[%add3A_125, %dma_wait3A_150] : memref<10240x128xf32, #tpu.memory_space<vmem_shared>> -> memref<80x128xf32, #tpu.memory_space<vmem_shared>>
      %dma_wait3A_152 = arith.constant 0 : i32
      %dma_wait3A_153 = tpu.memref_slice %arg13[%add3A_125, %dma_wait3A_152] : memref<10240x128xf32, #tpu.memory_space<vmem_shared>> -> memref<80x128xf32, #tpu.memory_space<vmem_shared>>
      tpu.wait_dma2 semaphore(%arg15 : memref<!tpu.dma_semaphore, #tpu.memory_space<semaphore_mem>>) src(%dma_wait3A_153 : memref<80x128xf32, #tpu.memory_space<vmem_shared>>) dst(%arg12 : memref<80x128xf32, #tpu.memory_space<vmem>>)
      %dma_start3A_154 = arith.constant 0 : i32
      %dma_start3A_155 = arith.constant 0 : i32
      %dma_start3A_156 = tpu.memref_slice %arg8[%arg0, %dma_start3A_154, %dma_start3A_155] : memref<2x10240x128xf32, #tpu.memory_space<hbm>> -> memref<1x10240x128xf32, #tpu.memory_space<hbm>>
      %dma_start3A_157 = tpu.memref_squeeze %dma_start3A_156 : memref<1x10240x128xf32, #tpu.memory_space<hbm>> -> memref<10240x128xf32, #tpu.memory_space<hbm>>
      %dma_start3A_158 = arith.constant 0 : i32
      %dma_start3A_159 = tpu.memref_slice %dma_start3A_157[%add3A_125, %dma_start3A_158] : memref<10240x128xf32, #tpu.memory_space<hbm>> -> memref<80x128xf32, #tpu.memory_space<hbm>>
      %dma_start3A_160 = arith.constant 0 : i32
      %dma_start3A_161 = arith.constant 0 : i32
      %dma_start3A_162 = tpu.memref_slice %arg8[%arg0, %dma_start3A_160, %dma_start3A_161] : memref<2x10240x128xf32, #tpu.memory_space<hbm>> -> memref<1x10240x128xf32, #tpu.memory_space<hbm>>
      %dma_start3A_163 = tpu.memref_squeeze %dma_start3A_162 : memref<1x10240x128xf32, #tpu.memory_space<hbm>> -> memref<10240x128xf32, #tpu.memory_space<hbm>>
      %dma_start3A_164 = arith.constant 0 : i32
      %dma_start3A_165 = tpu.memref_slice %dma_start3A_163[%add3A_125, %dma_start3A_164] : memref<10240x128xf32, #tpu.memory_space<hbm>> -> memref<80x128xf32, #tpu.memory_space<hbm>>
      tpu.enqueue_dma source(%arg12 : memref<80x128xf32, #tpu.memory_space<vmem>>) target(%dma_start3A_165 : memref<80x128xf32, #tpu.memory_space<hbm>>) target_semaphore(%arg15 : memref<!tpu.dma_semaphore, #tpu.memory_space<semaphore_mem>>)
      %dma_wait3A_166 = arith.constant 0 : i32
      %dma_wait3A_167 = arith.constant 0 : i32
      %dma_wait3A_168 = tpu.memref_slice %arg8[%arg0, %dma_wait3A_166, %dma_wait3A_167] : memref<2x10240x128xf32, #tpu.memory_space<hbm>> -> memref<1x10240x128xf32, #tpu.memory_space<hbm>>
      %dma_wait3A_169 = tpu.memref_squeeze %dma_wait3A_168 : memref<1x10240x128xf32, #tpu.memory_space<hbm>> -> memref<10240x128xf32, #tpu.memory_space<hbm>>
      %dma_wait3A_170 = arith.constant 0 : i32
      %dma_wait3A_171 = tpu.memref_slice %dma_wait3A_169[%add3A_123, %dma_wait3A_170] : memref<10240x128xf32, #tpu.memory_space<hbm>> -> memref<80x128xf32, #tpu.memory_space<hbm>>
      %dma_wait3A_172 = arith.constant 0 : i32
      %dma_wait3A_173 = arith.constant 0 : i32
      %dma_wait3A_174 = tpu.memref_slice %arg8[%arg0, %dma_wait3A_172, %dma_wait3A_173] : memref<2x10240x128xf32, #tpu.memory_space<hbm>> -> memref<1x10240x128xf32, #tpu.memory_space<hbm>>
      %dma_wait3A_175 = tpu.memref_squeeze %dma_wait3A_174 : memref<1x10240x128xf32, #tpu.memory_space<hbm>> -> memref<10240x128xf32, #tpu.memory_space<hbm>>
      %dma_wait3A_176 = arith.constant 0 : i32
      %dma_wait3A_177 = tpu.memref_slice %dma_wait3A_175[%add3A_123, %dma_wait3A_176] : memref<10240x128xf32, #tpu.memory_space<hbm>> -> memref<80x128xf32, #tpu.memory_space<hbm>>
      tpu.wait_dma2 semaphore(%arg14 : memref<!tpu.dma_semaphore, #tpu.memory_space<semaphore_mem>>) src(%arg11 : memref<80x128xf32, #tpu.memory_space<vmem>>) dst(%dma_wait3A_177 : memref<80x128xf32, #tpu.memory_space<hbm>>)
      %dma_wait3A_178 = arith.constant 0 : i32
      %dma_wait3A_179 = arith.constant 0 : i32
      %dma_wait3A_180 = tpu.memref_slice %arg8[%arg0, %dma_wait3A_178, %dma_wait3A_179] : memref<2x10240x128xf32, #tpu.memory_space<hbm>> -> memref<1x10240x128xf32, #tpu.memory_space<hbm>>
      %dma_wait3A_181 = tpu.memref_squeeze %dma_wait3A_180 : memref<1x10240x128xf32, #tpu.memory_space<hbm>> -> memref<10240x128xf32, #tpu.memory_space<hbm>>
      %dma_wait3A_182 = arith.constant 0 : i32
      %dma_wait3A_183 = tpu.memref_slice %dma_wait3A_181[%add3A_125, %dma_wait3A_182] : memref<10240x128xf32, #tpu.memory_space<hbm>> -> memref<80x128xf32, #tpu.memory_space<hbm>>
      %dma_wait3A_184 = arith.constant 0 : i32
      %dma_wait3A_185 = arith.constant 0 : i32
      %dma_wait3A_186 = tpu.memref_slice %arg8[%arg0, %dma_wait3A_184, %dma_wait3A_185] : memref<2x10240x128xf32, #tpu.memory_space<hbm>> -> memref<1x10240x128xf32, #tpu.memory_space<hbm>>
      %dma_wait3A_187 = tpu.memref_squeeze %dma_wait3A_186 : memref<1x10240x128xf32, #tpu.memory_space<hbm>> -> memref<10240x128xf32, #tpu.memory_space<hbm>>
      %dma_wait3A_188 = arith.constant 0 : i32
      %dma_wait3A_189 = tpu.memref_slice %dma_wait3A_187[%add3A_125, %dma_wait3A_188] : memref<10240x128xf32, #tpu.memory_space<hbm>> -> memref<80x128xf32, #tpu.memory_space<hbm>>
      tpu.wait_dma2 semaphore(%arg15 : memref<!tpu.dma_semaphore, #tpu.memory_space<semaphore_mem>>) src(%arg12 : memref<80x128xf32, #tpu.memory_space<vmem>>) dst(%dma_wait3A_189 : memref<80x128xf32, #tpu.memory_space<hbm>>)
    }
    %scan3A_113 = arith.constant 4 : i32
    return
  }
}

#map = affine_map<(d0, d1) -> (0, 0)>
#map1 = affine_map<(d0, d1) -> (0, 0, 0)>
module attributes {stable_mosaic.version = 14 : i64} {
  func.func @body(%arg0: i32, %arg1: i32, %arg2: memref<10000x128xf32, #tpu.memory_space<hbm>>, %arg3: memref<32x10000xi32, #tpu.memory_space<hbm>>, %arg4: memref<32x125x80xi32, #tpu.memory_space<hbm>>, %arg5: memref<10240x128xf32, #tpu.memory_space<hbm>>, %arg6: memref<80x128xf32, #tpu.memory_space<hbm>>, %arg7: memref<2x10240x128xf32, #tpu.memory_space<hbm>>, %arg8: memref<10000xi32, #tpu.memory_space<vmem>>, %arg9: memref<125x80xi32, #tpu.memory_space<vmem>>, %arg10: memref<80x128xf32, #tpu.memory_space<vmem>>, %arg11: memref<80x128xf32, #tpu.memory_space<vmem>>, %arg12: memref<10240x128xf32, #tpu.memory_space<vmem_shared>>, %arg13: memref<!tpu.dma_semaphore, #tpu.memory_space<semaphore_mem>>, %arg14: memref<!tpu.dma_semaphore, #tpu.memory_space<semaphore_mem>>) attributes {dimension_semantics = [#tpu.dimension_semantics<core_parallel>, #tpu.dimension_semantics<subcore_parallel>], iteration_bounds = array<i64: 2, 16>, scalar_prefetch = 0 : i64, scratch_operands = 7 : i64, tpu.core_type = #tpu.core_type<sc_vector_subcore>, window_params = [{transform_indices = #map}, {transform_indices = #map}, {transform_indices = #map1}, {transform_indices = #map}, {transform_indices = #map}, {transform_indices = #map1}]} {
    %mul3A = arith.constant 16 : i32
    %mul3A_0 = arith.muli %arg0, %mul3A : i32
    %add3A = arith.addi %mul3A_0, %arg1 : i32
    %mul3A_1 = arith.constant 640 : i32
    %mul3A_2 = arith.muli %arg1, %mul3A_1 : i32
    "tpu.region"() ({
      %run_scoped3A_26 = tpu.sem_alloc : memref<!tpu.dma_semaphore, #tpu.memory_space<semaphore_mem>>
      %dma_start3A_27 = arith.constant 0 : i32
      %dma_start3A_28 = tpu.memref_slice %arg3[%add3A, %dma_start3A_27] : memref<32x10000xi32, #tpu.memory_space<hbm>> -> memref<1x10000xi32, #tpu.memory_space<hbm>>
      %dma_start3A_29 = tpu.memref_squeeze %dma_start3A_28 : memref<1x10000xi32, #tpu.memory_space<hbm>> -> memref<10000xi32, #tpu.memory_space<hbm>>
      %dma_start3A_30 = arith.constant 0 : i32
      %dma_start3A_31 = tpu.memref_slice %arg3[%add3A, %dma_start3A_30] : memref<32x10000xi32, #tpu.memory_space<hbm>> -> memref<1x10000xi32, #tpu.memory_space<hbm>>
      %dma_start3A_32 = tpu.memref_squeeze %dma_start3A_31 : memref<1x10000xi32, #tpu.memory_space<hbm>> -> memref<10000xi32, #tpu.memory_space<hbm>>
      tpu.enqueue_dma source(%dma_start3A_32 : memref<10000xi32, #tpu.memory_space<hbm>>) target(%arg8 : memref<10000xi32, #tpu.memory_space<vmem>>) target_semaphore(%run_scoped3A_26 : memref<!tpu.dma_semaphore, #tpu.memory_space<semaphore_mem>>)
      %dma_wait3A_33 = arith.constant 0 : i32
      %dma_wait3A_34 = tpu.memref_slice %arg3[%add3A, %dma_wait3A_33] : memref<32x10000xi32, #tpu.memory_space<hbm>> -> memref<1x10000xi32, #tpu.memory_space<hbm>>
      %dma_wait3A_35 = tpu.memref_squeeze %dma_wait3A_34 : memref<1x10000xi32, #tpu.memory_space<hbm>> -> memref<10000xi32, #tpu.memory_space<hbm>>
      %dma_wait3A_36 = arith.constant 0 : i32
      %dma_wait3A_37 = tpu.memref_slice %arg3[%add3A, %dma_wait3A_36] : memref<32x10000xi32, #tpu.memory_space<hbm>> -> memref<1x10000xi32, #tpu.memory_space<hbm>>
      %dma_wait3A_38 = tpu.memref_squeeze %dma_wait3A_37 : memref<1x10000xi32, #tpu.memory_space<hbm>> -> memref<10000xi32, #tpu.memory_space<hbm>>
      tpu.wait_dma2 semaphore(%run_scoped3A_26 : memref<!tpu.dma_semaphore, #tpu.memory_space<semaphore_mem>>) src(%dma_wait3A_38 : memref<10000xi32, #tpu.memory_space<hbm>>) dst(%arg8 : memref<10000xi32, #tpu.memory_space<vmem>>)
      tpu.yield
    }) : () -> ()
    "tpu.region"() ({
      %run_scoped3A_26 = tpu.sem_alloc : memref<!tpu.dma_semaphore, #tpu.memory_space<semaphore_mem>>
      %dma_start3A_27 = arith.constant 0 : i32
      %dma_start3A_28 = arith.constant 0 : i32
      %dma_start3A_29 = tpu.memref_slice %arg4[%add3A, %dma_start3A_27, %dma_start3A_28] : memref<32x125x80xi32, #tpu.memory_space<hbm>> -> memref<1x125x80xi32, #tpu.memory_space<hbm>>
      %dma_start3A_30 = tpu.memref_squeeze %dma_start3A_29 : memref<1x125x80xi32, #tpu.memory_space<hbm>> -> memref<125x80xi32, #tpu.memory_space<hbm>>
      %dma_start3A_31 = arith.constant 0 : i32
      %dma_start3A_32 = arith.constant 0 : i32
      %dma_start3A_33 = tpu.memref_slice %arg4[%add3A, %dma_start3A_31, %dma_start3A_32] : memref<32x125x80xi32, #tpu.memory_space<hbm>> -> memref<1x125x80xi32, #tpu.memory_space<hbm>>
      %dma_start3A_34 = tpu.memref_squeeze %dma_start3A_33 : memref<1x125x80xi32, #tpu.memory_space<hbm>> -> memref<125x80xi32, #tpu.memory_space<hbm>>
      tpu.enqueue_dma source(%dma_start3A_34 : memref<125x80xi32, #tpu.memory_space<hbm>>) target(%arg9 : memref<125x80xi32, #tpu.memory_space<vmem>>) target_semaphore(%run_scoped3A_26 : memref<!tpu.dma_semaphore, #tpu.memory_space<semaphore_mem>>)
      %dma_wait3A_35 = arith.constant 0 : i32
      %dma_wait3A_36 = arith.constant 0 : i32
      %dma_wait3A_37 = tpu.memref_slice %arg4[%add3A, %dma_wait3A_35, %dma_wait3A_36] : memref<32x125x80xi32, #tpu.memory_space<hbm>> -> memref<1x125x80xi32, #tpu.memory_space<hbm>>
      %dma_wait3A_38 = tpu.memref_squeeze %dma_wait3A_37 : memref<1x125x80xi32, #tpu.memory_space<hbm>> -> memref<125x80xi32, #tpu.memory_space<hbm>>
      %dma_wait3A_39 = arith.constant 0 : i32
      %dma_wait3A_40 = arith.constant 0 : i32
      %dma_wait3A_41 = tpu.memref_slice %arg4[%add3A, %dma_wait3A_39, %dma_wait3A_40] : memref<32x125x80xi32, #tpu.memory_space<hbm>> -> memref<1x125x80xi32, #tpu.memory_space<hbm>>
      %dma_wait3A_42 = tpu.memref_squeeze %dma_wait3A_41 : memref<1x125x80xi32, #tpu.memory_space<hbm>> -> memref<125x80xi32, #tpu.memory_space<hbm>>
      tpu.wait_dma2 semaphore(%run_scoped3A_26 : memref<!tpu.dma_semaphore, #tpu.memory_space<semaphore_mem>>) src(%dma_wait3A_42 : memref<125x80xi32, #tpu.memory_space<hbm>>) dst(%arg9 : memref<125x80xi32, #tpu.memory_space<vmem>>)
      tpu.yield
    }) : () -> ()
    %scan3A = arith.constant 0 : i32
    %scan3A_3 = arith.constant 4 : i32
    %scan3A_4 = arith.addi %scan3A, %scan3A_3 : i32
    %scan3A_5 = arith.constant 1 : i32
    scf.for %scan3A_26 = %scan3A to %scan3A_4 step %scan3A_5  : i32 {
      %mul3A_27 = arith.constant 1 : i32
      %mul3A_28 = arith.muli %scan3A_26, %mul3A_27 : i32
      %add3A_29 = arith.constant 0 : i32
      %add3A_30 = arith.addi %add3A_29, %mul3A_28 : i32
      %mul3A_31 = arith.constant 2 : i32
      %mul3A_32 = arith.muli %mul3A_31, %add3A_30 : i32
      %mul3A_33 = arith.constant 80 : i32
      %mul3A_34 = arith.muli %mul3A_32, %mul3A_33 : i32
      %add3A_35 = arith.addi %mul3A_2, %mul3A_34 : i32
      %add3A_36 = arith.constant 80 : i32
      %add3A_37 = arith.addi %add3A_35, %add3A_36 : i32
      %dma_start3A_38 = arith.constant 0 : i32
      %dma_start3A_39 = tpu.memref_slice %arg5[%add3A_35, %dma_start3A_38] : memref<10240x128xf32, #tpu.memory_space<hbm>> -> memref<80x128xf32, #tpu.memory_space<hbm>>
      %dma_start3A_40 = arith.constant 0 : i32
      %dma_start3A_41 = tpu.memref_slice %arg5[%add3A_35, %dma_start3A_40] : memref<10240x128xf32, #tpu.memory_space<hbm>> -> memref<80x128xf32, #tpu.memory_space<hbm>>
      tpu.enqueue_dma source(%dma_start3A_41 : memref<80x128xf32, #tpu.memory_space<hbm>>) target(%arg10 : memref<80x128xf32, #tpu.memory_space<vmem>>) target_semaphore(%arg13 : memref<!tpu.dma_semaphore, #tpu.memory_space<semaphore_mem>>)
      %dma_start3A_42 = arith.constant 0 : i32
      %dma_start3A_43 = tpu.memref_slice %arg5[%add3A_37, %dma_start3A_42] : memref<10240x128xf32, #tpu.memory_space<hbm>> -> memref<80x128xf32, #tpu.memory_space<hbm>>
      %dma_start3A_44 = arith.constant 0 : i32
      %dma_start3A_45 = tpu.memref_slice %arg5[%add3A_37, %dma_start3A_44] : memref<10240x128xf32, #tpu.memory_space<hbm>> -> memref<80x128xf32, #tpu.memory_space<hbm>>
      tpu.enqueue_dma source(%dma_start3A_45 : memref<80x128xf32, #tpu.memory_space<hbm>>) target(%arg11 : memref<80x128xf32, #tpu.memory_space<vmem>>) target_semaphore(%arg14 : memref<!tpu.dma_semaphore, #tpu.memory_space<semaphore_mem>>)
      %dma_wait3A_46 = arith.constant 0 : i32
      %dma_wait3A_47 = tpu.memref_slice %arg5[%add3A_35, %dma_wait3A_46] : memref<10240x128xf32, #tpu.memory_space<hbm>> -> memref<80x128xf32, #tpu.memory_space<hbm>>
      %dma_wait3A_48 = arith.constant 0 : i32
      %dma_wait3A_49 = tpu.memref_slice %arg5[%add3A_35, %dma_wait3A_48] : memref<10240x128xf32, #tpu.memory_space<hbm>> -> memref<80x128xf32, #tpu.memory_space<hbm>>
      tpu.wait_dma2 semaphore(%arg13 : memref<!tpu.dma_semaphore, #tpu.memory_space<semaphore_mem>>) src(%dma_wait3A_49 : memref<80x128xf32, #tpu.memory_space<hbm>>) dst(%arg10 : memref<80x128xf32, #tpu.memory_space<vmem>>)
      %dma_start3A_50 = arith.constant 0 : i32
      %dma_start3A_51 = tpu.memref_slice %arg12[%add3A_35, %dma_start3A_50] : memref<10240x128xf32, #tpu.memory_space<vmem_shared>> -> memref<80x128xf32, #tpu.memory_space<vmem_shared>>
      %dma_start3A_52 = arith.constant 0 : i32
      %dma_start3A_53 = tpu.memref_slice %arg12[%add3A_35, %dma_start3A_52] : memref<10240x128xf32, #tpu.memory_space<vmem_shared>> -> memref<80x128xf32, #tpu.memory_space<vmem_shared>>
      tpu.enqueue_dma source(%arg10 : memref<80x128xf32, #tpu.memory_space<vmem>>) target(%dma_start3A_53 : memref<80x128xf32, #tpu.memory_space<vmem_shared>>) target_semaphore(%arg13 : memref<!tpu.dma_semaphore, #tpu.memory_space<semaphore_mem>>)
      %dma_wait3A_54 = arith.constant 0 : i32
      %dma_wait3A_55 = tpu.memref_slice %arg5[%add3A_37, %dma_wait3A_54] : memref<10240x128xf32, #tpu.memory_space<hbm>> -> memref<80x128xf32, #tpu.memory_space<hbm>>
      %dma_wait3A_56 = arith.constant 0 : i32
      %dma_wait3A_57 = tpu.memref_slice %arg5[%add3A_37, %dma_wait3A_56] : memref<10240x128xf32, #tpu.memory_space<hbm>> -> memref<80x128xf32, #tpu.memory_space<hbm>>
      tpu.wait_dma2 semaphore(%arg14 : memref<!tpu.dma_semaphore, #tpu.memory_space<semaphore_mem>>) src(%dma_wait3A_57 : memref<80x128xf32, #tpu.memory_space<hbm>>) dst(%arg11 : memref<80x128xf32, #tpu.memory_space<vmem>>)
      %dma_start3A_58 = arith.constant 0 : i32
      %dma_start3A_59 = tpu.memref_slice %arg12[%add3A_37, %dma_start3A_58] : memref<10240x128xf32, #tpu.memory_space<vmem_shared>> -> memref<80x128xf32, #tpu.memory_space<vmem_shared>>
      %dma_start3A_60 = arith.constant 0 : i32
      %dma_start3A_61 = tpu.memref_slice %arg12[%add3A_37, %dma_start3A_60] : memref<10240x128xf32, #tpu.memory_space<vmem_shared>> -> memref<80x128xf32, #tpu.memory_space<vmem_shared>>
      tpu.enqueue_dma source(%arg11 : memref<80x128xf32, #tpu.memory_space<vmem>>) target(%dma_start3A_61 : memref<80x128xf32, #tpu.memory_space<vmem_shared>>) target_semaphore(%arg14 : memref<!tpu.dma_semaphore, #tpu.memory_space<semaphore_mem>>)
      %dma_wait3A_62 = arith.constant 0 : i32
      %dma_wait3A_63 = tpu.memref_slice %arg12[%add3A_35, %dma_wait3A_62] : memref<10240x128xf32, #tpu.memory_space<vmem_shared>> -> memref<80x128xf32, #tpu.memory_space<vmem_shared>>
      %dma_wait3A_64 = arith.constant 0 : i32
      %dma_wait3A_65 = tpu.memref_slice %arg12[%add3A_35, %dma_wait3A_64] : memref<10240x128xf32, #tpu.memory_space<vmem_shared>> -> memref<80x128xf32, #tpu.memory_space<vmem_shared>>
      tpu.wait_dma2 semaphore(%arg13 : memref<!tpu.dma_semaphore, #tpu.memory_space<semaphore_mem>>) src(%arg10 : memref<80x128xf32, #tpu.memory_space<vmem>>) dst(%dma_wait3A_65 : memref<80x128xf32, #tpu.memory_space<vmem_shared>>)
      %dma_wait3A_66 = arith.constant 0 : i32
      %dma_wait3A_67 = tpu.memref_slice %arg12[%add3A_37, %dma_wait3A_66] : memref<10240x128xf32, #tpu.memory_space<vmem_shared>> -> memref<80x128xf32, #tpu.memory_space<vmem_shared>>
      %dma_wait3A_68 = arith.constant 0 : i32
      %dma_wait3A_69 = tpu.memref_slice %arg12[%add3A_37, %dma_wait3A_68] : memref<10240x128xf32, #tpu.memory_space<vmem_shared>> -> memref<80x128xf32, #tpu.memory_space<vmem_shared>>
      tpu.wait_dma2 semaphore(%arg14 : memref<!tpu.dma_semaphore, #tpu.memory_space<semaphore_mem>>) src(%arg11 : memref<80x128xf32, #tpu.memory_space<vmem>>) dst(%dma_wait3A_69 : memref<80x128xf32, #tpu.memory_space<vmem_shared>>)
    }
    %scan3A_6 = arith.constant 4 : i32
    %barrier3A = arith.constant 0 : index
    tpu.barrier barrier_id(%barrier3A)
    %scan3A_7 = arith.constant 0 : i32
    %scan3A_8 = arith.constant 31 : i32
    %scan3A_9 = arith.addi %scan3A_7, %scan3A_8 : i32
    %scan3A_10 = arith.constant 1 : i32
    scf.for %scan3A_26 = %scan3A_7 to %scan3A_9 step %scan3A_10  : i32 {
      %mul3A_27 = arith.constant 1 : i32
      %mul3A_28 = arith.muli %scan3A_26, %mul3A_27 : i32
      %add3A_29 = arith.constant 0 : i32
      %add3A_30 = arith.addi %add3A_29, %mul3A_28 : i32
      %mul3A_31 = arith.constant 4 : i32
      %mul3A_32 = arith.muli %mul3A_31, %add3A_30 : i32
      %mul3A_33 = arith.constant 80 : i32
      %mul3A_34 = arith.muli %mul3A_32, %mul3A_33 : i32
      %dma_start3A_35 = tpu.memref_slice %arg8[%mul3A_34] : memref<10000xi32, #tpu.memory_space<vmem>> -> memref<80xi32, #tpu.memory_space<vmem>>
      %dma_start3A_36 = arith.constant 0 : i32
      %dma_start3A_37 = arith.constant 0 : i32
      %dma_start3A_38 = tpu.memref_slice %arg2[%dma_start3A_36, %dma_start3A_37] : memref<10000x128xf32, #tpu.memory_space<hbm>> -> memref<10000x128xf32, #tpu.memory_space<hbm>>
      tpu.enqueue_indirect_dma source(%dma_start3A_38 : memref<10000x128xf32, #tpu.memory_space<hbm>>) target(%arg10 : memref<80x128xf32, #tpu.memory_space<vmem>>) offsets(%dma_start3A_35 : memref<80xi32, #tpu.memory_space<vmem>>) semaphore(%arg13 : memref<!tpu.dma_semaphore, #tpu.memory_space<semaphore_mem>>)
      %add3A_39 = arith.constant 1 : i32
      %add3A_40 = arith.addi %mul3A_32, %add3A_39 : i32
      %mul3A_41 = arith.constant 80 : i32
      %mul3A_42 = arith.muli %add3A_40, %mul3A_41 : i32
      %dma_start3A_43 = tpu.memref_slice %arg8[%mul3A_42] : memref<10000xi32, #tpu.memory_space<vmem>> -> memref<80xi32, #tpu.memory_space<vmem>>
      %dma_start3A_44 = arith.constant 0 : i32
      %dma_start3A_45 = arith.constant 0 : i32
      %dma_start3A_46 = tpu.memref_slice %arg2[%dma_start3A_44, %dma_start3A_45] : memref<10000x128xf32, #tpu.memory_space<hbm>> -> memref<10000x128xf32, #tpu.memory_space<hbm>>
      tpu.enqueue_indirect_dma source(%dma_start3A_46 : memref<10000x128xf32, #tpu.memory_space<hbm>>) target(%arg11 : memref<80x128xf32, #tpu.memory_space<vmem>>) offsets(%dma_start3A_43 : memref<80xi32, #tpu.memory_space<vmem>>) semaphore(%arg14 : memref<!tpu.dma_semaphore, #tpu.memory_space<semaphore_mem>>)
      %dma_wait3A_47 = tpu.memref_slice %arg8[%mul3A_34] : memref<10000xi32, #tpu.memory_space<vmem>> -> memref<80xi32, #tpu.memory_space<vmem>>
      %dma_wait3A_48 = arith.constant 0 : i32
      %dma_wait3A_49 = arith.constant 0 : i32
      %dma_wait3A_50 = tpu.memref_slice %arg2[%dma_wait3A_48, %dma_wait3A_49] : memref<10000x128xf32, #tpu.memory_space<hbm>> -> memref<10000x128xf32, #tpu.memory_space<hbm>>
      tpu.wait_indirect_dma semaphore(%arg13 : memref<!tpu.dma_semaphore, #tpu.memory_space<semaphore_mem>>) src(%dma_wait3A_50 : memref<10000x128xf32, #tpu.memory_space<hbm>>) dst(%arg10 : memref<80x128xf32, #tpu.memory_space<vmem>>)
      %dma_start3A_51 = arith.constant 0 : i32
      %dma_start3A_52 = tpu.memref_slice %arg9[%mul3A_32, %dma_start3A_51] : memref<125x80xi32, #tpu.memory_space<vmem>> -> memref<1x80xi32, #tpu.memory_space<vmem>>
      %dma_start3A_53 = tpu.memref_squeeze %dma_start3A_52 : memref<1x80xi32, #tpu.memory_space<vmem>> -> memref<80xi32, #tpu.memory_space<vmem>>
      %dma_start3A_54 = arith.constant 0 : i32
      %dma_start3A_55 = arith.constant 0 : i32
      %dma_start3A_56 = tpu.memref_slice %arg12[%dma_start3A_54, %dma_start3A_55] : memref<10240x128xf32, #tpu.memory_space<vmem_shared>> -> memref<10240x128xf32, #tpu.memory_space<vmem_shared>>
      tpu.enqueue_indirect_dma source(%arg10 : memref<80x128xf32, #tpu.memory_space<vmem>>) target(%dma_start3A_56 : memref<10240x128xf32, #tpu.memory_space<vmem_shared>>) offsets(%dma_start3A_53 : memref<80xi32, #tpu.memory_space<vmem>>) semaphore(%arg13 : memref<!tpu.dma_semaphore, #tpu.memory_space<semaphore_mem>>) {add = true}
      %dma_wait3A_57 = tpu.memref_slice %arg8[%mul3A_42] : memref<10000xi32, #tpu.memory_space<vmem>> -> memref<80xi32, #tpu.memory_space<vmem>>
      %dma_wait3A_58 = arith.constant 0 : i32
      %dma_wait3A_59 = arith.constant 0 : i32
      %dma_wait3A_60 = tpu.memref_slice %arg2[%dma_wait3A_58, %dma_wait3A_59] : memref<10000x128xf32, #tpu.memory_space<hbm>> -> memref<10000x128xf32, #tpu.memory_space<hbm>>
      tpu.wait_indirect_dma semaphore(%arg14 : memref<!tpu.dma_semaphore, #tpu.memory_space<semaphore_mem>>) src(%dma_wait3A_60 : memref<10000x128xf32, #tpu.memory_space<hbm>>) dst(%arg11 : memref<80x128xf32, #tpu.memory_space<vmem>>)
      %add3A_61 = arith.constant 1 : i32
      %add3A_62 = arith.addi %mul3A_32, %add3A_61 : i32
      %dma_start3A_63 = arith.constant 0 : i32
      %dma_start3A_64 = tpu.memref_slice %arg9[%add3A_62, %dma_start3A_63] : memref<125x80xi32, #tpu.memory_space<vmem>> -> memref<1x80xi32, #tpu.memory_space<vmem>>
      %dma_start3A_65 = tpu.memref_squeeze %dma_start3A_64 : memref<1x80xi32, #tpu.memory_space<vmem>> -> memref<80xi32, #tpu.memory_space<vmem>>
      %dma_start3A_66 = arith.constant 0 : i32
      %dma_start3A_67 = arith.constant 0 : i32
      %dma_start3A_68 = tpu.memref_slice %arg12[%dma_start3A_66, %dma_start3A_67] : memref<10240x128xf32, #tpu.memory_space<vmem_shared>> -> memref<10240x128xf32, #tpu.memory_space<vmem_shared>>
      tpu.enqueue_indirect_dma source(%arg11 : memref<80x128xf32, #tpu.memory_space<vmem>>) target(%dma_start3A_68 : memref<10240x128xf32, #tpu.memory_space<vmem_shared>>) offsets(%dma_start3A_65 : memref<80xi32, #tpu.memory_space<vmem>>) semaphore(%arg14 : memref<!tpu.dma_semaphore, #tpu.memory_space<semaphore_mem>>) {add = true}
      %dma_wait3A_69 = arith.constant 0 : i32
      %dma_wait3A_70 = tpu.memref_slice %arg9[%mul3A_32, %dma_wait3A_69] : memref<125x80xi32, #tpu.memory_space<vmem>> -> memref<1x80xi32, #tpu.memory_space<vmem>>
      %dma_wait3A_71 = tpu.memref_squeeze %dma_wait3A_70 : memref<1x80xi32, #tpu.memory_space<vmem>> -> memref<80xi32, #tpu.memory_space<vmem>>
      %dma_wait3A_72 = arith.constant 0 : i32
      %dma_wait3A_73 = arith.constant 0 : i32
      %dma_wait3A_74 = tpu.memref_slice %arg12[%dma_wait3A_72, %dma_wait3A_73] : memref<10240x128xf32, #tpu.memory_space<vmem_shared>> -> memref<10240x128xf32, #tpu.memory_space<vmem_shared>>
      tpu.wait_indirect_dma semaphore(%arg13 : memref<!tpu.dma_semaphore, #tpu.memory_space<semaphore_mem>>) src(%arg10 : memref<80x128xf32, #tpu.memory_space<vmem>>) dst(%dma_wait3A_74 : memref<10240x128xf32, #tpu.memory_space<vmem_shared>>)
      %add3A_75 = arith.constant 2 : i32
      %add3A_76 = arith.addi %mul3A_32, %add3A_75 : i32
      %mul3A_77 = arith.constant 80 : i32
      %mul3A_78 = arith.muli %add3A_76, %mul3A_77 : i32
      %dma_start3A_79 = tpu.memref_slice %arg8[%mul3A_78] : memref<10000xi32, #tpu.memory_space<vmem>> -> memref<80xi32, #tpu.memory_space<vmem>>
      %dma_start3A_80 = arith.constant 0 : i32
      %dma_start3A_81 = arith.constant 0 : i32
      %dma_start3A_82 = tpu.memref_slice %arg2[%dma_start3A_80, %dma_start3A_81] : memref<10000x128xf32, #tpu.memory_space<hbm>> -> memref<10000x128xf32, #tpu.memory_space<hbm>>
      tpu.enqueue_indirect_dma source(%dma_start3A_82 : memref<10000x128xf32, #tpu.memory_space<hbm>>) target(%arg10 : memref<80x128xf32, #tpu.memory_space<vmem>>) offsets(%dma_start3A_79 : memref<80xi32, #tpu.memory_space<vmem>>) semaphore(%arg13 : memref<!tpu.dma_semaphore, #tpu.memory_space<semaphore_mem>>)
      %dma_wait3A_83 = arith.constant 0 : i32
      %dma_wait3A_84 = tpu.memref_slice %arg9[%add3A_62, %dma_wait3A_83] : memref<125x80xi32, #tpu.memory_space<vmem>> -> memref<1x80xi32, #tpu.memory_space<vmem>>
      %dma_wait3A_85 = tpu.memref_squeeze %dma_wait3A_84 : memref<1x80xi32, #tpu.memory_space<vmem>> -> memref<80xi32, #tpu.memory_space<vmem>>
      %dma_wait3A_86 = arith.constant 0 : i32
      %dma_wait3A_87 = arith.constant 0 : i32
      %dma_wait3A_88 = tpu.memref_slice %arg12[%dma_wait3A_86, %dma_wait3A_87] : memref<10240x128xf32, #tpu.memory_space<vmem_shared>> -> memref<10240x128xf32, #tpu.memory_space<vmem_shared>>
      tpu.wait_indirect_dma semaphore(%arg14 : memref<!tpu.dma_semaphore, #tpu.memory_space<semaphore_mem>>) src(%arg11 : memref<80x128xf32, #tpu.memory_space<vmem>>) dst(%dma_wait3A_88 : memref<10240x128xf32, #tpu.memory_space<vmem_shared>>)
      %add3A_89 = arith.constant 3 : i32
      %add3A_90 = arith.addi %mul3A_32, %add3A_89 : i32
      %mul3A_91 = arith.constant 80 : i32
      %mul3A_92 = arith.muli %add3A_90, %mul3A_91 : i32
      %dma_start3A_93 = tpu.memref_slice %arg8[%mul3A_92] : memref<10000xi32, #tpu.memory_space<vmem>> -> memref<80xi32, #tpu.memory_space<vmem>>
      %dma_start3A_94 = arith.constant 0 : i32
      %dma_start3A_95 = arith.constant 0 : i32
      %dma_start3A_96 = tpu.memref_slice %arg2[%dma_start3A_94, %dma_start3A_95] : memref<10000x128xf32, #tpu.memory_space<hbm>> -> memref<10000x128xf32, #tpu.memory_space<hbm>>
      tpu.enqueue_indirect_dma source(%dma_start3A_96 : memref<10000x128xf32, #tpu.memory_space<hbm>>) target(%arg11 : memref<80x128xf32, #tpu.memory_space<vmem>>) offsets(%dma_start3A_93 : memref<80xi32, #tpu.memory_space<vmem>>) semaphore(%arg14 : memref<!tpu.dma_semaphore, #tpu.memory_space<semaphore_mem>>)
      %dma_wait3A_97 = tpu.memref_slice %arg8[%mul3A_78] : memref<10000xi32, #tpu.memory_space<vmem>> -> memref<80xi32, #tpu.memory_space<vmem>>
      %dma_wait3A_98 = arith.constant 0 : i32
      %dma_wait3A_99 = arith.constant 0 : i32
      %dma_wait3A_100 = tpu.memref_slice %arg2[%dma_wait3A_98, %dma_wait3A_99] : memref<10000x128xf32, #tpu.memory_space<hbm>> -> memref<10000x128xf32, #tpu.memory_space<hbm>>
      tpu.wait_indirect_dma semaphore(%arg13 : memref<!tpu.dma_semaphore, #tpu.memory_space<semaphore_mem>>) src(%dma_wait3A_100 : memref<10000x128xf32, #tpu.memory_space<hbm>>) dst(%arg10 : memref<80x128xf32, #tpu.memory_space<vmem>>)
      %add3A_101 = arith.constant 2 : i32
      %add3A_102 = arith.addi %mul3A_32, %add3A_101 : i32
      %dma_start3A_103 = arith.constant 0 : i32
      %dma_start3A_104 = tpu.memref_slice %arg9[%add3A_102, %dma_start3A_103] : memref<125x80xi32, #tpu.memory_space<vmem>> -> memref<1x80xi32, #tpu.memory_space<vmem>>
      %dma_start3A_105 = tpu.memref_squeeze %dma_start3A_104 : memref<1x80xi32, #tpu.memory_space<vmem>> -> memref<80xi32, #tpu.memory_space<vmem>>
      %dma_start3A_106 = arith.constant 0 : i32
      %dma_start3A_107 = arith.constant 0 : i32
      %dma_start3A_108 = tpu.memref_slice %arg12[%dma_start3A_106, %dma_start3A_107] : memref<10240x128xf32, #tpu.memory_space<vmem_shared>> -> memref<10240x128xf32, #tpu.memory_space<vmem_shared>>
      tpu.enqueue_indirect_dma source(%arg10 : memref<80x128xf32, #tpu.memory_space<vmem>>) target(%dma_start3A_108 : memref<10240x128xf32, #tpu.memory_space<vmem_shared>>) offsets(%dma_start3A_105 : memref<80xi32, #tpu.memory_space<vmem>>) semaphore(%arg13 : memref<!tpu.dma_semaphore, #tpu.memory_space<semaphore_mem>>) {add = true}
      %dma_wait3A_109 = tpu.memref_slice %arg8[%mul3A_92] : memref<10000xi32, #tpu.memory_space<vmem>> -> memref<80xi32, #tpu.memory_space<vmem>>
      %dma_wait3A_110 = arith.constant 0 : i32
      %dma_wait3A_111 = arith.constant 0 : i32
      %dma_wait3A_112 = tpu.memref_slice %arg2[%dma_wait3A_110, %dma_wait3A_111] : memref<10000x128xf32, #tpu.memory_space<hbm>> -> memref<10000x128xf32, #tpu.memory_space<hbm>>
      tpu.wait_indirect_dma semaphore(%arg14 : memref<!tpu.dma_semaphore, #tpu.memory_space<semaphore_mem>>) src(%dma_wait3A_112 : memref<10000x128xf32, #tpu.memory_space<hbm>>) dst(%arg11 : memref<80x128xf32, #tpu.memory_space<vmem>>)
      %add3A_113 = arith.constant 3 : i32
      %add3A_114 = arith.addi %mul3A_32, %add3A_113 : i32
      %dma_start3A_115 = arith.constant 0 : i32
      %dma_start3A_116 = tpu.memref_slice %arg9[%add3A_114, %dma_start3A_115] : memref<125x80xi32, #tpu.memory_space<vmem>> -> memref<1x80xi32, #tpu.memory_space<vmem>>
      %dma_start3A_117 = tpu.memref_squeeze %dma_start3A_116 : memref<1x80xi32, #tpu.memory_space<vmem>> -> memref<80xi32, #tpu.memory_space<vmem>>
      %dma_start3A_118 = arith.constant 0 : i32
      %dma_start3A_119 = arith.constant 0 : i32
      %dma_start3A_120 = tpu.memref_slice %arg12[%dma_start3A_118, %dma_start3A_119] : memref<10240x128xf32, #tpu.memory_space<vmem_shared>> -> memref<10240x128xf32, #tpu.memory_space<vmem_shared>>
      tpu.enqueue_indirect_dma source(%arg11 : memref<80x128xf32, #tpu.memory_space<vmem>>) target(%dma_start3A_120 : memref<10240x128xf32, #tpu.memory_space<vmem_shared>>) offsets(%dma_start3A_117 : memref<80xi32, #tpu.memory_space<vmem>>) semaphore(%arg14 : memref<!tpu.dma_semaphore, #tpu.memory_space<semaphore_mem>>) {add = true}
      %dma_wait3A_121 = arith.constant 0 : i32
      %dma_wait3A_122 = tpu.memref_slice %arg9[%add3A_102, %dma_wait3A_121] : memref<125x80xi32, #tpu.memory_space<vmem>> -> memref<1x80xi32, #tpu.memory_space<vmem>>
      %dma_wait3A_123 = tpu.memref_squeeze %dma_wait3A_122 : memref<1x80xi32, #tpu.memory_space<vmem>> -> memref<80xi32, #tpu.memory_space<vmem>>
      %dma_wait3A_124 = arith.constant 0 : i32
      %dma_wait3A_125 = arith.constant 0 : i32
      %dma_wait3A_126 = tpu.memref_slice %arg12[%dma_wait3A_124, %dma_wait3A_125] : memref<10240x128xf32, #tpu.memory_space<vmem_shared>> -> memref<10240x128xf32, #tpu.memory_space<vmem_shared>>
      tpu.wait_indirect_dma semaphore(%arg13 : memref<!tpu.dma_semaphore, #tpu.memory_space<semaphore_mem>>) src(%arg10 : memref<80x128xf32, #tpu.memory_space<vmem>>) dst(%dma_wait3A_126 : memref<10240x128xf32, #tpu.memory_space<vmem_shared>>)
      %dma_wait3A_127 = arith.constant 0 : i32
      %dma_wait3A_128 = tpu.memref_slice %arg9[%add3A_114, %dma_wait3A_127] : memref<125x80xi32, #tpu.memory_space<vmem>> -> memref<1x80xi32, #tpu.memory_space<vmem>>
      %dma_wait3A_129 = tpu.memref_squeeze %dma_wait3A_128 : memref<1x80xi32, #tpu.memory_space<vmem>> -> memref<80xi32, #tpu.memory_space<vmem>>
      %dma_wait3A_130 = arith.constant 0 : i32
      %dma_wait3A_131 = arith.constant 0 : i32
      %dma_wait3A_132 = tpu.memref_slice %arg12[%dma_wait3A_130, %dma_wait3A_131] : memref<10240x128xf32, #tpu.memory_space<vmem_shared>> -> memref<10240x128xf32, #tpu.memory_space<vmem_shared>>
      tpu.wait_indirect_dma semaphore(%arg14 : memref<!tpu.dma_semaphore, #tpu.memory_space<semaphore_mem>>) src(%arg11 : memref<80x128xf32, #tpu.memory_space<vmem>>) dst(%dma_wait3A_132 : memref<10240x128xf32, #tpu.memory_space<vmem_shared>>)
    }
    %scan3A_11 = arith.constant 31 : i32
    %dma_start3A = arith.constant 9920 : i32
    %dma_start3A_12 = tpu.memref_slice %arg8[%dma_start3A] : memref<10000xi32, #tpu.memory_space<vmem>> -> memref<80xi32, #tpu.memory_space<vmem>>
    %dma_start3A_13 = arith.constant 0 : i32
    %dma_start3A_14 = arith.constant 0 : i32
    %dma_start3A_15 = tpu.memref_slice %arg2[%dma_start3A_13, %dma_start3A_14] : memref<10000x128xf32, #tpu.memory_space<hbm>> -> memref<10000x128xf32, #tpu.memory_space<hbm>>
    tpu.enqueue_indirect_dma source(%dma_start3A_15 : memref<10000x128xf32, #tpu.memory_space<hbm>>) target(%arg10 : memref<80x128xf32, #tpu.memory_space<vmem>>) offsets(%dma_start3A_12 : memref<80xi32, #tpu.memory_space<vmem>>) semaphore(%arg13 : memref<!tpu.dma_semaphore, #tpu.memory_space<semaphore_mem>>)
    %dma_wait3A = arith.constant 9920 : i32
    %dma_wait3A_16 = tpu.memref_slice %arg8[%dma_wait3A] : memref<10000xi32, #tpu.memory_space<vmem>> -> memref<80xi32, #tpu.memory_space<vmem>>
    %dma_wait3A_17 = arith.constant 0 : i32
    %dma_wait3A_18 = arith.constant 0 : i32
    %dma_wait3A_19 = tpu.memref_slice %arg2[%dma_wait3A_17, %dma_wait3A_18] : memref<10000x128xf32, #tpu.memory_space<hbm>> -> memref<10000x128xf32, #tpu.memory_space<hbm>>
    tpu.wait_indirect_dma semaphore(%arg13 : memref<!tpu.dma_semaphore, #tpu.memory_space<semaphore_mem>>) src(%dma_wait3A_19 : memref<10000x128xf32, #tpu.memory_space<hbm>>) dst(%arg10 : memref<80x128xf32, #tpu.memory_space<vmem>>)
    %run_scoped3A = arith.constant 124 : i32
    "tpu.region"() ({
      %run_scoped3A_26 = tpu.sem_alloc : memref<!tpu.dma_semaphore, #tpu.memory_space<semaphore_mem>>
      %dma_start3A_27 = arith.constant 0 : i32
      %dma_start3A_28 = tpu.memref_slice %arg9[%run_scoped3A, %dma_start3A_27] : memref<125x80xi32, #tpu.memory_space<vmem>> -> memref<1x80xi32, #tpu.memory_space<vmem>>
      %dma_start3A_29 = tpu.memref_squeeze %dma_start3A_28 : memref<1x80xi32, #tpu.memory_space<vmem>> -> memref<80xi32, #tpu.memory_space<vmem>>
      %dma_start3A_30 = arith.constant 0 : i32
      %dma_start3A_31 = arith.constant 0 : i32
      %dma_start3A_32 = tpu.memref_slice %arg12[%dma_start3A_30, %dma_start3A_31] : memref<10240x128xf32, #tpu.memory_space<vmem_shared>> -> memref<10240x128xf32, #tpu.memory_space<vmem_shared>>
      tpu.enqueue_indirect_dma source(%arg10 : memref<80x128xf32, #tpu.memory_space<vmem>>) target(%dma_start3A_32 : memref<10240x128xf32, #tpu.memory_space<vmem_shared>>) offsets(%dma_start3A_29 : memref<80xi32, #tpu.memory_space<vmem>>) semaphore(%run_scoped3A_26 : memref<!tpu.dma_semaphore, #tpu.memory_space<semaphore_mem>>) {add = true}
      %dma_wait3A_33 = arith.constant 0 : i32
      %dma_wait3A_34 = tpu.memref_slice %arg9[%run_scoped3A, %dma_wait3A_33] : memref<125x80xi32, #tpu.memory_space<vmem>> -> memref<1x80xi32, #tpu.memory_space<vmem>>
      %dma_wait3A_35 = tpu.memref_squeeze %dma_wait3A_34 : memref<1x80xi32, #tpu.memory_space<vmem>> -> memref<80xi32, #tpu.memory_space<vmem>>
      %dma_wait3A_36 = arith.constant 0 : i32
      %dma_wait3A_37 = arith.constant 0 : i32
      %dma_wait3A_38 = tpu.memref_slice %arg12[%dma_wait3A_36, %dma_wait3A_37] : memref<10240x128xf32, #tpu.memory_space<vmem_shared>> -> memref<10240x128xf32, #tpu.memory_space<vmem_shared>>
      tpu.wait_indirect_dma semaphore(%run_scoped3A_26 : memref<!tpu.dma_semaphore, #tpu.memory_space<semaphore_mem>>) src(%arg10 : memref<80x128xf32, #tpu.memory_space<vmem>>) dst(%dma_wait3A_38 : memref<10240x128xf32, #tpu.memory_space<vmem_shared>>)
      tpu.yield
    }) : () -> ()
    %barrier3A_20 = arith.constant 0 : index
    tpu.barrier barrier_id(%barrier3A_20)
    %scan3A_21 = arith.constant 0 : i32
    %scan3A_22 = arith.constant 4 : i32
    %scan3A_23 = arith.addi %scan3A_21, %scan3A_22 : i32
    %scan3A_24 = arith.constant 1 : i32
    scf.for %scan3A_26 = %scan3A_21 to %scan3A_23 step %scan3A_24  : i32 {
      %mul3A_27 = arith.constant 1 : i32
      %mul3A_28 = arith.muli %scan3A_26, %mul3A_27 : i32
      %add3A_29 = arith.constant 0 : i32
      %add3A_30 = arith.addi %add3A_29, %mul3A_28 : i32
      %mul3A_31 = arith.constant 2 : i32
      %mul3A_32 = arith.muli %mul3A_31, %add3A_30 : i32
      %mul3A_33 = arith.constant 80 : i32
      %mul3A_34 = arith.muli %mul3A_32, %mul3A_33 : i32
      %add3A_35 = arith.addi %mul3A_2, %mul3A_34 : i32
      %add3A_36 = arith.constant 80 : i32
      %add3A_37 = arith.addi %add3A_35, %add3A_36 : i32
      %dma_start3A_38 = arith.constant 0 : i32
      %dma_start3A_39 = tpu.memref_slice %arg12[%add3A_35, %dma_start3A_38] : memref<10240x128xf32, #tpu.memory_space<vmem_shared>> -> memref<80x128xf32, #tpu.memory_space<vmem_shared>>
      %dma_start3A_40 = arith.constant 0 : i32
      %dma_start3A_41 = tpu.memref_slice %arg12[%add3A_35, %dma_start3A_40] : memref<10240x128xf32, #tpu.memory_space<vmem_shared>> -> memref<80x128xf32, #tpu.memory_space<vmem_shared>>
      tpu.enqueue_dma source(%dma_start3A_41 : memref<80x128xf32, #tpu.memory_space<vmem_shared>>) target(%arg10 : memref<80x128xf32, #tpu.memory_space<vmem>>) target_semaphore(%arg13 : memref<!tpu.dma_semaphore, #tpu.memory_space<semaphore_mem>>)
      %dma_start3A_42 = arith.constant 0 : i32
      %dma_start3A_43 = tpu.memref_slice %arg12[%add3A_37, %dma_start3A_42] : memref<10240x128xf32, #tpu.memory_space<vmem_shared>> -> memref<80x128xf32, #tpu.memory_space<vmem_shared>>
      %dma_start3A_44 = arith.constant 0 : i32
      %dma_start3A_45 = tpu.memref_slice %arg12[%add3A_37, %dma_start3A_44] : memref<10240x128xf32, #tpu.memory_space<vmem_shared>> -> memref<80x128xf32, #tpu.memory_space<vmem_shared>>
      tpu.enqueue_dma source(%dma_start3A_45 : memref<80x128xf32, #tpu.memory_space<vmem_shared>>) target(%arg11 : memref<80x128xf32, #tpu.memory_space<vmem>>) target_semaphore(%arg14 : memref<!tpu.dma_semaphore, #tpu.memory_space<semaphore_mem>>)
      %dma_wait3A_46 = arith.constant 0 : i32
      %dma_wait3A_47 = tpu.memref_slice %arg12[%add3A_35, %dma_wait3A_46] : memref<10240x128xf32, #tpu.memory_space<vmem_shared>> -> memref<80x128xf32, #tpu.memory_space<vmem_shared>>
      %dma_wait3A_48 = arith.constant 0 : i32
      %dma_wait3A_49 = tpu.memref_slice %arg12[%add3A_35, %dma_wait3A_48] : memref<10240x128xf32, #tpu.memory_space<vmem_shared>> -> memref<80x128xf32, #tpu.memory_space<vmem_shared>>
      tpu.wait_dma2 semaphore(%arg13 : memref<!tpu.dma_semaphore, #tpu.memory_space<semaphore_mem>>) src(%dma_wait3A_49 : memref<80x128xf32, #tpu.memory_space<vmem_shared>>) dst(%arg10 : memref<80x128xf32, #tpu.memory_space<vmem>>)
      %dma_start3A_50 = arith.constant 0 : i32
      %dma_start3A_51 = arith.constant 0 : i32
      %dma_start3A_52 = tpu.memref_slice %arg7[%arg0, %dma_start3A_50, %dma_start3A_51] : memref<2x10240x128xf32, #tpu.memory_space<hbm>> -> memref<1x10240x128xf32, #tpu.memory_space<hbm>>
      %dma_start3A_53 = tpu.memref_squeeze %dma_start3A_52 : memref<1x10240x128xf32, #tpu.memory_space<hbm>> -> memref<10240x128xf32, #tpu.memory_space<hbm>>
      %dma_start3A_54 = arith.constant 0 : i32
      %dma_start3A_55 = tpu.memref_slice %dma_start3A_53[%add3A_35, %dma_start3A_54] : memref<10240x128xf32, #tpu.memory_space<hbm>> -> memref<80x128xf32, #tpu.memory_space<hbm>>
      %dma_start3A_56 = arith.constant 0 : i32
      %dma_start3A_57 = arith.constant 0 : i32
      %dma_start3A_58 = tpu.memref_slice %arg7[%arg0, %dma_start3A_56, %dma_start3A_57] : memref<2x10240x128xf32, #tpu.memory_space<hbm>> -> memref<1x10240x128xf32, #tpu.memory_space<hbm>>
      %dma_start3A_59 = tpu.memref_squeeze %dma_start3A_58 : memref<1x10240x128xf32, #tpu.memory_space<hbm>> -> memref<10240x128xf32, #tpu.memory_space<hbm>>
      %dma_start3A_60 = arith.constant 0 : i32
      %dma_start3A_61 = tpu.memref_slice %dma_start3A_59[%add3A_35, %dma_start3A_60] : memref<10240x128xf32, #tpu.memory_space<hbm>> -> memref<80x128xf32, #tpu.memory_space<hbm>>
      tpu.enqueue_dma source(%arg10 : memref<80x128xf32, #tpu.memory_space<vmem>>) target(%dma_start3A_61 : memref<80x128xf32, #tpu.memory_space<hbm>>) target_semaphore(%arg13 : memref<!tpu.dma_semaphore, #tpu.memory_space<semaphore_mem>>)
      %dma_wait3A_62 = arith.constant 0 : i32
      %dma_wait3A_63 = tpu.memref_slice %arg12[%add3A_37, %dma_wait3A_62] : memref<10240x128xf32, #tpu.memory_space<vmem_shared>> -> memref<80x128xf32, #tpu.memory_space<vmem_shared>>
      %dma_wait3A_64 = arith.constant 0 : i32
      %dma_wait3A_65 = tpu.memref_slice %arg12[%add3A_37, %dma_wait3A_64] : memref<10240x128xf32, #tpu.memory_space<vmem_shared>> -> memref<80x128xf32, #tpu.memory_space<vmem_shared>>
      tpu.wait_dma2 semaphore(%arg14 : memref<!tpu.dma_semaphore, #tpu.memory_space<semaphore_mem>>) src(%dma_wait3A_65 : memref<80x128xf32, #tpu.memory_space<vmem_shared>>) dst(%arg11 : memref<80x128xf32, #tpu.memory_space<vmem>>)
      %dma_start3A_66 = arith.constant 0 : i32
      %dma_start3A_67 = arith.constant 0 : i32
      %dma_start3A_68 = tpu.memref_slice %arg7[%arg0, %dma_start3A_66, %dma_start3A_67] : memref<2x10240x128xf32, #tpu.memory_space<hbm>> -> memref<1x10240x128xf32, #tpu.memory_space<hbm>>
      %dma_start3A_69 = tpu.memref_squeeze %dma_start3A_68 : memref<1x10240x128xf32, #tpu.memory_space<hbm>> -> memref<10240x128xf32, #tpu.memory_space<hbm>>
      %dma_start3A_70 = arith.constant 0 : i32
      %dma_start3A_71 = tpu.memref_slice %dma_start3A_69[%add3A_37, %dma_start3A_70] : memref<10240x128xf32, #tpu.memory_space<hbm>> -> memref<80x128xf32, #tpu.memory_space<hbm>>
      %dma_start3A_72 = arith.constant 0 : i32
      %dma_start3A_73 = arith.constant 0 : i32
      %dma_start3A_74 = tpu.memref_slice %arg7[%arg0, %dma_start3A_72, %dma_start3A_73] : memref<2x10240x128xf32, #tpu.memory_space<hbm>> -> memref<1x10240x128xf32, #tpu.memory_space<hbm>>
      %dma_start3A_75 = tpu.memref_squeeze %dma_start3A_74 : memref<1x10240x128xf32, #tpu.memory_space<hbm>> -> memref<10240x128xf32, #tpu.memory_space<hbm>>
      %dma_start3A_76 = arith.constant 0 : i32
      %dma_start3A_77 = tpu.memref_slice %dma_start3A_75[%add3A_37, %dma_start3A_76] : memref<10240x128xf32, #tpu.memory_space<hbm>> -> memref<80x128xf32, #tpu.memory_space<hbm>>
      tpu.enqueue_dma source(%arg11 : memref<80x128xf32, #tpu.memory_space<vmem>>) target(%dma_start3A_77 : memref<80x128xf32, #tpu.memory_space<hbm>>) target_semaphore(%arg14 : memref<!tpu.dma_semaphore, #tpu.memory_space<semaphore_mem>>)
      %dma_wait3A_78 = arith.constant 0 : i32
      %dma_wait3A_79 = arith.constant 0 : i32
      %dma_wait3A_80 = tpu.memref_slice %arg7[%arg0, %dma_wait3A_78, %dma_wait3A_79] : memref<2x10240x128xf32, #tpu.memory_space<hbm>> -> memref<1x10240x128xf32, #tpu.memory_space<hbm>>
      %dma_wait3A_81 = tpu.memref_squeeze %dma_wait3A_80 : memref<1x10240x128xf32, #tpu.memory_space<hbm>> -> memref<10240x128xf32, #tpu.memory_space<hbm>>
      %dma_wait3A_82 = arith.constant 0 : i32
      %dma_wait3A_83 = tpu.memref_slice %dma_wait3A_81[%add3A_35, %dma_wait3A_82] : memref<10240x128xf32, #tpu.memory_space<hbm>> -> memref<80x128xf32, #tpu.memory_space<hbm>>
      %dma_wait3A_84 = arith.constant 0 : i32
      %dma_wait3A_85 = arith.constant 0 : i32
      %dma_wait3A_86 = tpu.memref_slice %arg7[%arg0, %dma_wait3A_84, %dma_wait3A_85] : memref<2x10240x128xf32, #tpu.memory_space<hbm>> -> memref<1x10240x128xf32, #tpu.memory_space<hbm>>
      %dma_wait3A_87 = tpu.memref_squeeze %dma_wait3A_86 : memref<1x10240x128xf32, #tpu.memory_space<hbm>> -> memref<10240x128xf32, #tpu.memory_space<hbm>>
      %dma_wait3A_88 = arith.constant 0 : i32
      %dma_wait3A_89 = tpu.memref_slice %dma_wait3A_87[%add3A_35, %dma_wait3A_88] : memref<10240x128xf32, #tpu.memory_space<hbm>> -> memref<80x128xf32, #tpu.memory_space<hbm>>
      tpu.wait_dma2 semaphore(%arg13 : memref<!tpu.dma_semaphore, #tpu.memory_space<semaphore_mem>>) src(%arg10 : memref<80x128xf32, #tpu.memory_space<vmem>>) dst(%dma_wait3A_89 : memref<80x128xf32, #tpu.memory_space<hbm>>)
      %dma_wait3A_90 = arith.constant 0 : i32
      %dma_wait3A_91 = arith.constant 0 : i32
      %dma_wait3A_92 = tpu.memref_slice %arg7[%arg0, %dma_wait3A_90, %dma_wait3A_91] : memref<2x10240x128xf32, #tpu.memory_space<hbm>> -> memref<1x10240x128xf32, #tpu.memory_space<hbm>>
      %dma_wait3A_93 = tpu.memref_squeeze %dma_wait3A_92 : memref<1x10240x128xf32, #tpu.memory_space<hbm>> -> memref<10240x128xf32, #tpu.memory_space<hbm>>
      %dma_wait3A_94 = arith.constant 0 : i32
      %dma_wait3A_95 = tpu.memref_slice %dma_wait3A_93[%add3A_37, %dma_wait3A_94] : memref<10240x128xf32, #tpu.memory_space<hbm>> -> memref<80x128xf32, #tpu.memory_space<hbm>>
      %dma_wait3A_96 = arith.constant 0 : i32
      %dma_wait3A_97 = arith.constant 0 : i32
      %dma_wait3A_98 = tpu.memref_slice %arg7[%arg0, %dma_wait3A_96, %dma_wait3A_97] : memref<2x10240x128xf32, #tpu.memory_space<hbm>> -> memref<1x10240x128xf32, #tpu.memory_space<hbm>>
      %dma_wait3A_99 = tpu.memref_squeeze %dma_wait3A_98 : memref<1x10240x128xf32, #tpu.memory_space<hbm>> -> memref<10240x128xf32, #tpu.memory_space<hbm>>
      %dma_wait3A_100 = arith.constant 0 : i32
      %dma_wait3A_101 = tpu.memref_slice %dma_wait3A_99[%add3A_37, %dma_wait3A_100] : memref<10240x128xf32, #tpu.memory_space<hbm>> -> memref<80x128xf32, #tpu.memory_space<hbm>>
      tpu.wait_dma2 semaphore(%arg14 : memref<!tpu.dma_semaphore, #tpu.memory_space<semaphore_mem>>) src(%arg11 : memref<80x128xf32, #tpu.memory_space<vmem>>) dst(%dma_wait3A_101 : memref<80x128xf32, #tpu.memory_space<hbm>>)
    }
    %scan3A_25 = arith.constant 4 : i32
    return
  }
}

module attributes {stable_mosaic.version = 14 : i64} {
  func.func @_tc_body(%arg0: i32, %arg1: memref<2x2000x128xf32, #tpu.memory_space<vmem>>, %arg2: memref<2x2000x128xf32, #tpu.memory_space<vmem>>, %arg3: memref<2000x128xf32, #tpu.memory_space<vmem>>, %arg4: memref<128x128xf32, #tpu.memory_space<vmem>>, %arg5: memref<1x128xf32, #tpu.memory_space<vmem>>, %arg6: memref<128x128xf32, #tpu.memory_space<vmem>>, %arg7: memref<2000x128xf32, #tpu.memory_space<vmem>>) attributes {dimension_semantics = [#tpu.dimension_semantics<arbitrary>], iteration_bounds = array<i64: 5>, scalar_prefetch = 0 : i64, scratch_operands = 0 : i64, tpu.core_type = #tpu.core_type<tc>, window_params = [{transform_indices = @transform_0, window_bounds = array<i64: 2, 2000, 128>}, {transform_indices = @transform_1, window_bounds = array<i64: 2, 2000, 128>}, {transform_indices = @transform_2, window_bounds = array<i64: 2000, 128>}, {pipeline_mode = #tpu.pipeline_mode<synchronous>, transform_indices = @transform_3, window_bounds = array<i64: 128, 128>}, {pipeline_mode = #tpu.pipeline_mode<synchronous>, transform_indices = @transform_4, window_bounds = array<i64: 1, 128>}, {pipeline_mode = #tpu.pipeline_mode<synchronous>, transform_indices = @transform_5, window_bounds = array<i64: 128, 128>}, {transform_indices = @transform_6, window_bounds = array<i64: 2000, 128>}]} {
    %get3A = arith.constant 0 : index
    %get3A_0 = arith.constant 0 : index
    %get3A_1 = arith.constant 0 : index
    %get3A_2 = vector.load %arg1[%get3A, %get3A_0, %get3A_1] : memref<2x2000x128xf32, #tpu.memory_space<vmem>>, vector<1x2000x128xf32>
    %get3A_3 = vector.shape_cast %get3A_2 : vector<1x2000x128xf32> to vector<2000x128xf32>
    %get3A_4 = arith.constant 1 : index
    %get3A_5 = arith.constant 0 : index
    %get3A_6 = arith.constant 0 : index
    %get3A_7 = vector.load %arg1[%get3A_4, %get3A_5, %get3A_6] : memref<2x2000x128xf32, #tpu.memory_space<vmem>>, vector<1x2000x128xf32>
    %get3A_8 = vector.shape_cast %get3A_7 : vector<1x2000x128xf32> to vector<2000x128xf32>
    %add3A = arith.addf %get3A_3, %get3A_8 : vector<2000x128xf32>
    %get3A_9 = arith.constant 0 : index
    %get3A_10 = arith.constant 0 : index
    %get3A_11 = arith.constant 0 : index
    %get3A_12 = vector.load %arg2[%get3A_9, %get3A_10, %get3A_11] : memref<2x2000x128xf32, #tpu.memory_space<vmem>>, vector<1x2000x1xf32>
    %get3A_13 = vector.shape_cast %get3A_12 : vector<1x2000x1xf32> to vector<2000x1xf32>
    %get3A_14 = arith.constant 1 : index
    %get3A_15 = arith.constant 0 : index
    %get3A_16 = arith.constant 0 : index
    %get3A_17 = vector.load %arg2[%get3A_14, %get3A_15, %get3A_16] : memref<2x2000x128xf32, #tpu.memory_space<vmem>>, vector<1x2000x1xf32>
    %get3A_18 = vector.shape_cast %get3A_17 : vector<1x2000x1xf32> to vector<2000x1xf32>
    %add3A_19 = arith.addf %get3A_13, %get3A_18 : vector<2000x1xf32>
    %max3A = arith.constant 1.000000e+00 : f32
    %max3A_20 = vector.broadcast %max3A : f32 to vector<2000x1xf32>
    %max3A_21 = arith.maximumf %add3A_19, %max3A_20 : vector<2000x1xf32>
    %div3A = arith.constant 1.000000e+00 : f32
    %div3A_22 = vector.broadcast %div3A : f32 to vector<2000x1xf32>
    %div3A_23 = arith.divf %div3A_22, %max3A_21 : vector<2000x1xf32>
    %mul3A = vector.broadcast %div3A_23 : vector<2000x1xf32> to vector<2000x128xf32>
    %mul3A_24 = arith.mulf %add3A, %mul3A : vector<2000x128xf32>
    %get3A_25 = arith.constant 0 : index
    %get3A_26 = arith.constant 0 : index
    %get3A_27 = vector.load %arg4[%get3A_25, %get3A_26] : memref<128x128xf32, #tpu.memory_space<vmem>>, vector<128x128xf32>
    %dot_general3A = arith.constant dense<0.000000e+00> : vector<2000x128xf32>
    %dot_general3A_28 = tpu.matmul %mul3A_24, %get3A_27, %dot_general3A {dimension_numbers = #tpu.dot_dimension_numbers<[1], [1], [0], [0], [0, 0, 1, 0], [], []>, transpose_lhs_hint = false} : vector<2000x128xf32>, vector<128x128xf32>, vector<2000x128xf32> -> vector<2000x128xf32>
    %get3A_29 = arith.constant 0 : index
    %get3A_30 = arith.constant 0 : index
    %get3A_31 = vector.load %arg5[%get3A_29, %get3A_30] : memref<1x128xf32, #tpu.memory_space<vmem>>, vector<1x128xf32>
    %add3A_32 = vector.broadcast %get3A_31 : vector<1x128xf32> to vector<2000x128xf32>
    %add3A_33 = arith.addf %dot_general3A_28, %add3A_32 : vector<2000x128xf32>
    %get3A_34 = arith.constant 0 : index
    %get3A_35 = arith.constant 0 : index
    %get3A_36 = vector.load %arg3[%get3A_34, %get3A_35] : memref<2000x128xf32, #tpu.memory_space<vmem>>, vector<2000x128xf32>
    %get3A_37 = arith.constant 0 : index
    %get3A_38 = arith.constant 0 : index
    %get3A_39 = vector.load %arg6[%get3A_37, %get3A_38] : memref<128x128xf32, #tpu.memory_space<vmem>>, vector<128x128xf32>
    %dot_general3A_40 = arith.constant dense<0.000000e+00> : vector<2000x128xf32>
    %dot_general3A_41 = tpu.matmul %get3A_36, %get3A_39, %dot_general3A_40 {dimension_numbers = #tpu.dot_dimension_numbers<[1], [1], [0], [0], [0, 0, 1, 0], [], []>, transpose_lhs_hint = false} : vector<2000x128xf32>, vector<128x128xf32>, vector<2000x128xf32> -> vector<2000x128xf32>
    %add3A_42 = arith.addf %add3A_33, %dot_general3A_41 : vector<2000x128xf32>
    %max3A_43 = arith.constant 0.000000e+00 : f32
    %max3A_44 = vector.broadcast %max3A_43 : f32 to vector<2000x128xf32>
    %max3A_45 = arith.maximumf %add3A_42, %max3A_44 : vector<2000x128xf32>
    %swap3A = arith.constant 0 : index
    %swap3A_46 = arith.constant 0 : index
    %swap3A_47 = vector.load %arg7[%swap3A, %swap3A_46] : memref<2000x128xf32, #tpu.memory_space<vmem>>, vector<2000x128xf32>
    tpu.vector_store %arg7[%swap3A, %swap3A_46], %max3A_45 {strides = array<i32>} : memref<2000x128xf32, #tpu.memory_space<vmem>>, vector<2000x128xf32>,
    return
  }
  func.func @transform_0(%arg0: i32) -> (i32, i32, i32) {
    %c0_i32 = arith.constant 0 : i32
    %c0_i32_0 = arith.constant 0 : i32
    %c0_i32_1 = arith.constant 0 : i32
    return %c0_i32, %arg0, %c0_i32_0 : i32, i32, i32
  }
  func.func @transform_1(%arg0: i32) -> (i32, i32, i32) {
    %c0_i32 = arith.constant 0 : i32
    %c0_i32_0 = arith.constant 0 : i32
    %c0_i32_1 = arith.constant 0 : i32
    return %c0_i32, %arg0, %c0_i32_0 : i32, i32, i32
  }
  func.func @transform_2(%arg0: i32) -> (i32, i32) {
    %c0_i32 = arith.constant 0 : i32
    %c0_i32_0 = arith.constant 0 : i32
    return %arg0, %c0_i32 : i32, i32
  }
  func.func @transform_3(%arg0: i32) -> (i32, i32) {
    %c0_i32 = arith.constant 0 : i32
    %c0_i32_0 = arith.constant 0 : i32
    %c0_i32_1 = arith.constant 0 : i32
    return %c0_i32, %c0_i32_0 : i32, i32
  }
  func.func @transform_4(%arg0: i32) -> (i32, i32) {
    %c0_i32 = arith.constant 0 : i32
    %c0_i32_0 = arith.constant 0 : i32
    %c0_i32_1 = arith.constant 0 : i32
    return %c0_i32, %c0_i32_0 : i32, i32
  }
  func.func @transform_5(%arg0: i32) -> (i32, i32) {
    %c0_i32 = arith.constant 0 : i32
    %c0_i32_0 = arith.constant 0 : i32
    %c0_i32_1 = arith.constant 0 : i32
    return %c0_i32, %c0_i32_0 : i32, i32
  }
  func.func @transform_6(%arg0: i32) -> (i32, i32) {
    %c0_i32 = arith.constant 0 : i32
    %c0_i32_0 = arith.constant 0 : i32
    return %arg0, %c0_i32 : i32, i32
  }
}

module attributes {stable_mosaic.version = 14 : i64} {
  func.func @_tc_body(%arg0: i32, %arg1: memref<2x2000x128xf32, #tpu.memory_space<vmem>>, %arg2: memref<2x2000x128xf32, #tpu.memory_space<vmem>>, %arg3: memref<2000x128xf32, #tpu.memory_space<vmem>>, %arg4: memref<128x128xf32, #tpu.memory_space<vmem>>, %arg5: memref<1x128xf32, #tpu.memory_space<vmem>>, %arg6: memref<128x128xf32, #tpu.memory_space<vmem>>, %arg7: memref<2000x128xf32, #tpu.memory_space<vmem>>) attributes {dimension_semantics = [#tpu.dimension_semantics<arbitrary>], iteration_bounds = array<i64: 5>, scalar_prefetch = 0 : i64, scratch_operands = 0 : i64, tpu.core_type = #tpu.core_type<tc>, window_params = [{transform_indices = @transform_0, window_bounds = array<i64: 2, 2000, 128>}, {transform_indices = @transform_1, window_bounds = array<i64: 2, 2000, 128>}, {transform_indices = @transform_2, window_bounds = array<i64: 2000, 128>}, {pipeline_mode = #tpu.pipeline_mode<synchronous>, transform_indices = @transform_3, window_bounds = array<i64: 128, 128>}, {pipeline_mode = #tpu.pipeline_mode<synchronous>, transform_indices = @transform_4, window_bounds = array<i64: 1, 128>}, {pipeline_mode = #tpu.pipeline_mode<synchronous>, transform_indices = @transform_5, window_bounds = array<i64: 128, 128>}, {transform_indices = @transform_6, window_bounds = array<i64: 2000, 128>}]} {
    %get3A = arith.constant 0 : index
    %get3A_0 = arith.constant 0 : index
    %get3A_1 = arith.constant 0 : index
    %get3A_2 = vector.load %arg1[%get3A, %get3A_0, %get3A_1] : memref<2x2000x128xf32, #tpu.memory_space<vmem>>, vector<1x2000x128xf32>
    %get3A_3 = vector.shape_cast %get3A_2 : vector<1x2000x128xf32> to vector<2000x128xf32>
    %get3A_4 = arith.constant 1 : index
    %get3A_5 = arith.constant 0 : index
    %get3A_6 = arith.constant 0 : index
    %get3A_7 = vector.load %arg1[%get3A_4, %get3A_5, %get3A_6] : memref<2x2000x128xf32, #tpu.memory_space<vmem>>, vector<1x2000x128xf32>
    %get3A_8 = vector.shape_cast %get3A_7 : vector<1x2000x128xf32> to vector<2000x128xf32>
    %add3A = arith.addf %get3A_3, %get3A_8 : vector<2000x128xf32>
    %get3A_9 = arith.constant 0 : index
    %get3A_10 = arith.constant 0 : index
    %get3A_11 = arith.constant 0 : index
    %get3A_12 = vector.load %arg2[%get3A_9, %get3A_10, %get3A_11] : memref<2x2000x128xf32, #tpu.memory_space<vmem>>, vector<1x2000x1xf32>
    %get3A_13 = vector.shape_cast %get3A_12 : vector<1x2000x1xf32> to vector<2000x1xf32>
    %get3A_14 = arith.constant 1 : index
    %get3A_15 = arith.constant 0 : index
    %get3A_16 = arith.constant 0 : index
    %get3A_17 = vector.load %arg2[%get3A_14, %get3A_15, %get3A_16] : memref<2x2000x128xf32, #tpu.memory_space<vmem>>, vector<1x2000x1xf32>
    %get3A_18 = vector.shape_cast %get3A_17 : vector<1x2000x1xf32> to vector<2000x1xf32>
    %add3A_19 = arith.addf %get3A_13, %get3A_18 : vector<2000x1xf32>
    %max3A = arith.constant 1.000000e+00 : f32
    %max3A_20 = vector.broadcast %max3A : f32 to vector<2000x1xf32>
    %max3A_21 = arith.maximumf %add3A_19, %max3A_20 : vector<2000x1xf32>
    %div3A = arith.constant 1.000000e+00 : f32
    %div3A_22 = vector.broadcast %div3A : f32 to vector<2000x1xf32>
    %div3A_23 = arith.divf %div3A_22, %max3A_21 : vector<2000x1xf32>
    %mul3A = vector.broadcast %div3A_23 : vector<2000x1xf32> to vector<2000x128xf32>
    %mul3A_24 = arith.mulf %add3A, %mul3A : vector<2000x128xf32>
    %get3A_25 = arith.constant 0 : index
    %get3A_26 = arith.constant 0 : index
    %get3A_27 = vector.load %arg4[%get3A_25, %get3A_26] : memref<128x128xf32, #tpu.memory_space<vmem>>, vector<128x128xf32>
    %dot_general3A = arith.constant dense<0.000000e+00> : vector<2000x128xf32>
    %dot_general3A_28 = tpu.matmul %mul3A_24, %get3A_27, %dot_general3A {dimension_numbers = #tpu.dot_dimension_numbers<[1], [1], [0], [0], [0, 0, 1, 0], [], []>, transpose_lhs_hint = false} : vector<2000x128xf32>, vector<128x128xf32>, vector<2000x128xf32> -> vector<2000x128xf32>
    %get3A_29 = arith.constant 0 : index
    %get3A_30 = arith.constant 0 : index
    %get3A_31 = vector.load %arg5[%get3A_29, %get3A_30] : memref<1x128xf32, #tpu.memory_space<vmem>>, vector<1x128xf32>
    %add3A_32 = vector.broadcast %get3A_31 : vector<1x128xf32> to vector<2000x128xf32>
    %add3A_33 = arith.addf %dot_general3A_28, %add3A_32 : vector<2000x128xf32>
    %get3A_34 = arith.constant 0 : index
    %get3A_35 = arith.constant 0 : index
    %get3A_36 = vector.load %arg3[%get3A_34, %get3A_35] : memref<2000x128xf32, #tpu.memory_space<vmem>>, vector<2000x128xf32>
    %get3A_37 = arith.constant 0 : index
    %get3A_38 = arith.constant 0 : index
    %get3A_39 = vector.load %arg6[%get3A_37, %get3A_38] : memref<128x128xf32, #tpu.memory_space<vmem>>, vector<128x128xf32>
    %dot_general3A_40 = arith.constant dense<0.000000e+00> : vector<2000x128xf32>
    %dot_general3A_41 = tpu.matmul %get3A_36, %get3A_39, %dot_general3A_40 {dimension_numbers = #tpu.dot_dimension_numbers<[1], [1], [0], [0], [0, 0, 1, 0], [], []>, transpose_lhs_hint = false} : vector<2000x128xf32>, vector<128x128xf32>, vector<2000x128xf32> -> vector<2000x128xf32>
    %add3A_42 = arith.addf %add3A_33, %dot_general3A_41 : vector<2000x128xf32>
    %swap3A = arith.constant 0 : index
    %swap3A_43 = arith.constant 0 : index
    %swap3A_44 = vector.load %arg7[%swap3A, %swap3A_43] : memref<2000x128xf32, #tpu.memory_space<vmem>>, vector<2000x128xf32>
    tpu.vector_store %arg7[%swap3A, %swap3A_43], %add3A_42 {strides = array<i32>} : memref<2000x128xf32, #tpu.memory_space<vmem>>, vector<2000x128xf32>,
    return
  }
  func.func @transform_0(%arg0: i32) -> (i32, i32, i32) {
    %c0_i32 = arith.constant 0 : i32
    %c0_i32_0 = arith.constant 0 : i32
    %c0_i32_1 = arith.constant 0 : i32
    return %c0_i32, %arg0, %c0_i32_0 : i32, i32, i32
  }
  func.func @transform_1(%arg0: i32) -> (i32, i32, i32) {
    %c0_i32 = arith.constant 0 : i32
    %c0_i32_0 = arith.constant 0 : i32
    %c0_i32_1 = arith.constant 0 : i32
    return %c0_i32, %arg0, %c0_i32_0 : i32, i32, i32
  }
  func.func @transform_2(%arg0: i32) -> (i32, i32) {
    %c0_i32 = arith.constant 0 : i32
    %c0_i32_0 = arith.constant 0 : i32
    return %arg0, %c0_i32 : i32, i32
  }
  func.func @transform_3(%arg0: i32) -> (i32, i32) {
    %c0_i32 = arith.constant 0 : i32
    %c0_i32_0 = arith.constant 0 : i32
    %c0_i32_1 = arith.constant 0 : i32
    return %c0_i32, %c0_i32_0 : i32, i32
  }
  func.func @transform_4(%arg0: i32) -> (i32, i32) {
    %c0_i32 = arith.constant 0 : i32
    %c0_i32_0 = arith.constant 0 : i32
    %c0_i32_1 = arith.constant 0 : i32
    return %c0_i32, %c0_i32_0 : i32, i32
  }
  func.func @transform_5(%arg0: i32) -> (i32, i32) {
    %c0_i32 = arith.constant 0 : i32
    %c0_i32_0 = arith.constant 0 : i32
    %c0_i32_1 = arith.constant 0 : i32
    return %c0_i32, %c0_i32_0 : i32, i32
  }
  func.func @transform_6(%arg0: i32) -> (i32, i32) {
    %c0_i32 = arith.constant 0 : i32
    %c0_i32_0 = arith.constant 0 : i32
    return %arg0, %c0_i32 : i32, i32
  }
}

</mosaic_0001>

<sc_bundles>
// kernel: kernel.6.cloned.1.call-start
scs
__scs_entry_jumppad:
0x0: {  	(pc) =	sbr.rel $0x88, $3  }
0x1: {  	(tag) =	ssettag $0x0;
	lr =	simm.s32 $0x1  }
0x2: {  	[smem:$0x3F99] =	sst lr;
	_ =	strace $0xD0000000  }
0x3: {  	_ = 	snop  }
0x4: {  	_ = 	snop  }
0x5: {  	_ = 	snop  }
0x6: {  	_ = 	snop  }
0x7: {  	_ = 	snop  }
__scs_overlays_trampoline_lowered:
0x8: {  	[smem:$0x3FA8] =	sst s0  }
0x9: {  	[smem:$0x3FA9] =	sst s1  }
0xa: {  	[smem:$0x3FAA] =	sst s2  }
0xb: {  	[smem:$0x3FAB] =	sst s3  }
0xc: {  	[smem:$0x3FAC] =	sst s4  }
0xd: {  	[smem:$0x3FAD] =	sst s5  }
0xe: {  	[smem:$0x3FAE] =	sst s6  }
0xf: {  	[smem:$0x3FAF] =	sst s7  }
0x10: {  	[smem:$0x3FB0] =	sst s8  }
0x11: {  	[smem:$0x3FB1] =	sst s9;
	s0 =	simm.s32 @!p0 $0x0  }
0x12: {  	s1 =	sld [smem:$0x3F97];
	s0 =	simm.s32 @p0 $0x1  }
0x13: {  	[smem:$0x3FB2] =	sst s0;
	s0 =	simm.s32 @!p1 $0x0  }
0x14: {  	s2 =	sld [smem:$0x3F96];
	s0 =	simm.s32 @p1 $0x1  }
0x15: {  	[smem:$0x3FB3] =	sst s0;
	s0 =	simm.s32 @!p2 $0x0  }
0x16: {  	s3 =	sld [smem:$0x3FDB];
	s0 =	simm.s32 @p2 $0x1  }
0x17: {  	s4 =	simm.s32 $0x1BF5;
	[smem:$0x3FB5] =	sst s0  }
0x18: {  	s0 =	sld [smem:$0x3F98];
	_ =	swait.ge [sflag:s4], $0x0  }
0x19: {  	s7 =	sld [smem:$0x3F99]  }
0x1a: {  	s8 =	sadd.s32 $0xFFFFE003, lr  }
0x1b: {  	s9 =	sadd.s32 $0xFFFFFEF7, lr;
	s5 =	simm.s32 $0xFFFFFFFF;
	p2 =	slt.u32 s8, $0xFFFFF086  }
0x1c: {  	p1 =	slt.u32 s9, $0xF7A;
	s5 =	simm.s32 @!p2 $0x0  }
0x1d: {  	s5 =	simm.s32 @p1 $0x1;
	p0 =	seq.s32 s7, s2  }
0x1e: {  	s7 =	smul.u32 @!p0 $0xF7A, s2;
	p2 =	seq.s32 @!p0 s5, $0x0  }
0x1f: {  	s9 =	smul.u32 $0xF7A, s1;
	s8 =	simm.s32 @!p0 $0x1BF5;
	p2 =	por !p2, p0  }
0x20: {  	[sflag:s8] =	ssyncset.s32 @!p0 $0xFFFFF086;
	s6 =	sadd.s32 @!p0 s3, s7;
	s7 =	simm.s32 @!p0 $0x108  }
0x21: {  	s3 =	sadd.s32 s3, s9;
	s6 =	sadd.s32 @!p0 $0x88, s6;
	s7 =	simm.s32 @p2 $0x1082  }
0x22: {  	[simem:s7], [sflag:s8] =	dma.local @!p0 [hbm:s6], $0xF7A  }
0x23: {  	s9 =	sor.u32 $0xD0000000, s2;
	s6 =	simm.s32 $0x108;
	_ =	swait.ge @!p0 [sflag:s8], $0x0  }
0x24: {  	s3 =	sadd.s32 $0x88, s3;
	s6 =	simm.s32 @!p1 $0x1082;
	[sflag:s4] =	ssyncset.s32 $0xFFFFF086  }
0x25: {  	[simem:s6], [sflag:s4] =	dma.local [hbm:s3], $0xF7A  }
0x26: {  	[smem:$0x3F99] =	sst s1;
	(tag) =	ssettag s2;
	_ =	strace s9  }
0x27: {  	s1 =	sld [smem:$0x3FA9]  }
0x28: {  	s2 =	sld [smem:$0x3FAA]  }
0x29: {  	s4 =	sld [smem:$0x3FAC]  }
0x2a: {  	p0 =	seq.s32 s5, $0x0;
	s5 =	sld [smem:$0x3FAD]  }
0x2b: {  	s6 =	sld [smem:$0x3FAE]  }
0x2c: {  	s7 =	sld [smem:$0x3FAF]  }
0x2d: {  	s3 =	simm.s32 $0x108;
	s8 =	sld [smem:$0x3FB0]  }
0x2e: {  	s3 =	simm.s32 @!p0 $0x1082;
	s9 =	sld [smem:$0x3FB1]  }
0x2f: {  	lr =	sadd.s32 s0, s3;
	s0 =	sld [smem:$0x3FA8]  }
0x30: {  	s3 =	sld [smem:$0x3FAB]  }
0x31: {  	[smem:$0x3FB4] =	sst s10  }
0x32: {  	s10 =	sld [smem:$0x3FB2];
	_ =	sdelay $0x3  }
0x33: {  	p0 =	seq.s32 s10, $0x1;
	s10 =	sld [smem:$0x3FB4];
	_ =	sdelay $0x3  }
0x34: {  	[smem:$0x3FB4] =	sst s10  }
0x35: {  	s10 =	sld [smem:$0x3FB3];
	_ =	sdelay $0x3  }
0x36: {  	p1 =	seq.s32 s10, $0x1;
	s10 =	sld [smem:$0x3FB4];
	_ =	sdelay $0x3  }
0x37: {  	[smem:$0x3FB4] =	sst s10  }
0x38: {  	s10 =	sld [smem:$0x3FB5]  }
0x39: {  	_ = 	snop;
	(pc) =	sbr.ind lr, $3  }
0x3a: {  	_ = 	snop  }
0x3b: {  	_ = 	snop  }
0x3c: {  	p2 =	seq.s32 s10, $0x1;
	s10 =	sld [smem:$0x3FB4]  }
0x3d: {  	_ =	shalt  }
0x3e: {  	_ =	shalt  }
0x3f: {  	_ =	shalt  }
0x40: {  	_ =	shalt  }
0x41: {  	_ =	shalt  }
0x42: {  	_ =	shalt  }
0x43: {  	_ =	shalt  }
0x44: {  	_ =	shalt  }
0x45: {  	_ =	shalt  }
0x46: {  	_ =	shalt  }
0x47: {  	_ =	shalt  }
0x48: {  	_ =	shalt  }
0x49: {  	_ =	shalt  }
0x4a: {  	_ =	shalt  }
0x4b: {  	_ =	shalt  }
0x4c: {  	_ =	shalt  }
0x4d: {  	_ =	shalt  }
0x4e: {  	_ =	shalt  }
0x4f: {  	_ =	shalt  }
0x50: {  	_ =	shalt  }
0x51: {  	_ =	shalt  }
0x52: {  	_ =	shalt  }
0x53: {  	_ =	shalt  }
0x54: {  	_ =	shalt  }
0x55: {  	_ =	shalt  }
0x56: {  	_ =	shalt  }
0x57: {  	_ =	shalt  }
0x58: {  	_ =	shalt  }
0x59: {  	_ =	shalt  }
0x5a: {  	_ =	shalt  }
0x5b: {  	_ =	shalt  }
0x5c: {  	_ =	shalt  }
0x5d: {  	_ =	shalt  }
0x5e: {  	_ =	shalt  }
0x5f: {  	_ =	shalt  }
0x60: {  	_ =	shalt  }
0x61: {  	_ =	shalt  }
0x62: {  	_ =	shalt  }
0x63: {  	_ =	shalt  }
0x64: {  	_ =	shalt  }
0x65: {  	_ =	shalt  }
0x66: {  	_ =	shalt  }
0x67: {  	_ =	shalt  }
0x68: {  	_ =	shalt  }
0x69: {  	_ =	shalt  }
0x6a: {  	_ =	shalt  }
0x6b: {  	_ =	shalt  }
0x6c: {  	_ =	shalt  }
0x6d: {  	_ =	shalt  }
0x6e: {  	_ =	shalt  }
0x6f: {  	_ =	shalt  }
0x70: {  	_ =	shalt  }
0x71: {  	_ =	shalt  }
0x72: {  	_ =	shalt  }
0x73: {  	_ =	shalt  }
0x74: {  	_ =	shalt  }
0x75: {  	_ =	shalt  }
0x76: {  	_ =	shalt  }
0x77: {  	_ =	shalt  }
0x78: {  	_ =	shalt  }
0x79: {  	_ =	shalt  }
0x7a: {  	_ =	shalt  }
0x7b: {  	_ =	shalt  }
0x7c: {  	_ =	shalt  }
0x7d: {  	_ =	shalt  }
0x7e: {  	_ =	shalt  }
0x7f: {  	_ =	shalt  }
0x80: {  	_ =	shalt  }
0x81: {  	_ =	shalt  }
0x82: {  	_ =	shalt  }
0x83: {  	_ =	shalt  }
0x84: {  	_ =	shalt  }
0x85: {  	_ =	shalt  }
0x86: {  	_ =	shalt  }
0x87: {  	_ =	shalt  }
.Lfunc_end0:
.L_simem_size_0:
called_computation_lowered:
.L_overlay_start_0:
0x88: {  	s2 =	sld [smem:$0x3FD9]  }
0x89: {  	s3 =	sld [smem:$0x3FFE];
	_ =	sdelay $0x1  }
0x8a: {  	s1 =	srdreg.scid  }
0x8b: {  	s0 =	sand.u32 $0x1, s1  }
0x8c: {  	s17 =	sshll.u32 s0, $0xA;
	s2 =	sadd.s32 s3, s2  }
0x8d: {  	s2 =	sadd.s32 s2, s17  }
0x8e: {  	[smem:$0x3FC0] =	sst s2  }
0x8f: {  	_ = 	snop  }
0x90: {  	s2 =	sld [smem:$0x3FC9];
	(tm) =	ssettm $0x1  }
0x91: {  	s18 =	sld [smem:$0x3FFB];
	_ =	sdelay $0x3  }
0x92: {  	_ =	strace s18  }
0x93: {  	s3 =	sld [smem:$0x3FFC];
	_ =	sdelay $0x3  }
0x94: {  	_ =	strace s3  }
0x95: {  	s3 =	sld [smem:$0x3FFD];
	_ =	sdelay $0x3  }
0x96: {  	_ =	strace s3  }
0x97: {  	_ =	strace $0x8FFFFFFF  }
0x98: {  	s19 =	sld [smem:$0x3FDB];
	_ =	sdelay $0x1  }
0x99: {  	s4 =	simm.s32 $_scs_section_size  }
0x9a: {  	s5 =	simm.s32 $_size__tile_overlayer_lowered;
	s6 =	simm.s32 $_tile_overlayer_lowered  }
0x9b: {  	s22 =	simm.s32 $0x1BFF;
	s21 =	sshll.u32 s6, $0x1;
	s3 =	sadd.s32 s4, s19  }
0x9c: {  	s7 =	simm.s32 $0x0;
	s20 =	sshll.u32 s5, $0x1;
	s5 =	sadd.s32 s21, s3  }
0x9d: {  	[timem:s7], [sflag:s22] =	dma.local [hbm:s5], s20  }
0x9e: {  	_ =	swait.ge [sflag:s22], s20  }
0x9f: {  	s4 =	ssub.s32 $0x0, s20;
	[sflag:s22] =	ssyncset.done $0x0  }
0xa0: {  	[sflag:s22] =	ssyncadd.s32 s4;
	_ =	sdelay $0x1  }
0xa1: {  	s23 =	simm.s32 $0x1B8B  }
0xa2: {  	_ =	swait.ge [sflag:s23], $0x1  }
0xa3: {  	[sflag:s23] =	ssyncset.done $0x0  }
0xa4: {  	s25 =	simm.s32 $0x1B8E;
	s24 =	sld [smem:$0x3FFE];
	[sflag:s23] =	ssyncadd.s32 $0xFFFFFFFF  }
0xa5: {  	s26 =	simm.s32 $execute0_lowered;
	[smem:$0x3FD2] =	sst s25  }
0xa6: {  	s5 =	sshll.u32 s26, $0x1;
	_ =	strace $0x80000046;
	[dreg:$0x1] =	wrdreg $0xFFFFFFFF  }
0xa7: {  	s28 =	simm.s32 $_size_execute0_lowered;
	s3 =	sadd.s32 s3, s5;
	[dreg:$0x0] =	wrdreg $0x0  }
0xa8: {  	s5 =	sshll.u32 s28, $0x1;
	[dreg:$0x2] =	wrdreg s3  }
0xa9: {  	[dreg:$0x3] =	wrdreg s5  }
0xaa: {  	[dreg:$0x4] =	wrdreg $0xC0  }
0xab: {  	_ =	task [dreg:s7], $0x5FFFF  }
0xac: {  	[dreg:$0x1] =	wrdreg $0xFFFFFFFF  }
0xad: {  	[dreg:$0x0] =	wrdreg $0x60  }
0xae: {  	[dreg:$0x2] =	wrdreg s2  }
0xaf: {  	[dreg:$0x3] =	wrdreg s24  }
0xb0: {  	[dreg:$0x4] =	wrdreg $0xB7800  }
0xb1: {  	[dreg:$0x5] =	wrdreg $0x9  }
0xb2: {  	_ =	task.clear_ibuf [dreg:s7], $0x6FFFF;
	_ =	strace $0x90000046  }
0xb3: {  	s29 =	simm.s32 $0x9;
	_ =	strace $0x80000048  }
0xb4: {  	_ =	swait.ge [sflag:s29], $0x1  }
0xb5: {  	[sflag:s29] =	ssyncadd.s32 $0xFFFFFFFF  }
0xb6: {  	_ =	strace $0x90000048  }
0xb7: {  	_ =	sfence  }
0xb8: {  	s30 =	sld [smem:$0x0];
	_ =	sdelay $0x2  }
0xb9: {  	s31 =	sshll.u32 s1, $0xD;
	s1 =	sshrl.u32 s1, $0x2  }
0xba: {  	s3 =	sand.u32 $0x4000, s31;
	s1 =	sadd.s32 s1, s30  }
0xbb: {  	s0 =	sor.u32 s3, s0;
	s1 =	sshll.u32 s1, $0x11  }
0xbc: {  	s0 =	sor.u32 s1, s0  }
0xbd: {  	s0 =	sadd.s32 $0x8F2B, s0  }
0xbe: {  	[sflag:s0] =	ssyncadd.remote.s32 $0x1  }
0xbf: {  	_ =	sfence.sel $0xFFFF  }
0xc0: {  	[dreg:$0x0] =	wrdreg $0xFFFFFFFF;
	(pc) =	sbr.abs _section_cstart, $3  }
0xc1: {  	[dreg:$0x1] =	wrdreg $0xFFFFFFFF  }
0xc2: {  	_ =	task.clear_ibuf [dreg:s7], $0x2FFFF;
	_ =	strace $0x9FFFFFFF  }
0xc3: {  	(tm) =	ssettm $0x7FFFFFFF  }
tec
execute0_lowered:
.L_overlay_start_1:
0x0: {  	(tag) =	ssettag $0x1  }
0x1: {  	s0 =	srdreg.scid;
	s12 =	stileid.u32  }
0x2: {  	s5 =	rddreg [dreg:$0x1];
	s11 =	smul.u32 $0x280, s12  }
0x3: {  	s0 =	sand.u32 $0x1, s0;
	s4 =	sshll.u32 s12, $0x7;
	s10 =	smul.u32 $0x50000, s12  }
0x4: {  	s9 =	sadd.s32 $0x1BE00, s5;
	s28 =	smul.u32 $0x2800, s12;
	s1 =	sshll.u32 s0, $0x4  }
0x5: {  	s7 =	sand.u32 $0x380, s4;
	s4 =	simm.s32 $0x0;
	s8 =	smul.u32 $0x28000, s0  }
0x6: {  	s0 =	ssub.s32 $0x2, s0;
	s2 =	sor.u32 s12, s1;
	s1 =	rddreg [dreg:$0x0]  }
0x7: {  	[smem:$0x7FF] =	sst s4;
	s20 =	sshrl.u32 s0, $0x1;
	s21 =	sor.u32 $0x50, s11  }
0x8: {  	s22 =	sshrl.u32 s10, $0x2;
	s25 =	sadd.s32 $0xA0, s11;
	s26 =	sadd.s32 $0xF0, s11  }
0x9: {  	s3 =	sshrl.u32 s2, $0x3;
	s2 =	sshll.u32 s2, $0xB;
	s0 =	ssub.s32 s0, s20  }
0xa: {  	s23 =	sshll.u32 s21, $0x4;
	s6 =	smul.u32 $0x13C00, s3;
	s3 =	rddreg [dreg:$0x2]  }
0xb: {  	s24 =	sshll.u32 s21, $0x7;
	_ =	strace $0x80000047;
	[dreg:$0x4] =	wrdreg s9  }
0xc: {  	s13 =	sshll.u32 s25, $0x4;
	s15 =	sshll.u32 s26, $0x4;
	[dreg:$0x8] =	wrdreg s23  }
0xd: {  	s2 =	sadd.s32 s2, s5;
	s0 =	smax.u32 s0, $0x1;
	[dreg:$0x9] =	wrdreg s13  }
0xe: {  	s30 =	smov.u32 s15;
	s2 =	sadd.s32 $0x2000, s2;
	s10 =	sadd.s32 s22, s3  }
0xf: {  	[dreg:$0x7] =	wrdreg s0;
	s14 =	sadd.s32 s24, s3;
	s0 =	sshll.u32 s26, $0x7  }
0x10: {  	s6 =	sor.u32 s7, s6;
	s7 =	sadd.s32 $0x1C400, s5;
	[dreg:$0x6] =	wrdreg s2  }
0x11: {  	s2 =	sshll.u32 s25, $0x7;
	s18 =	sadd.s32 s0, s3;
	s6 =	sshrl.u32 s6, $0x3  }
0x12: {  	s17 =	sadd.s32 s2, s3;
	s2 =	sadd.s32 $0x140, s11;
	s12 =	sadd.s32 s7, s23  }
0x13: {  	s20 =	sadd.s32 s7, s13;
	s23 =	sadd.s32 s7, s15;
	s13 =	simm.s32 $0x1  }
0x14: {  	s15 =	simm.s32 $0x2;
	s6 =	sadd.s32 s6, s5;
	[dreg:$0xb] =	wrdreg s12  }
0x15: {  	s5 =	sadd.s32 s8, s5;
	s16 =	sshll.u32 s2, $0x4;
	[dreg:$0xc] =	wrdreg s20  }
0x16: {  	s0 =	sshll.u32 s2, $0x7;
	[dreg:$0xd] =	wrdreg s23;
	s12 =	simm.s32 $0x8F80  }
0x17: {  	s23 =	simm.s32 $0x0;
	s6 =	sadd.s32 $0x12000, s6;
	s8 =	sadd.s32 $0x44400, s5  }
0x18: {  	s9 =	sadd.s32 $0x94400, s5;
	s5 =	sadd.s32 $0x190, s11;
	s21 =	sadd.s32 s0, s3  }
0x19: {  	s31 =	smov.u32 s16;
	s24 =	sadd.s32 s7, s16;
	s16 =	simm.s32 $0x50  }
0x1a: {  	[dreg:$0x5] =	wrdreg s6;
	s19 =	sshll.u32 s5, $0x4;
	s6 =	sshll.u32 s5, $0x7  }
0x1b: {  	s5 =	sadd.s32 $0x1E0, s11;
	[dreg:$0xe] =	wrdreg s24;
	s22 =	sadd.s32 s6, s3  }
0x1c: {  	s6 =	sadd.s32 $0x230, s11;
	s11 =	sadd.s32 s7, s28;
	s29 =	sshll.u32 s5, $0x4  }
0x1d: {  	s0 =	smov.u32 s19;
	s25 =	sadd.s32 s7, s19;
	[dreg:$0xa] =	wrdreg s11  }
0x1e: {  	s5 =	sshll.u32 s5, $0x7;
	[dreg:$0xf] =	wrdreg s25;
	s26 =	sadd.s32 s7, s29  }
0x1f: {  	s2 =	sshll.u32 s6, $0x4;
	s6 =	sshll.u32 s6, $0x7;
	s5 =	sadd.s32 s5, s3  }
0x20: {  	s11 =	simm.s32 $0x6780;
	[dreg:$0x10] =	wrdreg s26;
	s7 =	sadd.s32 s7, s2  }
0x21: {  	s6 =	sadd.s32 s6, s3;
	[dreg:$0x11] =	wrdreg s7;
	s7 =	simm.s32 $0x3  }
.LBB2_1:
0x22: {  	s19 =	rddreg [dreg:$0x5];
	s20 =	simm.s32 $0x80;
	s24 =	simm.s32 $0x400  }
0x23: {  	[tilespmem:s4], [sflag:$0x3] =	stream.strided.gather [hbm4b:s19+s20], $0x2780, s24, s20, $0x38;
	[tilespmem:$0x1F780] =	vst v63  }
0x24: {  	_ =	swait.ge [sflag:s7], $0x2780  }
0x25: {  	[sflag:s7] =	ssyncset.done $0x0  }
0x26: {  	s26 =	simm.s32 $0x2780;
	s25 =	rddreg [dreg:$0x6];
	[sflag:s7] =	ssyncadd.s32 $0xFFFFD880  }
0x27: {  	[tilespmem:s26], [sflag:$0x3] =	stream.linear.gather [hbm4b:s25+s4], $0x3E80, $0x38;
	[tilespmem:$0x1F780] =	vst v63  }
0x28: {  	_ =	swait.ge [sflag:s7], $0x3E80  }
0x29: {  	[sflag:s7] =	ssyncset.done $0x0  }
0x2a: {  	s24 =	rddreg [dreg:$0xa];
	[sflag:s7] =	ssyncadd.s32 $0xFFFFC180  }
0x2b: {  	[tilespmem:s11], [sflag:$0x1] =	stream.linear.gather [hbm4b:s24+s4], $0x2800, $0x38;
	[tilespmem:$0x1F780] =	vst v63  }
0x2c: {  	s25 =	rddreg [dreg:$0xb]  }
0x2d: {  	[tilespmem:s12], [sflag:$0x2] =	stream.linear.gather [hbm4b:s25+s4], $0x2800, $0x38;
	[tilespmem:$0x1F780] =	vst v63  }
0x2e: {  	_ =	swait.ge [sflag:s13], $0x2800  }
0x2f: {  	[sflag:s13] =	ssyncset.done $0x0  }
0x30: {  	[sflag:s13] =	ssyncadd.s32 $0xFFFFD800  }
0x31: {  	[spmem:s10] =	stream.linear.scatter [tilespmem:s11], [sflag:$0x1], $0x2800, $0x38;
	[tilespmem:$0x1F780] =	vst v63  }
0x32: {  	_ =	swait.ge [sflag:s15], $0x2800  }
0x33: {  	[sflag:s15] =	ssyncset.done $0x0  }
0x34: {  	[sflag:s15] =	ssyncadd.s32 $0xFFFFD800  }
0x35: {  	[spmem:s14] =	stream.linear.scatter [tilespmem:s12], [sflag:$0x2], $0x2800, $0x38;
	[tilespmem:$0x1F780] =	vst v63  }
0x36: {  	_ =	swait.ge [sflag:s13], $0x2800  }
0x37: {  	[sflag:s13] =	ssyncset.done $0x0  }
0x38: {  	[sflag:s13] =	ssyncadd.s32 $0xFFFFD800  }
0x39: {  	_ =	swait.ge [sflag:s15], $0x2800  }
0x3a: {  	[sflag:s15] =	ssyncset.done $0x0  }
0x3b: {  	s26 =	rddreg [dreg:$0xc];
	[sflag:s15] =	ssyncadd.s32 $0xFFFFD800  }
0x3c: {  	[tilespmem:s11], [sflag:$0x1] =	stream.linear.gather [hbm4b:s26+s4], $0x2800, $0x38;
	[tilespmem:$0x1F780] =	vst v63  }
0x3d: {  	s20 =	rddreg [dreg:$0xd]  }
0x3e: {  	[tilespmem:s12], [sflag:$0x2] =	stream.linear.gather [hbm4b:s20+s4], $0x2800, $0x38;
	[tilespmem:$0x1F780] =	vst v63  }
0x3f: {  	_ =	swait.ge [sflag:s13], $0x2800  }
0x40: {  	[sflag:s13] =	ssyncset.done $0x0  }
0x41: {  	[sflag:s13] =	ssyncadd.s32 $0xFFFFD800  }
0x42: {  	[spmem:s17] =	stream.linear.scatter [tilespmem:s11], [sflag:$0x1], $0x2800, $0x38;
	[tilespmem:$0x1F780] =	vst v63  }
0x43: {  	_ =	swait.ge [sflag:s15], $0x2800  }
0x44: {  	[sflag:s15] =	ssyncset.done $0x0  }
0x45: {  	[sflag:s15] =	ssyncadd.s32 $0xFFFFD800  }
0x46: {  	[spmem:s18] =	stream.linear.scatter [tilespmem:s12], [sflag:$0x2], $0x2800, $0x38;
	[tilespmem:$0x1F780] =	vst v63  }
0x47: {  	_ =	swait.ge [sflag:s13], $0x2800  }
0x48: {  	[sflag:s13] =	ssyncset.done $0x0  }
0x49: {  	[sflag:s13] =	ssyncadd.s32 $0xFFFFD800  }
0x4a: {  	_ =	swait.ge [sflag:s15], $0x2800  }
0x4b: {  	[sflag:s15] =	ssyncset.done $0x0  }
0x4c: {  	s24 =	rddreg [dreg:$0xe];
	[sflag:s15] =	ssyncadd.s32 $0xFFFFD800  }
0x4d: {  	[tilespmem:s11], [sflag:$0x1] =	stream.linear.gather [hbm4b:s24+s4], $0x2800, $0x38;
	[tilespmem:$0x1F780] =	vst v63  }
0x4e: {  	s25 =	rddreg [dreg:$0xf]  }
0x4f: {  	[tilespmem:s12], [sflag:$0x2] =	stream.linear.gather [hbm4b:s25+s4], $0x2800, $0x38;
	[tilespmem:$0x1F780] =	vst v63  }
0x50: {  	_ =	swait.ge [sflag:s13], $0x2800  }
0x51: {  	[sflag:s13] =	ssyncset.done $0x0  }
0x52: {  	[sflag:s13] =	ssyncadd.s32 $0xFFFFD800  }
0x53: {  	[spmem:s21] =	stream.linear.scatter [tilespmem:s11], [sflag:$0x1], $0x2800, $0x38;
	[tilespmem:$0x1F780] =	vst v63  }
0x54: {  	_ =	swait.ge [sflag:s15], $0x2800  }
0x55: {  	[sflag:s15] =	ssyncset.done $0x0  }
0x56: {  	[sflag:s15] =	ssyncadd.s32 $0xFFFFD800  }
0x57: {  	[spmem:s22] =	stream.linear.scatter [tilespmem:s12], [sflag:$0x2], $0x2800, $0x38;
	[tilespmem:$0x1F780] =	vst v63  }
0x58: {  	_ =	swait.ge [sflag:s13], $0x2800  }
0x59: {  	[sflag:s13] =	ssyncset.done $0x0  }
0x5a: {  	[sflag:s13] =	ssyncadd.s32 $0xFFFFD800  }
0x5b: {  	_ =	swait.ge [sflag:s15], $0x2800  }
0x5c: {  	[sflag:s15] =	ssyncset.done $0x0  }
0x5d: {  	s26 =	rddreg [dreg:$0x10];
	[sflag:s15] =	ssyncadd.s32 $0xFFFFD800  }
0x5e: {  	[tilespmem:s11], [sflag:$0x1] =	stream.linear.gather [hbm4b:s26+s4], $0x2800, $0x38;
	[tilespmem:$0x1F780] =	vst v63  }
0x5f: {  	s20 =	rddreg [dreg:$0x11]  }
0x60: {  	[tilespmem:s12], [sflag:$0x2] =	stream.linear.gather [hbm4b:s20+s4], $0x2800, $0x38;
	[tilespmem:$0x1F780] =	vst v63  }
0x61: {  	_ =	swait.ge [sflag:s13], $0x2800  }
0x62: {  	[sflag:s13] =	ssyncset.done $0x0  }
0x63: {  	[sflag:s13] =	ssyncadd.s32 $0xFFFFD800  }
0x64: {  	[spmem:s5] =	stream.linear.scatter [tilespmem:s11], [sflag:$0x1], $0x2800, $0x38;
	[tilespmem:$0x1F780] =	vst v63  }
0x65: {  	_ =	swait.ge [sflag:s15], $0x2800  }
0x66: {  	[sflag:s15] =	ssyncset.done $0x0  }
0x67: {  	[sflag:s15] =	ssyncadd.s32 $0xFFFFD800  }
0x68: {  	[spmem:s6] =	stream.linear.scatter [tilespmem:s12], [sflag:$0x2], $0x2800, $0x38;
	[tilespmem:$0x1F780] =	vst v63  }
0x69: {  	_ =	swait.ge [sflag:s13], $0x2800  }
0x6a: {  	[sflag:s13] =	ssyncset.done $0x0  }
0x6b: {  	[sflag:s13] =	ssyncadd.s32 $0xFFFFD800  }
0x6c: {  	_ =	swait.ge [sflag:s15], $0x2800  }
0x6d: {  	[sflag:s15] =	ssyncset.done $0x0  }
0x6e: {  	[sflag:s15] =	ssyncadd.s32 $0xFFFFD800  }
0x6f: {  	[bflag:$0x0] =	sbarrier.arrive $0xFFFF  }
0x70: {  	[tilespmem:s11], [sflag:$0x1] =	stream.indirect.gather [hbm4b:s1+s16], $0x80, s4, s16, $0xb8;
	[tilespmem:$0x1F780] =	vst v63  }
0x71: {  	s24 =	simm.s32 $0x50  }
0x72: {  	[tilespmem:s12], [sflag:$0x2] =	stream.indirect.gather [hbm4b:s1+s16], $0x80, s24, s16, $0xb8;
	[tilespmem:$0x1F780] =	vst v63  }
0x73: {  	_ =	swait.ge [sflag:s13], $0x2800  }
0x74: {  	[sflag:s13] =	ssyncset.done $0x0  }
0x75: {  	s25 =	simm.s32 $0x2780;
	[sflag:s13] =	ssyncadd.s32 $0xFFFFD800  }
0x76: {  	[spmem:s3] =	stream.indirect.scatter.add.f32 [tilespmem:s11], [sflag:$0x1], $0x80, s25, s16, $0xb8;
	[tilespmem:$0x1F780] =	vst v63  }
0x77: {  	_ =	swait.ge [sflag:s15], $0x2800  }
0x78: {  	[sflag:s15] =	ssyncset.done $0x0  }
0x79: {  	s26 =	simm.s32 $0x2800;
	[sflag:s15] =	ssyncadd.s32 $0xFFFFD800  }
0x7a: {  	[spmem:s3] =	stream.indirect.scatter.add.f32 [tilespmem:s12], [sflag:$0x2], $0x80, s26, s16, $0xb8;
	[tilespmem:$0x1F780] =	vst v63  }
0x7b: {  	_ =	swait.ge [sflag:s13], $0x2800  }
0x7c: {  	[sflag:s13] =	ssyncset.done $0x0  }
0x7d: {  	s20 =	simm.s32 $0xA0;
	[sflag:s13] =	ssyncadd.s32 $0xFFFFD800  }
0x7e: {  	[tilespmem:s11], [sflag:$0x1] =	stream.indirect.gather [hbm4b:s1+s16], $0x80, s20, s16, $0xb8;
	[tilespmem:$0x1F780] =	vst v63  }
0x7f: {  	_ =	swait.ge [sflag:s15], $0x2800  }
0x80: {  	[sflag:s15] =	ssyncset.done $0x0  }
0x81: {  	s24 =	simm.s32 $0xF0;
	[sflag:s15] =	ssyncadd.s32 $0xFFFFD800  }
0x82: {  	[tilespmem:s12], [sflag:$0x2] =	stream.indirect.gather [hbm4b:s1+s16], $0x80, s24, s16, $0xb8;
	[tilespmem:$0x1F780] =	vst v63  }
0x83: {  	_ =	swait.ge [sflag:s13], $0x2800  }
0x84: {  	[sflag:s13] =	ssyncset.done $0x0  }
0x85: {  	s25 =	simm.s32 $0x2880;
	[sflag:s13] =	ssyncadd.s32 $0xFFFFD800  }
0x86: {  	[spmem:s3] =	stream.indirect.scatter.add.f32 [tilespmem:s11], [sflag:$0x1], $0x80, s25, s16, $0xb8;
	[tilespmem:$0x1F780] =	vst v63  }
0x87: {  	_ =	swait.ge [sflag:s15], $0x2800  }
0x88: {  	[sflag:s15] =	ssyncset.done $0x0  }
0x89: {  	s26 =	simm.s32 $0x2900;
	[sflag:s15] =	ssyncadd.s32 $0xFFFFD800  }
0x8a: {  	[spmem:s3] =	stream.indirect.scatter.add.f32 [tilespmem:s12], [sflag:$0x2], $0x80, s26, s16, $0xb8;
	[tilespmem:$0x1F780] =	vst v63  }
0x8b: {  	_ =	swait.ge [sflag:s13], $0x2800  }
0x8c: {  	[sflag:s13] =	ssyncset.done $0x0  }
0x8d: {  	[sflag:s13] =	ssyncadd.s32 $0xFFFFD800  }
0x8e: {  	_ =	swait.ge [sflag:s15], $0x2800  }
0x8f: {  	s24 =	simm.s32 $0x800;
	s25 =	simm.s32 $0x0;
	[sflag:s15] =	ssyncset.done $0x0  }
.LBB2_2:
0x90: {  	p0 =	sne.s32 s24, $0xF000;
	[sflag:s15] =	ssyncadd.s32 $0xFFFFD800;
	s25 =	sadd.s32 $0x140, s25  }
0x91: {  	[tilespmem:s11], [sflag:$0x1] =	stream.indirect.gather [hbm4b:s1+s16], $0x80, s25, s16, $0xb8;
	[tilespmem:$0x1F780] =	vst v63  }
0x92: {  	s26 =	smov.u32 s24;
	s24 =	sadd.s32 $0x800, s24;
	s19 =	sadd.s32 $0x50, s25  }
0x93: {  	[tilespmem:s12], [sflag:$0x2] =	stream.indirect.gather [hbm4b:s1+s16], $0x80, s19, s16, $0xb8;
	[tilespmem:$0x1F780] =	vst v63  }
0x94: {  	_ =	swait.ge [sflag:s13], $0x2800  }
0x95: {  	s19 =	sshra.s32 s26, $0x2;
	[sflag:s13] =	ssyncset.done $0x0  }
0x96: {  	s26 =	sadd.s32 $0x2780, s19;
	[sflag:s13] =	ssyncadd.s32 $0xFFFFD800  }
0x97: {  	[spmem:s3] =	stream.indirect.scatter.add.f32 [tilespmem:s11], [sflag:$0x1], $0x80, s26, s16, $0xb8;
	[tilespmem:$0x1F780] =	vst v63  }
0x98: {  	_ =	swait.ge [sflag:s15], $0x2800  }
0x99: {  	[sflag:s15] =	ssyncset.done $0x0  }
0x9a: {  	s26 =	sadd.s32 $0x2800, s19;
	[sflag:s15] =	ssyncadd.s32 $0xFFFFD800  }
0x9b: {  	[spmem:s3] =	stream.indirect.scatter.add.f32 [tilespmem:s12], [sflag:$0x2], $0x80, s26, s16, $0xb8;
	[tilespmem:$0x1F780] =	vst v63  }
0x9c: {  	_ =	swait.ge [sflag:s13], $0x2800  }
0x9d: {  	[sflag:s13] =	ssyncset.done $0x0  }
0x9e: {  	s26 =	sadd.s32 $0xA0, s25;
	[sflag:s13] =	ssyncadd.s32 $0xFFFFD800  }
0x9f: {  	[tilespmem:s11], [sflag:$0x1] =	stream.indirect.gather [hbm4b:s1+s16], $0x80, s26, s16, $0xb8;
	[tilespmem:$0x1F780] =	vst v63  }
0xa0: {  	_ =	swait.ge [sflag:s15], $0x2800  }
0xa1: {  	[sflag:s15] =	ssyncset.done $0x0  }
0xa2: {  	s26 =	sadd.s32 $0xF0, s25;
	[sflag:s15] =	ssyncadd.s32 $0xFFFFD800  }
0xa3: {  	[tilespmem:s12], [sflag:$0x2] =	stream.indirect.gather [hbm4b:s1+s16], $0x80, s26, s16, $0xb8;
	[tilespmem:$0x1F780] =	vst v63  }
0xa4: {  	_ =	swait.ge [sflag:s13], $0x2800  }
0xa5: {  	[sflag:s13] =	ssyncset.done $0x0  }
0xa6: {  	s26 =	sadd.s32 $0x2880, s19;
	[sflag:s13] =	ssyncadd.s32 $0xFFFFD800  }
0xa7: {  	[spmem:s3] =	stream.indirect.scatter.add.f32 [tilespmem:s11], [sflag:$0x1], $0x80, s26, s16, $0xb8;
	[tilespmem:$0x1F780] =	vst v63  }
0xa8: {  	_ =	swait.ge [sflag:s15], $0x2800  }
0xa9: {  	[sflag:s15] =	ssyncset.done $0x0  }
0xaa: {  	s19 =	sadd.s32 $0x2900, s19;
	[sflag:s15] =	ssyncadd.s32 $0xFFFFD800  }
0xab: {  	[spmem:s3] =	stream.indirect.scatter.add.f32 [tilespmem:s12], [sflag:$0x2], $0x80, s19, s16, $0xb8;
	[tilespmem:$0x1F780] =	vst v63  }
.Ltmp0:
0xac: {  	_ =	swait.ge [sflag:s13], $0x2800;
	(pc) =	sbr.rel @p0 .LBB2_2-.Ltmp0, $4  }
0xad: {  	[sflag:s13] =	ssyncset.done $0x0  }
0xae: {  	[sflag:s13] =	ssyncadd.s32 $0xFFFFD800  }
0xaf: {  	_ =	swait.ge [sflag:s15], $0x2800  }
0xb0: {  	[sflag:s15] =	ssyncset.done $0x0  }
0xb1: {  	[sflag:s15] =	ssyncadd.s32 $0xFFFFD800;
	s19 =	simm.s32 $0x26C0  }
0xb2: {  	[tilespmem:s11], [sflag:$0x1] =	stream.indirect.gather [hbm4b:s1+s16], $0x80, s19, s16, $0xb8;
	[tilespmem:$0x1F780] =	vst v63  }
0xb3: {  	_ =	swait.ge [sflag:s13], $0x2800  }
0xb4: {  	[sflag:s13] =	ssyncset.done $0x0  }
0xb5: {  	s26 =	simm.s32 $0x6580;
	[sflag:s13] =	ssyncadd.s32 $0xFFFFD800  }
0xb6: {  	[spmem:s3] =	stream.indirect.scatter.add.f32 [tilespmem:s11], [sflag:$0x3], $0x80, s26, s16, $0xb8;
	[tilespmem:$0x1F780] =	vst v63  }
0xb7: {  	_ =	swait.ge [sflag:s7], $0x2800  }
0xb8: {  	[sflag:s7] =	ssyncset.done $0x0  }
0xb9: {  	[sflag:s7] =	ssyncadd.s32 $0xFFFFD800  }
0xba: {  	[bflag:$0x0] =	sbarrier.arrive $0xFFFF  }
0xbb: {  	[tilespmem:s11], [sflag:$0x1] =	stream.linear.gather [spmem:s10], $0x2800, $0x38;
	[tilespmem:$0x1F780] =	vst v63  }
0xbc: {  	_ = 	snop  }
0xbd: {  	[tilespmem:s12], [sflag:$0x2] =	stream.linear.gather [spmem:s14], $0x2800, $0x38;
	[tilespmem:$0x1F780] =	vst v63  }
0xbe: {  	_ =	swait.ge [sflag:s13], $0x2800  }
0xbf: {  	s20 =	smov.u32 s28;
	[sflag:s13] =	ssyncset.done $0x0  }
0xc0: {  	s28 =	sadd.s32 s28, s8;
	s24 =	simm.s32 $0x0;
	[sflag:s13] =	ssyncadd.s32 $0xFFFFD800  }
0xc1: {  	[hbm4b:s28+s24] =	stream.linear.scatter [tilespmem:s11], [sflag:$0x1], $0x2800, $0x38;
	[tilespmem:$0x1F780] =	vst v63  }
0xc2: {  	_ =	swait.ge [sflag:s15], $0x2800  }
0xc3: {  	[sflag:s15] =	ssyncset.done $0x0;
	s25 =	rddreg [dreg:$0x8]  }
0xc4: {  	[sflag:s15] =	ssyncadd.s32 $0xFFFFD800;
	s19 =	sadd.s32 s25, s8  }
0xc5: {  	[hbm4b:s19+s24] =	stream.linear.scatter [tilespmem:s12], [sflag:$0x2], $0x2800, $0x38;
	[tilespmem:$0x1F780] =	vst v63  }
0xc6: {  	_ =	swait.ge [sflag:s13], $0x2800  }
0xc7: {  	[sflag:s13] =	ssyncset.done $0x0  }
0xc8: {  	[sflag:s13] =	ssyncadd.s32 $0xFFFFD800  }
0xc9: {  	_ =	swait.ge [sflag:s15], $0x2800  }
0xca: {  	[sflag:s15] =	ssyncset.done $0x0  }
0xcb: {  	[sflag:s15] =	ssyncadd.s32 $0xFFFFD800  }
0xcc: {  	[tilespmem:s11], [sflag:$0x1] =	stream.linear.gather [spmem:s17], $0x2800, $0x38;
	[tilespmem:$0x1F780] =	vst v63  }
0xcd: {  	_ = 	snop  }
0xce: {  	[tilespmem:s12], [sflag:$0x2] =	stream.linear.gather [spmem:s18], $0x2800, $0x38;
	[tilespmem:$0x1F780] =	vst v63  }
0xcf: {  	_ =	swait.ge [sflag:s13], $0x2800  }
0xd0: {  	[sflag:s13] =	ssyncset.done $0x0;
	s26 =	rddreg [dreg:$0x9]  }
0xd1: {  	[sflag:s13] =	ssyncadd.s32 $0xFFFFD800;
	s19 =	sadd.s32 s26, s8  }
0xd2: {  	[hbm4b:s19+s24] =	stream.linear.scatter [tilespmem:s11], [sflag:$0x1], $0x2800, $0x38;
	[tilespmem:$0x1F780] =	vst v63  }
0xd3: {  	_ =	swait.ge [sflag:s15], $0x2800  }
0xd4: {  	[sflag:s15] =	ssyncset.done $0x0  }
0xd5: {  	s28 =	sadd.s32 s30, s8;
	[sflag:s15] =	ssyncadd.s32 $0xFFFFD800  }
0xd6: {  	[hbm4b:s28+s24] =	stream.linear.scatter [tilespmem:s12], [sflag:$0x2], $0x2800, $0x38;
	[tilespmem:$0x1F780] =	vst v63  }
0xd7: {  	_ =	swait.ge [sflag:s13], $0x2800  }
0xd8: {  	[sflag:s13] =	ssyncset.done $0x0  }
0xd9: {  	[sflag:s13] =	ssyncadd.s32 $0xFFFFD800  }
0xda: {  	_ =	swait.ge [sflag:s15], $0x2800  }
0xdb: {  	[sflag:s15] =	ssyncset.done $0x0  }
0xdc: {  	[sflag:s15] =	ssyncadd.s32 $0xFFFFD800  }
0xdd: {  	[tilespmem:s11], [sflag:$0x1] =	stream.linear.gather [spmem:s21], $0x2800, $0x38;
	[tilespmem:$0x1F780] =	vst v63  }
0xde: {  	_ = 	snop  }
0xdf: {  	[tilespmem:s12], [sflag:$0x2] =	stream.linear.gather [spmem:s22], $0x2800, $0x38;
	[tilespmem:$0x1F780] =	vst v63  }
0xe0: {  	_ =	swait.ge [sflag:s13], $0x2800  }
0xe1: {  	[sflag:s13] =	ssyncset.done $0x0  }
0xe2: {  	s25 =	sadd.s32 s31, s8;
	[sflag:s13] =	ssyncadd.s32 $0xFFFFD800  }
0xe3: {  	[hbm4b:s25+s24] =	stream.linear.scatter [tilespmem:s11], [sflag:$0x1], $0x2800, $0x38;
	[tilespmem:$0x1F780] =	vst v63  }
0xe4: {  	_ =	swait.ge [sflag:s15], $0x2800  }
0xe5: {  	[sflag:s15] =	ssyncset.done $0x0  }
0xe6: {  	s26 =	sadd.s32 s0, s8;
	[sflag:s15] =	ssyncadd.s32 $0xFFFFD800  }
0xe7: {  	[hbm4b:s26+s24] =	stream.linear.scatter [tilespmem:s12], [sflag:$0x2], $0x2800, $0x38;
	[tilespmem:$0x1F780] =	vst v63  }
0xe8: {  	_ =	swait.ge [sflag:s13], $0x2800  }
0xe9: {  	[sflag:s13] =	ssyncset.done $0x0  }
0xea: {  	[sflag:s13] =	ssyncadd.s32 $0xFFFFD800  }
0xeb: {  	_ =	swait.ge [sflag:s15], $0x2800  }
0xec: {  	[sflag:s15] =	ssyncset.done $0x0  }
0xed: {  	[sflag:s15] =	ssyncadd.s32 $0xFFFFD800  }
0xee: {  	[tilespmem:s11], [sflag:$0x1] =	stream.linear.gather [spmem:s5], $0x2800, $0x38;
	[tilespmem:$0x1F780] =	vst v63  }
0xef: {  	_ = 	snop  }
0xf0: {  	[tilespmem:s12], [sflag:$0x2] =	stream.linear.gather [spmem:s6], $0x2800, $0x38;
	[tilespmem:$0x1F780] =	vst v63  }
0xf1: {  	_ =	swait.ge [sflag:s13], $0x2800  }
0xf2: {  	[sflag:s13] =	ssyncset.done $0x0  }
0xf3: {  	s28 =	sadd.s32 s29, s8;
	[sflag:s13] =	ssyncadd.s32 $0xFFFFD800  }
0xf4: {  	[hbm4b:s28+s24] =	stream.linear.scatter [tilespmem:s11], [sflag:$0x1], $0x2800, $0x38;
	[tilespmem:$0x1F780] =	vst v63  }
0xf5: {  	_ =	swait.ge [sflag:s15], $0x2800  }
0xf6: {  	[sflag:s15] =	ssyncset.done $0x0  }
0xf7: {  	s25 =	sadd.s32 s2, s8;
	[sflag:s15] =	ssyncadd.s32 $0xFFFFD800  }
0xf8: {  	[hbm4b:s25+s24] =	stream.linear.scatter [tilespmem:s12], [sflag:$0x2], $0x2800, $0x38;
	[tilespmem:$0x1F780] =	vst v63  }
0xf9: {  	_ =	swait.ge [sflag:s13], $0x2800  }
0xfa: {  	[sflag:s13] =	ssyncset.done $0x0  }
0xfb: {  	[sflag:s13] =	ssyncadd.s32 $0xFFFFD800  }
0xfc: {  	_ =	swait.ge [sflag:s15], $0x2800  }
0xfd: {  	[sflag:s15] =	ssyncset.done $0x0  }
0xfe: {  	[sflag:s15] =	ssyncadd.s32 $0xFFFFD800  }
0xff: {  	[bflag:$0x0] =	sbarrier.arrive $0xFFFF  }
0x100: {  	s26 =	rddreg [dreg:$0xa]  }
0x101: {  	[tilespmem:s11], [sflag:$0x1] =	stream.linear.gather [hbm4b:s26+s24], $0x2800, $0x38;
	[tilespmem:$0x1F780] =	vst v63  }
0x102: {  	s28 =	rddreg [dreg:$0xb]  }
0x103: {  	[tilespmem:s12], [sflag:$0x2] =	stream.linear.gather [hbm4b:s28+s24], $0x2800, $0x38;
	[tilespmem:$0x1F780] =	vst v63  }
0x104: {  	_ =	swait.ge [sflag:s13], $0x2800  }
0x105: {  	[sflag:s13] =	ssyncset.done $0x0  }
0x106: {  	[sflag:s13] =	ssyncadd.s32 $0xFFFFD800  }
0x107: {  	[spmem:s10] =	stream.linear.scatter [tilespmem:s11], [sflag:$0x1], $0x2800, $0x38;
	[tilespmem:$0x1F780] =	vst v63  }
0x108: {  	_ =	swait.ge [sflag:s15], $0x2800  }
0x109: {  	[sflag:s15] =	ssyncset.done $0x0  }
0x10a: {  	[sflag:s15] =	ssyncadd.s32 $0xFFFFD800  }
0x10b: {  	[spmem:s14] =	stream.linear.scatter [tilespmem:s12], [sflag:$0x2], $0x2800, $0x38;
	[tilespmem:$0x1F780] =	vst v63  }
0x10c: {  	_ =	swait.ge [sflag:s13], $0x2800  }
0x10d: {  	[sflag:s13] =	ssyncset.done $0x0  }
0x10e: {  	[sflag:s13] =	ssyncadd.s32 $0xFFFFD800  }
0x10f: {  	_ =	swait.ge [sflag:s15], $0x2800  }
0x110: {  	[sflag:s15] =	ssyncset.done $0x0  }
0x111: {  	s25 =	rddreg [dreg:$0xc];
	[sflag:s15] =	ssyncadd.s32 $0xFFFFD800  }
0x112: {  	[tilespmem:s11], [sflag:$0x1] =	stream.linear.gather [hbm4b:s25+s24], $0x2800, $0x38;
	[tilespmem:$0x1F780] =	vst v63  }
0x113: {  	s26 =	rddreg [dreg:$0xd]  }
0x114: {  	[tilespmem:s12], [sflag:$0x2] =	stream.linear.gather [hbm4b:s26+s24], $0x2800, $0x38;
	[tilespmem:$0x1F780] =	vst v63  }
0x115: {  	_ =	swait.ge [sflag:s13], $0x2800  }
0x116: {  	[sflag:s13] =	ssyncset.done $0x0  }
0x117: {  	[sflag:s13] =	ssyncadd.s32 $0xFFFFD800  }
0x118: {  	[spmem:s17] =	stream.linear.scatter [tilespmem:s11], [sflag:$0x1], $0x2800, $0x38;
	[tilespmem:$0x1F780] =	vst v63  }
0x119: {  	_ =	swait.ge [sflag:s15], $0x2800  }
0x11a: {  	[sflag:s15] =	ssyncset.done $0x0  }
0x11b: {  	[sflag:s15] =	ssyncadd.s32 $0xFFFFD800  }
0x11c: {  	[spmem:s18] =	stream.linear.scatter [tilespmem:s12], [sflag:$0x2], $0x2800, $0x38;
	[tilespmem:$0x1F780] =	vst v63  }
0x11d: {  	_ =	swait.ge [sflag:s13], $0x2800  }
0x11e: {  	[sflag:s13] =	ssyncset.done $0x0  }
0x11f: {  	[sflag:s13] =	ssyncadd.s32 $0xFFFFD800  }
0x120: {  	_ =	swait.ge [sflag:s15], $0x2800  }
0x121: {  	[sflag:s15] =	ssyncset.done $0x0  }
0x122: {  	s28 =	rddreg [dreg:$0xe];
	[sflag:s15] =	ssyncadd.s32 $0xFFFFD800  }
0x123: {  	[tilespmem:s11], [sflag:$0x1] =	stream.linear.gather [hbm4b:s28+s24], $0x2800, $0x38;
	[tilespmem:$0x1F780] =	vst v63  }
0x124: {  	s25 =	rddreg [dreg:$0xf]  }
0x125: {  	[tilespmem:s12], [sflag:$0x2] =	stream.linear.gather [hbm4b:s25+s24], $0x2800, $0x38;
	[tilespmem:$0x1F780] =	vst v63  }
0x126: {  	_ =	swait.ge [sflag:s13], $0x2800  }
0x127: {  	[sflag:s13] =	ssyncset.done $0x0  }
0x128: {  	[sflag:s13] =	ssyncadd.s32 $0xFFFFD800  }
0x129: {  	[spmem:s21] =	stream.linear.scatter [tilespmem:s11], [sflag:$0x1], $0x2800, $0x38;
	[tilespmem:$0x1F780] =	vst v63  }
0x12a: {  	_ =	swait.ge [sflag:s15], $0x2800  }
0x12b: {  	[sflag:s15] =	ssyncset.done $0x0  }
0x12c: {  	[sflag:s15] =	ssyncadd.s32 $0xFFFFD800  }
0x12d: {  	[spmem:s22] =	stream.linear.scatter [tilespmem:s12], [sflag:$0x2], $0x2800, $0x38;
	[tilespmem:$0x1F780] =	vst v63  }
0x12e: {  	_ =	swait.ge [sflag:s13], $0x2800  }
0x12f: {  	[sflag:s13] =	ssyncset.done $0x0  }
0x130: {  	[sflag:s13] =	ssyncadd.s32 $0xFFFFD800  }
0x131: {  	_ =	swait.ge [sflag:s15], $0x2800  }
0x132: {  	[sflag:s15] =	ssyncset.done $0x0  }
0x133: {  	s26 =	rddreg [dreg:$0x10];
	[sflag:s15] =	ssyncadd.s32 $0xFFFFD800  }
0x134: {  	[tilespmem:s11], [sflag:$0x1] =	stream.linear.gather [hbm4b:s26+s24], $0x2800, $0x38;
	[tilespmem:$0x1F780] =	vst v63  }
0x135: {  	s28 =	rddreg [dreg:$0x11]  }
0x136: {  	[tilespmem:s12], [sflag:$0x2] =	stream.linear.gather [hbm4b:s28+s24], $0x2800, $0x38;
	[tilespmem:$0x1F780] =	vst v63  }
0x137: {  	_ =	swait.ge [sflag:s13], $0x2800  }
0x138: {  	[sflag:s13] =	ssyncset.done $0x0  }
0x139: {  	[sflag:s13] =	ssyncadd.s32 $0xFFFFD800  }
0x13a: {  	[spmem:s5] =	stream.linear.scatter [tilespmem:s11], [sflag:$0x1], $0x2800, $0x38;
	[tilespmem:$0x1F780] =	vst v63  }
0x13b: {  	_ =	swait.ge [sflag:s15], $0x2800  }
0x13c: {  	[sflag:s15] =	ssyncset.done $0x0  }
0x13d: {  	[sflag:s15] =	ssyncadd.s32 $0xFFFFD800  }
0x13e: {  	[spmem:s6] =	stream.linear.scatter [tilespmem:s12], [sflag:$0x2], $0x2800, $0x38;
	[tilespmem:$0x1F780] =	vst v63  }
0x13f: {  	_ =	swait.ge [sflag:s13], $0x2800  }
0x140: {  	[sflag:s13] =	ssyncset.done $0x0  }
0x141: {  	[sflag:s13] =	ssyncadd.s32 $0xFFFFD800  }
0x142: {  	_ =	swait.ge [sflag:s15], $0x2800  }
0x143: {  	[sflag:s15] =	ssyncset.done $0x0  }
0x144: {  	s25 =	rddreg [dreg:$0x4];
	[sflag:s15] =	ssyncadd.s32 $0xFFFFD800  }
0x145: {  	[tilespmem:s11], [sflag:$0x3] =	stream.linear.gather [hbm4b:s25+s24], $0x2800, $0x38;
	[tilespmem:$0x1F780] =	vst v63  }
0x146: {  	_ =	swait.ge [sflag:s7], $0x2800  }
0x147: {  	[sflag:s7] =	ssyncset.done $0x0  }
0x148: {  	[sflag:s7] =	ssyncadd.s32 $0xFFFFD800  }
0x149: {  	s26 =	simm.s32 $0x2780;
	[bflag:$0x0] =	sbarrier.arrive $0xFFFF  }
0x14a: {  	[spmem:s3] =	stream.indirect.scatter.add.f32 [tilespmem:s11], [sflag:$0x1], $0x80, s26, s16, $0xb8;
	[tilespmem:$0x1F780] =	vst v63  }
0x14b: {  	s28 =	simm.s32 $0x2800  }
0x14c: {  	[spmem:s3] =	stream.indirect.scatter.add.f32 [tilespmem:s11], [sflag:$0x1], $0x80, s28, s16, $0xb8;
	[tilespmem:$0x1F780] =	vst v63  }
0x14d: {  	s24 =	simm.s32 $0x2880  }
0x14e: {  	[spmem:s3] =	stream.indirect.scatter.add.f32 [tilespmem:s11], [sflag:$0x1], $0x80, s24, s16, $0xb8;
	[tilespmem:$0x1F780] =	vst v63  }
0x14f: {  	s25 =	simm.s32 $0x2900  }
0x150: {  	[spmem:s3] =	stream.indirect.scatter.add.f32 [tilespmem:s11], [sflag:$0x1], $0x80, s25, s16, $0xb8;
	[tilespmem:$0x1F780] =	vst v63  }
0x151: {  	s26 =	simm.s32 $0x2980  }
0x152: {  	[spmem:s3] =	stream.indirect.scatter.add.f32 [tilespmem:s11], [sflag:$0x1], $0x80, s26, s16, $0xb8;
	[tilespmem:$0x1F780] =	vst v63  }
0x153: {  	s28 =	simm.s32 $0x2A00  }
0x154: {  	[spmem:s3] =	stream.indirect.scatter.add.f32 [tilespmem:s11], [sflag:$0x1], $0x80, s28, s16, $0xb8;
	[tilespmem:$0x1F780] =	vst v63  }
0x155: {  	s24 =	simm.s32 $0x2A80  }
0x156: {  	[spmem:s3] =	stream.indirect.scatter.add.f32 [tilespmem:s11], [sflag:$0x1], $0x80, s24, s16, $0xb8;
	[tilespmem:$0x1F780] =	vst v63  }
0x157: {  	s25 =	simm.s32 $0x2B00  }
0x158: {  	[spmem:s3] =	stream.indirect.scatter.add.f32 [tilespmem:s11], [sflag:$0x1], $0x80, s25, s16, $0xb8;
	[tilespmem:$0x1F780] =	vst v63  }
0x159: {  	s26 =	simm.s32 $0x2B80  }
0x15a: {  	[spmem:s3] =	stream.indirect.scatter.add.f32 [tilespmem:s11], [sflag:$0x1], $0x80, s26, s16, $0xb8;
	[tilespmem:$0x1F780] =	vst v63  }
0x15b: {  	s28 =	simm.s32 $0x2C00  }
0x15c: {  	[spmem:s3] =	stream.indirect.scatter.add.f32 [tilespmem:s11], [sflag:$0x1], $0x80, s28, s16, $0xb8;
	[tilespmem:$0x1F780] =	vst v63  }
0x15d: {  	_ =	swait.ge [sflag:s13], $0x2800  }
0x15e: {  	[sflag:s13] =	ssyncset.done $0x0  }
0x15f: {  	[sflag:s13] =	ssyncadd.s32 $0xFFFFD800  }
0x160: {  	_ =	swait.ge [sflag:s13], $0x2800  }
0x161: {  	[sflag:s13] =	ssyncset.done $0x0  }
0x162: {  	[sflag:s13] =	ssyncadd.s32 $0xFFFFD800  }
0x163: {  	_ =	swait.ge [sflag:s13], $0x2800  }
0x164: {  	[sflag:s13] =	ssyncset.done $0x0  }
0x165: {  	[sflag:s13] =	ssyncadd.s32 $0xFFFFD800  }
0x166: {  	_ =	swait.ge [sflag:s13], $0x2800  }
0x167: {  	[sflag:s13] =	ssyncset.done $0x0  }
0x168: {  	[sflag:s13] =	ssyncadd.s32 $0xFFFFD800  }
0x169: {  	_ =	swait.ge [sflag:s13], $0x2800  }
0x16a: {  	[sflag:s13] =	ssyncset.done $0x0  }
0x16b: {  	[sflag:s13] =	ssyncadd.s32 $0xFFFFD800  }
0x16c: {  	_ =	swait.ge [sflag:s13], $0x2800  }
0x16d: {  	[sflag:s13] =	ssyncset.done $0x0  }
0x16e: {  	[sflag:s13] =	ssyncadd.s32 $0xFFFFD800  }
0x16f: {  	_ =	swait.ge [sflag:s13], $0x2800  }
0x170: {  	[sflag:s13] =	ssyncset.done $0x0  }
0x171: {  	[sflag:s13] =	ssyncadd.s32 $0xFFFFD800  }
0x172: {  	_ =	swait.ge [sflag:s13], $0x2800  }
0x173: {  	[sflag:s13] =	ssyncset.done $0x0  }
0x174: {  	[sflag:s13] =	ssyncadd.s32 $0xFFFFD800  }
0x175: {  	_ =	swait.ge [sflag:s13], $0x2800  }
0x176: {  	[sflag:s13] =	ssyncset.done $0x0  }
0x177: {  	[sflag:s13] =	ssyncadd.s32 $0xFFFFD800  }
0x178: {  	_ =	swait.ge [sflag:s13], $0x2800  }
0x179: {  	s19 =	simm.s32 $0x500;
	s24 =	simm.s32 $0x2800;
	[sflag:s13] =	ssyncset.done $0x0  }
.LBB2_4:
0x17a: {  	s28 =	sadd.s32 $0x2780, s19  }
0x17b: {  	[sflag:s13] =	ssyncadd.s32 $0xFFFFD800;
	s25 =	smov.u32 s24;
	s26 =	sadd.s32 $0x1400, s24  }
0x17c: {  	[spmem:s3] =	stream.indirect.scatter.add.f32 [tilespmem:s11], [sflag:$0x1], $0x80, s28, s16, $0xb8;
	[tilespmem:$0x1F780] =	vst v63  }
0x17d: {  	p0 =	sne.s32 s24, $0xDC00;
	s24 =	sadd.s32 $0x2800, s19  }
0x17e: {  	[spmem:s3] =	stream.indirect.scatter.add.f32 [tilespmem:s11], [sflag:$0x1], $0x80, s24, s16, $0xb8;
	[tilespmem:$0x1F780] =	vst v63  }
0x17f: {  	s24 =	sadd.s32 $0x2880, s19  }
0x180: {  	[spmem:s3] =	stream.indirect.scatter.add.f32 [tilespmem:s11], [sflag:$0x1], $0x80, s24, s16, $0xb8;
	[tilespmem:$0x1F780] =	vst v63  }
0x181: {  	s24 =	sadd.s32 $0x2900, s19  }
0x182: {  	[spmem:s3] =	stream.indirect.scatter.add.f32 [tilespmem:s11], [sflag:$0x1], $0x80, s24, s16, $0xb8;
	[tilespmem:$0x1F780] =	vst v63  }
0x183: {  	s24 =	sadd.s32 $0x2980, s19  }
0x184: {  	[spmem:s3] =	stream.indirect.scatter.add.f32 [tilespmem:s11], [sflag:$0x1], $0x80, s24, s16, $0xb8;
	[tilespmem:$0x1F780] =	vst v63  }
0x185: {  	s24 =	sadd.s32 $0x2A00, s19  }
0x186: {  	[spmem:s3] =	stream.indirect.scatter.add.f32 [tilespmem:s11], [sflag:$0x1], $0x80, s24, s16, $0xb8;
	[tilespmem:$0x1F780] =	vst v63  }
0x187: {  	s24 =	sadd.s32 $0x2A80, s19  }
0x188: {  	[spmem:s3] =	stream.indirect.scatter.add.f32 [tilespmem:s11], [sflag:$0x1], $0x80, s24, s16, $0xb8;
	[tilespmem:$0x1F780] =	vst v63  }
0x189: {  	s24 =	sadd.s32 $0x2B00, s19  }
0x18a: {  	[spmem:s3] =	stream.indirect.scatter.add.f32 [tilespmem:s11], [sflag:$0x1], $0x80, s24, s16, $0xb8;
	[tilespmem:$0x1F780] =	vst v63  }
0x18b: {  	s24 =	sadd.s32 $0x2B80, s19  }
0x18c: {  	[spmem:s3] =	stream.indirect.scatter.add.f32 [tilespmem:s11], [sflag:$0x1], $0x80, s24, s16, $0xb8;
	[tilespmem:$0x1F780] =	vst v63  }
0x18d: {  	s19 =	sadd.s32 $0x2C00, s19  }
0x18e: {  	[spmem:s3] =	stream.indirect.scatter.add.f32 [tilespmem:s11], [sflag:$0x1], $0x80, s19, s16, $0xb8;
	[tilespmem:$0x1F780] =	vst v63  }
0x18f: {  	_ =	swait.ge [sflag:s13], $0x2800  }
0x190: {  	[sflag:s13] =	ssyncset.done $0x0  }
0x191: {  	[sflag:s13] =	ssyncadd.s32 $0xFFFFD800  }
0x192: {  	_ =	swait.ge [sflag:s13], $0x2800  }
0x193: {  	[sflag:s13] =	ssyncset.done $0x0  }
0x194: {  	[sflag:s13] =	ssyncadd.s32 $0xFFFFD800  }
0x195: {  	_ =	swait.ge [sflag:s13], $0x2800  }
0x196: {  	[sflag:s13] =	ssyncset.done $0x0  }
0x197: {  	[sflag:s13] =	ssyncadd.s32 $0xFFFFD800  }
0x198: {  	_ =	swait.ge [sflag:s13], $0x2800  }
0x199: {  	[sflag:s13] =	ssyncset.done $0x0  }
0x19a: {  	[sflag:s13] =	ssyncadd.s32 $0xFFFFD800  }
0x19b: {  	_ =	swait.ge [sflag:s13], $0x2800  }
0x19c: {  	[sflag:s13] =	ssyncset.done $0x0  }
0x19d: {  	[sflag:s13] =	ssyncadd.s32 $0xFFFFD800  }
0x19e: {  	_ =	swait.ge [sflag:s13], $0x2800  }
0x19f: {  	[sflag:s13] =	ssyncset.done $0x0  }
0x1a0: {  	[sflag:s13] =	ssyncadd.s32 $0xFFFFD800  }
0x1a1: {  	_ =	swait.ge [sflag:s13], $0x2800  }
0x1a2: {  	[sflag:s13] =	ssyncset.done $0x0  }
0x1a3: {  	[sflag:s13] =	ssyncadd.s32 $0xFFFFD800  }
0x1a4: {  	_ =	swait.ge [sflag:s13], $0x2800  }
0x1a5: {  	[sflag:s13] =	ssyncset.done $0x0  }
0x1a6: {  	[sflag:s13] =	ssyncadd.s32 $0xFFFFD800  }
.Ltmp1:
0x1a7: {  	_ =	swait.ge [sflag:s13], $0x2800;
	(pc) =	sbr.rel @p0 .LBB2_4-.Ltmp1, $4  }
0x1a8: {  	[sflag:s13] =	ssyncset.done $0x0  }
0x1a9: {  	[sflag:s13] =	ssyncadd.s32 $0xFFFFD800  }
0x1aa: {  	_ =	swait.ge [sflag:s13], $0x2800  }
0x1ab: {  	s24 =	smov.u32 s26;
	s19 =	sshra.s32 s25, $0x2;
	[sflag:s13] =	ssyncset.done $0x0  }
0x1ac: {  	s24 =	sadd.s32 $0x2780, s19;
	[sflag:s13] =	ssyncadd.s32 $0xFFFFD800  }
0x1ad: {  	[spmem:s3] =	stream.indirect.scatter.add.f32 [tilespmem:s11], [sflag:$0x1], $0x80, s24, s16, $0xb8;
	[tilespmem:$0x1F780] =	vst v63  }
0x1ae: {  	s26 =	sadd.s32 $0x2800, s19  }
0x1af: {  	[spmem:s3] =	stream.indirect.scatter.add.f32 [tilespmem:s11], [sflag:$0x1], $0x80, s26, s16, $0xb8;
	[tilespmem:$0x1F780] =	vst v63  }
0x1b0: {  	s25 =	sadd.s32 $0x2880, s19  }
0x1b1: {  	[spmem:s3] =	stream.indirect.scatter.add.f32 [tilespmem:s11], [sflag:$0x1], $0x80, s25, s16, $0xb8;
	[tilespmem:$0x1F780] =	vst v63  }
0x1b2: {  	s26 =	sadd.s32 $0x2900, s19  }
0x1b3: {  	[spmem:s3] =	stream.indirect.scatter.add.f32 [tilespmem:s11], [sflag:$0x1], $0x80, s26, s16, $0xb8;
	[tilespmem:$0x1F780] =	vst v63  }
0x1b4: {  	s25 =	sadd.s32 $0x2980, s19  }
0x1b5: {  	[spmem:s3] =	stream.indirect.scatter.add.f32 [tilespmem:s11], [sflag:$0x1], $0x80, s25, s16, $0xb8;
	[tilespmem:$0x1F780] =	vst v63  }
0x1b6: {  	s26 =	sadd.s32 $0x2A00, s19  }
0x1b7: {  	[spmem:s3] =	stream.indirect.scatter.add.f32 [tilespmem:s11], [sflag:$0x1], $0x80, s26, s16, $0xb8;
	[tilespmem:$0x1F780] =	vst v63  }
0x1b8: {  	s25 =	sadd.s32 $0x2A80, s19  }
0x1b9: {  	[spmem:s3] =	stream.indirect.scatter.add.f32 [tilespmem:s11], [sflag:$0x1], $0x80, s25, s16, $0xb8;
	[tilespmem:$0x1F780] =	vst v63  }
0x1ba: {  	s26 =	sadd.s32 $0x2B00, s19  }
0x1bb: {  	[spmem:s3] =	stream.indirect.scatter.add.f32 [tilespmem:s11], [sflag:$0x1], $0x80, s26, s16, $0xb8;
	[tilespmem:$0x1F780] =	vst v63  }
0x1bc: {  	s25 =	sadd.s32 $0x2B80, s19  }
0x1bd: {  	[spmem:s3] =	stream.indirect.scatter.add.f32 [tilespmem:s11], [sflag:$0x1], $0x80, s25, s16, $0xb8;
	[tilespmem:$0x1F780] =	vst v63  }
0x1be: {  	s26 =	sadd.s32 $0x2C00, s19  }
0x1bf: {  	[spmem:s3] =	stream.indirect.scatter.add.f32 [tilespmem:s11], [sflag:$0x1], $0x80, s26, s16, $0xb8;
	[tilespmem:$0x1F780] =	vst v63  }
0x1c0: {  	_ =	swait.ge [sflag:s13], $0x2800  }
0x1c1: {  	[sflag:s13] =	ssyncset.done $0x0  }
0x1c2: {  	[sflag:s13] =	ssyncadd.s32 $0xFFFFD800  }
0x1c3: {  	_ =	swait.ge [sflag:s13], $0x2800  }
0x1c4: {  	[sflag:s13] =	ssyncset.done $0x0  }
0x1c5: {  	[sflag:s13] =	ssyncadd.s32 $0xFFFFD800  }
0x1c6: {  	_ =	swait.ge [sflag:s13], $0x2800  }
0x1c7: {  	[sflag:s13] =	ssyncset.done $0x0  }
0x1c8: {  	[sflag:s13] =	ssyncadd.s32 $0xFFFFD800  }
0x1c9: {  	_ =	swait.ge [sflag:s13], $0x2800  }
0x1ca: {  	[sflag:s13] =	ssyncset.done $0x0  }
0x1cb: {  	[sflag:s13] =	ssyncadd.s32 $0xFFFFD800  }
0x1cc: {  	_ =	swait.ge [sflag:s13], $0x2800  }
0x1cd: {  	[sflag:s13] =	ssyncset.done $0x0  }
0x1ce: {  	[sflag:s13] =	ssyncadd.s32 $0xFFFFD800  }
0x1cf: {  	_ =	swait.ge [sflag:s13], $0x2800  }
0x1d0: {  	[sflag:s13] =	ssyncset.done $0x0  }
0x1d1: {  	[sflag:s13] =	ssyncadd.s32 $0xFFFFD800  }
0x1d2: {  	_ =	swait.ge [sflag:s13], $0x2800  }
0x1d3: {  	[sflag:s13] =	ssyncset.done $0x0  }
0x1d4: {  	[sflag:s13] =	ssyncadd.s32 $0xFFFFD800  }
0x1d5: {  	_ =	swait.ge [sflag:s13], $0x2800  }
0x1d6: {  	[sflag:s13] =	ssyncset.done $0x0  }
0x1d7: {  	[sflag:s13] =	ssyncadd.s32 $0xFFFFD800  }
0x1d8: {  	_ =	swait.ge [sflag:s13], $0x2800  }
0x1d9: {  	[sflag:s13] =	ssyncset.done $0x0  }
0x1da: {  	[sflag:s13] =	ssyncadd.s32 $0xFFFFD800  }
0x1db: {  	_ =	swait.ge [sflag:s13], $0x2800  }
0x1dc: {  	[sflag:s13] =	ssyncset.done $0x0  }
0x1dd: {  	s24 =	simm.s32 $0x6380;
	[sflag:s13] =	ssyncadd.s32 $0xFFFFD800  }
0x1de: {  	[spmem:s3] =	stream.indirect.scatter.add.f32 [tilespmem:s11], [sflag:$0x1], $0x80, s24, s16, $0xb8;
	[tilespmem:$0x1F780] =	vst v63  }
0x1df: {  	s25 =	simm.s32 $0x6400  }
0x1e0: {  	[spmem:s3] =	stream.indirect.scatter.add.f32 [tilespmem:s11], [sflag:$0x1], $0x80, s25, s16, $0xb8;
	[tilespmem:$0x1F780] =	vst v63  }
0x1e1: {  	s26 =	simm.s32 $0x6480  }
0x1e2: {  	[spmem:s3] =	stream.indirect.scatter.add.f32 [tilespmem:s11], [sflag:$0x1], $0x80, s26, s16, $0xb8;
	[tilespmem:$0x1F780] =	vst v63  }
0x1e3: {  	s24 =	simm.s32 $0x6500  }
0x1e4: {  	[spmem:s3] =	stream.indirect.scatter.add.f32 [tilespmem:s11], [sflag:$0x1], $0x80, s24, s16, $0xb8;
	[tilespmem:$0x1F780] =	vst v63  }
0x1e5: {  	s25 =	simm.s32 $0x6580  }
0x1e6: {  	[spmem:s3] =	stream.indirect.scatter.add.f32 [tilespmem:s11], [sflag:$0x1], $0x80, s25, s16, $0xb8;
	[tilespmem:$0x1F780] =	vst v63  }
0x1e7: {  	_ =	swait.ge [sflag:s13], $0x2800  }
0x1e8: {  	[sflag:s13] =	ssyncset.done $0x0  }
0x1e9: {  	[sflag:s13] =	ssyncadd.s32 $0xFFFFD800  }
0x1ea: {  	_ =	swait.ge [sflag:s13], $0x2800  }
0x1eb: {  	[sflag:s13] =	ssyncset.done $0x0  }
0x1ec: {  	[sflag:s13] =	ssyncadd.s32 $0xFFFFD800  }
0x1ed: {  	_ =	swait.ge [sflag:s13], $0x2800  }
0x1ee: {  	[sflag:s13] =	ssyncset.done $0x0  }
0x1ef: {  	[sflag:s13] =	ssyncadd.s32 $0xFFFFD800  }
0x1f0: {  	_ =	swait.ge [sflag:s13], $0x2800  }
0x1f1: {  	[sflag:s13] =	ssyncset.done $0x0  }
0x1f2: {  	[sflag:s13] =	ssyncadd.s32 $0xFFFFD800  }
0x1f3: {  	_ =	swait.ge [sflag:s13], $0x2800  }
0x1f4: {  	[sflag:s13] =	ssyncset.done $0x0  }
0x1f5: {  	[sflag:s13] =	ssyncadd.s32 $0xFFFFD800  }
0x1f6: {  	[bflag:$0x0] =	sbarrier.arrive $0xFFFF  }
0x1f7: {  	[tilespmem:s11], [sflag:$0x1] =	stream.linear.gather [spmem:s10], $0x2800, $0x38;
	[tilespmem:$0x1F780] =	vst v63  }
0x1f8: {  	_ = 	snop  }
0x1f9: {  	[tilespmem:s12], [sflag:$0x2] =	stream.linear.gather [spmem:s14], $0x2800, $0x38;
	[tilespmem:$0x1F780] =	vst v63  }
0x1fa: {  	_ =	swait.ge [sflag:s13], $0x2800  }
0x1fb: {  	[sflag:s13] =	ssyncset.done $0x0  }
0x1fc: {  	s26 =	sadd.s32 s20, s9;
	[sflag:s13] =	ssyncadd.s32 $0xFFFFD800  }
0x1fd: {  	[hbm4b:s26+s4] =	stream.linear.scatter [tilespmem:s11], [sflag:$0x1], $0x2800, $0x38;
	[tilespmem:$0x1F780] =	vst v63  }
0x1fe: {  	_ =	swait.ge [sflag:s15], $0x2800  }
0x1ff: {  	s28 =	smov.u32 s20;
	[sflag:s15] =	ssyncset.done $0x0;
	s20 =	rddreg [dreg:$0x8]  }
0x200: {  	[sflag:s15] =	ssyncadd.s32 $0xFFFFD800;
	s19 =	sadd.s32 s20, s9  }
0x201: {  	[hbm4b:s19+s4] =	stream.linear.scatter [tilespmem:s12], [sflag:$0x2], $0x2800, $0x38;
	[tilespmem:$0x1F780] =	vst v63  }
0x202: {  	_ =	swait.ge [sflag:s13], $0x2800  }
0x203: {  	[sflag:s13] =	ssyncset.done $0x0  }
0x204: {  	[sflag:s13] =	ssyncadd.s32 $0xFFFFD800  }
0x205: {  	_ =	swait.ge [sflag:s15], $0x2800  }
0x206: {  	[sflag:s15] =	ssyncset.done $0x0  }
0x207: {  	[sflag:s15] =	ssyncadd.s32 $0xFFFFD800  }
0x208: {  	[tilespmem:s11], [sflag:$0x1] =	stream.linear.gather [spmem:s17], $0x2800, $0x38;
	[tilespmem:$0x1F780] =	vst v63  }
0x209: {  	_ = 	snop  }
0x20a: {  	[tilespmem:s12], [sflag:$0x2] =	stream.linear.gather [spmem:s18], $0x2800, $0x38;
	[tilespmem:$0x1F780] =	vst v63  }
0x20b: {  	_ =	swait.ge [sflag:s13], $0x2800  }
0x20c: {  	[sflag:s13] =	ssyncset.done $0x0;
	s24 =	rddreg [dreg:$0x9]  }
0x20d: {  	[sflag:s13] =	ssyncadd.s32 $0xFFFFD800;
	s19 =	sadd.s32 s24, s9  }
0x20e: {  	[hbm4b:s19+s4] =	stream.linear.scatter [tilespmem:s11], [sflag:$0x1], $0x2800, $0x38;
	[tilespmem:$0x1F780] =	vst v63  }
0x20f: {  	_ =	swait.ge [sflag:s15], $0x2800  }
0x210: {  	[sflag:s15] =	ssyncset.done $0x0  }
0x211: {  	s25 =	sadd.s32 s30, s9;
	[sflag:s15] =	ssyncadd.s32 $0xFFFFD800  }
0x212: {  	[hbm4b:s25+s4] =	stream.linear.scatter [tilespmem:s12], [sflag:$0x2], $0x2800, $0x38;
	[tilespmem:$0x1F780] =	vst v63  }
0x213: {  	_ =	swait.ge [sflag:s13], $0x2800  }
0x214: {  	[sflag:s13] =	ssyncset.done $0x0  }
0x215: {  	[sflag:s13] =	ssyncadd.s32 $0xFFFFD800  }
0x216: {  	_ =	swait.ge [sflag:s15], $0x2800  }
0x217: {  	[sflag:s15] =	ssyncset.done $0x0  }
0x218: {  	[sflag:s15] =	ssyncadd.s32 $0xFFFFD800  }
0x219: {  	[tilespmem:s11], [sflag:$0x1] =	stream.linear.gather [spmem:s21], $0x2800, $0x38;
	[tilespmem:$0x1F780] =	vst v63  }
0x21a: {  	_ = 	snop  }
0x21b: {  	[tilespmem:s12], [sflag:$0x2] =	stream.linear.gather [spmem:s22], $0x2800, $0x38;
	[tilespmem:$0x1F780] =	vst v63  }
0x21c: {  	_ =	swait.ge [sflag:s13], $0x2800  }
0x21d: {  	[sflag:s13] =	ssyncset.done $0x0  }
0x21e: {  	s26 =	sadd.s32 s31, s9;
	[sflag:s13] =	ssyncadd.s32 $0xFFFFD800  }
0x21f: {  	[hbm4b:s26+s4] =	stream.linear.scatter [tilespmem:s11], [sflag:$0x1], $0x2800, $0x38;
	[tilespmem:$0x1F780] =	vst v63  }
0x220: {  	_ =	swait.ge [sflag:s15], $0x2800  }
0x221: {  	[sflag:s15] =	ssyncset.done $0x0  }
0x222: {  	s20 =	sadd.s32 s0, s9;
	[sflag:s15] =	ssyncadd.s32 $0xFFFFD800  }
0x223: {  	[hbm4b:s20+s4] =	stream.linear.scatter [tilespmem:s12], [sflag:$0x2], $0x2800, $0x38;
	[tilespmem:$0x1F780] =	vst v63  }
0x224: {  	_ =	swait.ge [sflag:s13], $0x2800  }
0x225: {  	[sflag:s13] =	ssyncset.done $0x0  }
0x226: {  	[sflag:s13] =	ssyncadd.s32 $0xFFFFD800  }
0x227: {  	_ =	swait.ge [sflag:s15], $0x2800  }
0x228: {  	[sflag:s15] =	ssyncset.done $0x0  }
0x229: {  	[sflag:s15] =	ssyncadd.s32 $0xFFFFD800  }
0x22a: {  	[tilespmem:s11], [sflag:$0x1] =	stream.linear.gather [spmem:s5], $0x2800, $0x38;
	[tilespmem:$0x1F780] =	vst v63  }
0x22b: {  	_ = 	snop  }
0x22c: {  	[tilespmem:s12], [sflag:$0x2] =	stream.linear.gather [spmem:s6], $0x2800, $0x38;
	[tilespmem:$0x1F780] =	vst v63  }
0x22d: {  	_ =	swait.ge [sflag:s13], $0x2800  }
0x22e: {  	[sflag:s13] =	ssyncset.done $0x0  }
0x22f: {  	s24 =	sadd.s32 s29, s9;
	[sflag:s13] =	ssyncadd.s32 $0xFFFFD800  }
0x230: {  	[hbm4b:s24+s4] =	stream.linear.scatter [tilespmem:s11], [sflag:$0x1], $0x2800, $0x38;
	[tilespmem:$0x1F780] =	vst v63  }
0x231: {  	_ =	swait.ge [sflag:s15], $0x2800  }
0x232: {  	[sflag:s15] =	ssyncset.done $0x0  }
0x233: {  	s25 =	sadd.s32 s2, s9;
	[sflag:s15] =	ssyncadd.s32 $0xFFFFD800  }
0x234: {  	[hbm4b:s25+s4] =	stream.linear.scatter [tilespmem:s12], [sflag:$0x2], $0x2800, $0x38;
	[tilespmem:$0x1F780] =	vst v63  }
0x235: {  	_ =	swait.ge [sflag:s13], $0x2800  }
0x236: {  	[sflag:s13] =	ssyncset.done $0x0  }
0x237: {  	[sflag:s13] =	ssyncadd.s32 $0xFFFFD800  }
0x238: {  	_ =	swait.ge [sflag:s15], $0x2800  }
0x239: {  	s23 =	sadd.s32 $0x1, s23;
	s26 =	rddreg [dreg:$0x7]  }
0x23a: {  	p0 =	sne.s32 s23, s26  }
.Ltmp2:
0x23b: {  	_ = 	snop;
	(pc) =	sbr.rel @p0 .LBB2_1-.Ltmp2, $3  }
0x23c: {  	_ =	sdelay $0x1  }
0x23d: {  	[sflag:s15] =	ssyncset.done $0x0  }
0x23e: {  	[sflag:s15] =	ssyncadd.s32 $0xFFFFD800  }
0x23f: {  	_ =	sfence.sel $0x180000  }
0x240: {  	[bflag:$0x0] =	sbarrier.arrive $0xFFFF  }
0x241: {  	_ =	strace $0x90000047  }
0x242: {  	s0 =	stileid.u32;
	[bflag:$0x2] =	sbarrier.arrive $0xFFFF  }
0x243: {  	p0 =	sne.s32 s0, $0x0;
	s0 =	rddreg [dreg:$0x3]  }
0x244: {  	s0 =	sadd.s32 @!p0 $0x100000, s0  }
0x245: {  	[sflag:s0] =	ssyncadd.tile.s32 @!p0 $0x1;
	_ =	shalt  }
.Lfunc_end2:
_tile_overlayer_lowered:
.L_overlay_start_2:
0x246: {  	(tag) =	ssettag $0x2  }
0x247: {  	s0 =	rddreg [dreg:$0x0];
	s2 =	stileid.u32  }
0x248: {  	s1 =	rddreg [dreg:$0x1];
	p0 =	sne.s32 s2, $0x0  }
0x249: {  	s3 =	rddreg [dreg:$0x2];
	[bflag:$0x3] =	sbarrier.arrive $0xFFFF;
	s2 =	simm.s32 @!p0 $0x1C03  }
0x24a: {  	[timem:s3], [sflag:s2] =	dma.local @!p0 [hbm:s0], s1  }
0x24b: {  	s0 =	simm.s32 @!p0 $0x3  }
0x24c: {  	_ =	swait.ge @!p0 [sflag:s0], s1  }
0x24d: {  	s1 =	ssub.s32 @!p0 $0x0, s1;
	[sflag:s0] =	ssyncset.done @!p0 $0x0  }
0x24e: {  	[sflag:s0] =	ssyncadd.s32 @!p0 s1  }
0x24f: {  	[bflag:$0x3] =	sbarrier.arrive $0xFFFF  }
0x250: {  	_ =	shalt  }

// kernel: kernel.9.cloned.1.call-start
scs
__scs_entry_jumppad:
0x0: {  	(pc) =	sbr.rel $0x88, $3  }
0x1: {  	(tag) =	ssettag $0x0;
	lr =	simm.s32 $0x1  }
0x2: {  	[smem:$0x3F99] =	sst lr;
	_ =	strace $0xD0000000  }
0x3: {  	_ = 	snop  }
0x4: {  	_ = 	snop  }
0x5: {  	_ = 	snop  }
0x6: {  	_ = 	snop  }
0x7: {  	_ = 	snop  }
__scs_overlays_trampoline_lowered:
0x8: {  	[smem:$0x3FA8] =	sst s0  }
0x9: {  	[smem:$0x3FA9] =	sst s1  }
0xa: {  	[smem:$0x3FAA] =	sst s2  }
0xb: {  	[smem:$0x3FAB] =	sst s3  }
0xc: {  	[smem:$0x3FAC] =	sst s4  }
0xd: {  	[smem:$0x3FAD] =	sst s5  }
0xe: {  	[smem:$0x3FAE] =	sst s6  }
0xf: {  	[smem:$0x3FAF] =	sst s7  }
0x10: {  	[smem:$0x3FB0] =	sst s8  }
0x11: {  	[smem:$0x3FB1] =	sst s9;
	s0 =	simm.s32 @!p0 $0x0  }
0x12: {  	s1 =	sld [smem:$0x3F97];
	s0 =	simm.s32 @p0 $0x1  }
0x13: {  	[smem:$0x3FB2] =	sst s0;
	s0 =	simm.s32 @!p1 $0x0  }
0x14: {  	s2 =	sld [smem:$0x3F96];
	s0 =	simm.s32 @p1 $0x1  }
0x15: {  	[smem:$0x3FB3] =	sst s0;
	s0 =	simm.s32 @!p2 $0x0  }
0x16: {  	s3 =	sld [smem:$0x3FDB];
	s0 =	simm.s32 @p2 $0x1  }
0x17: {  	s4 =	simm.s32 $0x1BF5;
	[smem:$0x3FB5] =	sst s0  }
0x18: {  	s0 =	sld [smem:$0x3F98];
	_ =	swait.ge [sflag:s4], $0x0  }
0x19: {  	s7 =	sld [smem:$0x3F99]  }
0x1a: {  	s8 =	sadd.s32 $0xFFFFE003, lr  }
0x1b: {  	s9 =	sadd.s32 $0xFFFFFEF7, lr;
	s5 =	simm.s32 $0xFFFFFFFF;
	p2 =	slt.u32 s8, $0xFFFFF086  }
0x1c: {  	p1 =	slt.u32 s9, $0xF7A;
	s5 =	simm.s32 @!p2 $0x0  }
0x1d: {  	s5 =	simm.s32 @p1 $0x1;
	p0 =	seq.s32 s7, s2  }
0x1e: {  	s7 =	smul.u32 @!p0 $0xF7A, s2;
	p2 =	seq.s32 @!p0 s5, $0x0  }
0x1f: {  	s9 =	smul.u32 $0xF7A, s1;
	s8 =	simm.s32 @!p0 $0x1BF5;
	p2 =	por !p2, p0  }
0x20: {  	[sflag:s8] =	ssyncset.s32 @!p0 $0xFFFFF086;
	s6 =	sadd.s32 @!p0 s3, s7;
	s7 =	simm.s32 @!p0 $0x108  }
0x21: {  	s3 =	sadd.s32 s3, s9;
	s6 =	sadd.s32 @!p0 $0x88, s6;
	s7 =	simm.s32 @p2 $0x1082  }
0x22: {  	[simem:s7], [sflag:s8] =	dma.local @!p0 [hbm:s6], $0xF7A  }
0x23: {  	s9 =	sor.u32 $0xD0000000, s2;
	s6 =	simm.s32 $0x108;
	_ =	swait.ge @!p0 [sflag:s8], $0x0  }
0x24: {  	s3 =	sadd.s32 $0x88, s3;
	s6 =	simm.s32 @!p1 $0x1082;
	[sflag:s4] =	ssyncset.s32 $0xFFFFF086  }
0x25: {  	[simem:s6], [sflag:s4] =	dma.local [hbm:s3], $0xF7A  }
0x26: {  	[smem:$0x3F99] =	sst s1;
	(tag) =	ssettag s2;
	_ =	strace s9  }
0x27: {  	s1 =	sld [smem:$0x3FA9]  }
0x28: {  	s2 =	sld [smem:$0x3FAA]  }
0x29: {  	s4 =	sld [smem:$0x3FAC]  }
0x2a: {  	p0 =	seq.s32 s5, $0x0;
	s5 =	sld [smem:$0x3FAD]  }
0x2b: {  	s6 =	sld [smem:$0x3FAE]  }
0x2c: {  	s7 =	sld [smem:$0x3FAF]  }
0x2d: {  	s3 =	simm.s32 $0x108;
	s8 =	sld [smem:$0x3FB0]  }
0x2e: {  	s3 =	simm.s32 @!p0 $0x1082;
	s9 =	sld [smem:$0x3FB1]  }
0x2f: {  	lr =	sadd.s32 s0, s3;
	s0 =	sld [smem:$0x3FA8]  }
0x30: {  	s3 =	sld [smem:$0x3FAB]  }
0x31: {  	[smem:$0x3FB4] =	sst s10  }
0x32: {  	s10 =	sld [smem:$0x3FB2];
	_ =	sdelay $0x3  }
0x33: {  	p0 =	seq.s32 s10, $0x1;
	s10 =	sld [smem:$0x3FB4];
	_ =	sdelay $0x3  }
0x34: {  	[smem:$0x3FB4] =	sst s10  }
0x35: {  	s10 =	sld [smem:$0x3FB3];
	_ =	sdelay $0x3  }
0x36: {  	p1 =	seq.s32 s10, $0x1;
	s10 =	sld [smem:$0x3FB4];
	_ =	sdelay $0x3  }
0x37: {  	[smem:$0x3FB4] =	sst s10  }
0x38: {  	s10 =	sld [smem:$0x3FB5]  }
0x39: {  	_ = 	snop;
	(pc) =	sbr.ind lr, $3  }
0x3a: {  	_ = 	snop  }
0x3b: {  	_ = 	snop  }
0x3c: {  	p2 =	seq.s32 s10, $0x1;
	s10 =	sld [smem:$0x3FB4]  }
0x3d: {  	_ =	shalt  }
0x3e: {  	_ =	shalt  }
0x3f: {  	_ =	shalt  }
0x40: {  	_ =	shalt  }
0x41: {  	_ =	shalt  }
0x42: {  	_ =	shalt  }
0x43: {  	_ =	shalt  }
0x44: {  	_ =	shalt  }
0x45: {  	_ =	shalt  }
0x46: {  	_ =	shalt  }
0x47: {  	_ =	shalt  }
0x48: {  	_ =	shalt  }
0x49: {  	_ =	shalt  }
0x4a: {  	_ =	shalt  }
0x4b: {  	_ =	shalt  }
0x4c: {  	_ =	shalt  }
0x4d: {  	_ =	shalt  }
0x4e: {  	_ =	shalt  }
0x4f: {  	_ =	shalt  }
0x50: {  	_ =	shalt  }
0x51: {  	_ =	shalt  }
0x52: {  	_ =	shalt  }
0x53: {  	_ =	shalt  }
0x54: {  	_ =	shalt  }
0x55: {  	_ =	shalt  }
0x56: {  	_ =	shalt  }
0x57: {  	_ =	shalt  }
0x58: {  	_ =	shalt  }
0x59: {  	_ =	shalt  }
0x5a: {  	_ =	shalt  }
0x5b: {  	_ =	shalt  }
0x5c: {  	_ =	shalt  }
0x5d: {  	_ =	shalt  }
0x5e: {  	_ =	shalt  }
0x5f: {  	_ =	shalt  }
0x60: {  	_ =	shalt  }
0x61: {  	_ =	shalt  }
0x62: {  	_ =	shalt  }
0x63: {  	_ =	shalt  }
0x64: {  	_ =	shalt  }
0x65: {  	_ =	shalt  }
0x66: {  	_ =	shalt  }
0x67: {  	_ =	shalt  }
0x68: {  	_ =	shalt  }
0x69: {  	_ =	shalt  }
0x6a: {  	_ =	shalt  }
0x6b: {  	_ =	shalt  }
0x6c: {  	_ =	shalt  }
0x6d: {  	_ =	shalt  }
0x6e: {  	_ =	shalt  }
0x6f: {  	_ =	shalt  }
0x70: {  	_ =	shalt  }
0x71: {  	_ =	shalt  }
0x72: {  	_ =	shalt  }
0x73: {  	_ =	shalt  }
0x74: {  	_ =	shalt  }
0x75: {  	_ =	shalt  }
0x76: {  	_ =	shalt  }
0x77: {  	_ =	shalt  }
0x78: {  	_ =	shalt  }
0x79: {  	_ =	shalt  }
0x7a: {  	_ =	shalt  }
0x7b: {  	_ =	shalt  }
0x7c: {  	_ =	shalt  }
0x7d: {  	_ =	shalt  }
0x7e: {  	_ =	shalt  }
0x7f: {  	_ =	shalt  }
0x80: {  	_ =	shalt  }
0x81: {  	_ =	shalt  }
0x82: {  	_ =	shalt  }
0x83: {  	_ =	shalt  }
0x84: {  	_ =	shalt  }
0x85: {  	_ =	shalt  }
0x86: {  	_ =	shalt  }
0x87: {  	_ =	shalt  }
.Lfunc_end0:
.L_simem_size_0:
called_computation.1_lowered:
.L_overlay_start_0:
0x88: {  	s2 =	sld [smem:$0x3FD9]  }
0x89: {  	s3 =	sld [smem:$0x3FFE];
	_ =	sdelay $0x1  }
0x8a: {  	s1 =	srdreg.scid  }
0x8b: {  	s0 =	sand.u32 $0x1, s1  }
0x8c: {  	s17 =	sshll.u32 s0, $0xA;
	s2 =	sadd.s32 s3, s2  }
0x8d: {  	s2 =	sadd.s32 s2, s17  }
0x8e: {  	[smem:$0x3FC0] =	sst s2  }
0x8f: {  	_ = 	snop  }
0x90: {  	s2 =	sld [smem:$0x3FD0];
	(tm) =	ssettm $0x1  }
0x91: {  	s18 =	sld [smem:$0x3FFB];
	_ =	sdelay $0x3  }
0x92: {  	_ =	strace s18  }
0x93: {  	s3 =	sld [smem:$0x3FFC];
	_ =	sdelay $0x3  }
0x94: {  	_ =	strace s3  }
0x95: {  	s3 =	sld [smem:$0x3FFD];
	_ =	sdelay $0x3  }
0x96: {  	_ =	strace s3  }
0x97: {  	_ =	strace $0x8FFFFFFF  }
0x98: {  	s19 =	sld [smem:$0x3FDB];
	_ =	sdelay $0x1  }
0x99: {  	s4 =	simm.s32 $_scs_section_size  }
0x9a: {  	s5 =	simm.s32 $_size__tile_overlayer_lowered;
	s6 =	simm.s32 $_tile_overlayer_lowered  }
0x9b: {  	s22 =	simm.s32 $0x1BFF;
	s21 =	sshll.u32 s6, $0x1;
	s3 =	sadd.s32 s4, s19  }
0x9c: {  	s7 =	simm.s32 $0x0;
	s20 =	sshll.u32 s5, $0x1;
	s5 =	sadd.s32 s21, s3  }
0x9d: {  	[timem:s7], [sflag:s22] =	dma.local [hbm:s5], s20  }
0x9e: {  	_ =	swait.ge [sflag:s22], s20  }
0x9f: {  	s4 =	ssub.s32 $0x0, s20;
	[sflag:s22] =	ssyncset.done $0x0  }
0xa0: {  	[sflag:s22] =	ssyncadd.s32 s4;
	_ =	sdelay $0x1  }
0xa1: {  	s23 =	simm.s32 $0x1B8B  }
0xa2: {  	_ =	swait.ge [sflag:s23], $0x1  }
0xa3: {  	[sflag:s23] =	ssyncset.done $0x0  }
0xa4: {  	s25 =	simm.s32 $0x1B8E;
	s24 =	sld [smem:$0x3FFE];
	[sflag:s23] =	ssyncadd.s32 $0xFFFFFFFF  }
0xa5: {  	s26 =	simm.s32 $execute0_lowered;
	[smem:$0x3FD2] =	sst s25  }
0xa6: {  	s5 =	sshll.u32 s26, $0x1;
	_ =	strace $0x80000049;
	[dreg:$0x1] =	wrdreg $0xFFFFFFFF  }
0xa7: {  	s28 =	simm.s32 $_size_execute0_lowered;
	s3 =	sadd.s32 s3, s5;
	[dreg:$0x0] =	wrdreg $0x0  }
0xa8: {  	s5 =	sshll.u32 s28, $0x1;
	[dreg:$0x2] =	wrdreg s3  }
0xa9: {  	[dreg:$0x3] =	wrdreg s5  }
0xaa: {  	[dreg:$0x4] =	wrdreg $0xC0  }
0xab: {  	_ =	task [dreg:s7], $0x5FFFF  }
0xac: {  	[dreg:$0x1] =	wrdreg $0xFFFFFFFF  }
0xad: {  	[dreg:$0x0] =	wrdreg $0x60  }
0xae: {  	[dreg:$0x2] =	wrdreg s2  }
0xaf: {  	[dreg:$0x3] =	wrdreg s24  }
0xb0: {  	[dreg:$0x4] =	wrdreg $0xB7800  }
0xb1: {  	[dreg:$0x5] =	wrdreg $0x9  }
0xb2: {  	_ =	task.clear_ibuf [dreg:s7], $0x6FFFF;
	_ =	strace $0x90000049  }
0xb3: {  	s29 =	simm.s32 $0x9;
	_ =	strace $0x8000004B  }
0xb4: {  	_ =	swait.ge [sflag:s29], $0x1  }
0xb5: {  	[sflag:s29] =	ssyncadd.s32 $0xFFFFFFFF  }
0xb6: {  	_ =	strace $0x9000004B  }
0xb7: {  	_ =	sfence  }
0xb8: {  	s30 =	sld [smem:$0x0];
	_ =	sdelay $0x2  }
0xb9: {  	s31 =	sshll.u32 s1, $0xD;
	s1 =	sshrl.u32 s1, $0x2  }
0xba: {  	s3 =	sand.u32 $0x4000, s31;
	s1 =	sadd.s32 s1, s30  }
0xbb: {  	s0 =	sor.u32 s3, s0;
	s1 =	sshll.u32 s1, $0x11  }
0xbc: {  	s0 =	sor.u32 s1, s0  }
0xbd: {  	s0 =	sadd.s32 $0x8F2B, s0  }
0xbe: {  	[sflag:s0] =	ssyncadd.remote.s32 $0x1  }
0xbf: {  	_ =	sfence.sel $0xFFFF  }
0xc0: {  	[dreg:$0x0] =	wrdreg $0xFFFFFFFF;
	(pc) =	sbr.abs _section_cstart, $3  }
0xc1: {  	[dreg:$0x1] =	wrdreg $0xFFFFFFFF  }
0xc2: {  	_ =	task.clear_ibuf [dreg:s7], $0x2FFFF;
	_ =	strace $0x9FFFFFFF  }
0xc3: {  	(tm) =	ssettm $0x7FFFFFFF  }
tec
execute0_lowered:
.L_overlay_start_1:
0x0: {  	(tag) =	ssettag $0x1  }
0x1: {  	s1 =	rddreg [dreg:$0x0]  }
0x2: {  	s0 =	srdreg.scid;
	s5 =	rddreg [dreg:$0x1]  }
0x3: {  	s11 =	stileid.u32;
	s3 =	rddreg [dreg:$0x2]  }
0x4: {  	s0 =	sand.u32 $0x1, s0;
	s7 =	sshll.u32 s11, $0x7;
	s8 =	smul.u32 $0x50000, s11  }
0x5: {  	s9 =	sadd.s32 $0x1C400, s5;
	s10 =	smul.u32 $0x280, s11;
	s2 =	sshll.u32 s0, $0x4  }
0x6: {  	s7 =	sand.u32 $0x380, s7;
	s14 =	smul.u32 $0x28000, s0;
	s0 =	ssub.s32 $0x2, s0  }
0x7: {  	s2 =	sor.u32 s11, s2;
	s15 =	sshrl.u32 s0, $0x1;
	s16 =	sshrl.u32 s8, $0x2  }
0x8: {  	s17 =	sor.u32 $0x50, s10;
	s19 =	sadd.s32 $0xA0, s10;
	s20 =	sadd.s32 $0xF0, s10  }
0x9: {  	s22 =	sadd.s32 $0x140, s10;
	s23 =	sadd.s32 $0x190, s10;
	s25 =	sadd.s32 $0x1E0, s10  }
0xa: {  	s26 =	sadd.s32 $0x230, s10;
	s4 =	sshrl.u32 s2, $0x3;
	s2 =	sshll.u32 s2, $0xB  }
0xb: {  	s0 =	ssub.s32 s0, s15;
	s8 =	sadd.s32 s16, s3;
	s18 =	sshll.u32 s17, $0x7  }
0xc: {  	s13 =	sshll.u32 s19, $0x4;
	s21 =	sshll.u32 s20, $0x7;
	s24 =	sshll.u32 s22, $0x7  }
0xd: {  	s6 =	smul.u32 $0x13C00, s4;
	s4 =	simm.s32 $0x0;
	s2 =	sadd.s32 s2, s5  }
0xe: {  	s0 =	smax.u32 s0, $0x1;
	s12 =	sadd.s32 s18, s3;
	s16 =	sadd.s32 s21, s3  }
0xf: {  	s18 =	sshll.u32 s23, $0x4;
	s21 =	sshll.u32 s25, $0x4;
	[smem:$0x7FF] =	sst s4  }
0x10: {  	s2 =	sadd.s32 $0x2000, s2;
	s29 =	sadd.s32 s9, s18;
	s30 =	sadd.s32 s9, s21  }
0x11: {  	s6 =	sor.u32 s7, s6;
	_ =	strace $0x8000004A;
	[dreg:$0x5] =	wrdreg s2  }
0x12: {  	[dreg:$0x6] =	wrdreg s0;
	s0 =	sshll.u32 s19, $0x7;
	s19 =	sadd.s32 s24, s3  }
0x13: {  	[dreg:$0x9] =	wrdreg s13;
	s6 =	sshrl.u32 s6, $0x3;
	s15 =	sadd.s32 s0, s3  }
0x14: {  	s0 =	sshll.u32 s23, $0x7;
	s23 =	sadd.s32 s9, s13;
	s13 =	simm.s32 $0x50  }
0x15: {  	s6 =	sadd.s32 s6, s5;
	s5 =	sadd.s32 s14, s5;
	s14 =	sshll.u32 s20, $0x4  }
0x16: {  	s20 =	sadd.s32 s0, s3;
	s0 =	sshll.u32 s25, $0x7;
	[dreg:$0xc] =	wrdreg s23  }
0x17: {  	s6 =	sadd.s32 $0x12000, s6;
	s7 =	sadd.s32 $0x44400, s5;
	s5 =	sshll.u32 s26, $0x7  }
0x18: {  	s25 =	smov.u32 s14;
	s24 =	sadd.s32 s9, s14;
	s2 =	sadd.s32 s0, s3  }
0x19: {  	s14 =	simm.s32 $0x0;
	[dreg:$0x4] =	wrdreg s6;
	s6 =	smul.u32 $0x2800, s11  }
0x1a: {  	s11 =	sshll.u32 s17, $0x4;
	s17 =	sshll.u32 s22, $0x4;
	[dreg:$0xd] =	wrdreg s24  }
0x1b: {  	s22 =	sshll.u32 s26, $0x4;
	s0 =	sadd.s32 s5, s3;
	[dreg:$0x8] =	wrdreg s11  }
0x1c: {  	s5 =	simm.s32 $0x3;
	s11 =	sadd.s32 s9, s11;
	[dreg:$0x7] =	wrdreg s6  }
0x1d: {  	s28 =	smov.u32 s17;
	s26 =	sadd.s32 s9, s17;
	[dreg:$0xb] =	wrdreg s11  }
0x1e: {  	s31 =	sadd.s32 s9, s22;
	s10 =	sadd.s32 s9, s6;
	[dreg:$0xe] =	wrdreg s26  }
0x1f: {  	s26 =	smov.u32 s18;
	s6 =	simm.s32 $0x6780;
	s9 =	simm.s32 $0x8F80  }
0x20: {  	s11 =	simm.s32 $0x2;
	[dreg:$0xa] =	wrdreg s10;
	s10 =	simm.s32 $0x1  }
.LBB2_1:
0x21: {  	s17 =	rddreg [dreg:$0x4];
	s18 =	simm.s32 $0x80;
	s23 =	simm.s32 $0x400  }
0x22: {  	[tilespmem:s4], [sflag:$0x3] =	stream.strided.gather [hbm4b:s17+s18], $0x2780, s23, s18, $0x38;
	[tilespmem:$0x1F780] =	vst v63  }
0x23: {  	_ =	swait.ge [sflag:s5], $0x2780  }
0x24: {  	[sflag:s5] =	ssyncset.done $0x0  }
0x25: {  	s24 =	simm.s32 $0x2780;
	s23 =	rddreg [dreg:$0x5];
	[sflag:s5] =	ssyncadd.s32 $0xFFFFD880  }
0x26: {  	[tilespmem:s24], [sflag:$0x3] =	stream.linear.gather [hbm4b:s23+s4], $0x3E80, $0x38;
	[tilespmem:$0x1F780] =	vst v63  }
0x27: {  	_ =	swait.ge [sflag:s5], $0x3E80  }
0x28: {  	[sflag:s5] =	ssyncset.done $0x0  }
0x29: {  	s18 =	rddreg [dreg:$0xa];
	[sflag:s5] =	ssyncadd.s32 $0xFFFFC180  }
0x2a: {  	[tilespmem:s6], [sflag:$0x1] =	stream.linear.gather [hbm4b:s18+s4], $0x2800, $0x38;
	[tilespmem:$0x1F780] =	vst v63  }
0x2b: {  	s23 =	rddreg [dreg:$0xb]  }
0x2c: {  	[tilespmem:s9], [sflag:$0x2] =	stream.linear.gather [hbm4b:s23+s4], $0x2800, $0x38;
	[tilespmem:$0x1F780] =	vst v63  }
0x2d: {  	_ =	swait.ge [sflag:s10], $0x2800  }
0x2e: {  	[sflag:s10] =	ssyncset.done $0x0  }
0x2f: {  	[sflag:s10] =	ssyncadd.s32 $0xFFFFD800  }
0x30: {  	[spmem:s8] =	stream.linear.scatter [tilespmem:s6], [sflag:$0x1], $0x2800, $0x38;
	[tilespmem:$0x1F780] =	vst v63  }
0x31: {  	_ =	swait.ge [sflag:s11], $0x2800  }
0x32: {  	[sflag:s11] =	ssyncset.done $0x0  }
0x33: {  	[sflag:s11] =	ssyncadd.s32 $0xFFFFD800  }
0x34: {  	[spmem:s12] =	stream.linear.scatter [tilespmem:s9], [sflag:$0x2], $0x2800, $0x38;
	[tilespmem:$0x1F780] =	vst v63  }
0x35: {  	_ =	swait.ge [sflag:s10], $0x2800  }
0x36: {  	[sflag:s10] =	ssyncset.done $0x0  }
0x37: {  	[sflag:s10] =	ssyncadd.s32 $0xFFFFD800  }
0x38: {  	_ =	swait.ge [sflag:s11], $0x2800  }
0x39: {  	[sflag:s11] =	ssyncset.done $0x0  }
0x3a: {  	s24 =	rddreg [dreg:$0xc];
	[sflag:s11] =	ssyncadd.s32 $0xFFFFD800  }
0x3b: {  	[tilespmem:s6], [sflag:$0x1] =	stream.linear.gather [hbm4b:s24+s4], $0x2800, $0x38;
	[tilespmem:$0x1F780] =	vst v63  }
0x3c: {  	s18 =	rddreg [dreg:$0xd]  }
0x3d: {  	[tilespmem:s9], [sflag:$0x2] =	stream.linear.gather [hbm4b:s18+s4], $0x2800, $0x38;
	[tilespmem:$0x1F780] =	vst v63  }
0x3e: {  	_ =	swait.ge [sflag:s10], $0x2800  }
0x3f: {  	[sflag:s10] =	ssyncset.done $0x0  }
0x40: {  	[sflag:s10] =	ssyncadd.s32 $0xFFFFD800  }
0x41: {  	[spmem:s15] =	stream.linear.scatter [tilespmem:s6], [sflag:$0x1], $0x2800, $0x38;
	[tilespmem:$0x1F780] =	vst v63  }
0x42: {  	_ =	swait.ge [sflag:s11], $0x2800  }
0x43: {  	[sflag:s11] =	ssyncset.done $0x0  }
0x44: {  	[sflag:s11] =	ssyncadd.s32 $0xFFFFD800  }
0x45: {  	[spmem:s16] =	stream.linear.scatter [tilespmem:s9], [sflag:$0x2], $0x2800, $0x38;
	[tilespmem:$0x1F780] =	vst v63  }
0x46: {  	_ =	swait.ge [sflag:s10], $0x2800  }
0x47: {  	[sflag:s10] =	ssyncset.done $0x0  }
0x48: {  	[sflag:s10] =	ssyncadd.s32 $0xFFFFD800  }
0x49: {  	_ =	swait.ge [sflag:s11], $0x2800  }
0x4a: {  	[sflag:s11] =	ssyncset.done $0x0  }
0x4b: {  	s23 =	rddreg [dreg:$0xe];
	[sflag:s11] =	ssyncadd.s32 $0xFFFFD800  }
0x4c: {  	[tilespmem:s6], [sflag:$0x1] =	stream.linear.gather [hbm4b:s23+s4], $0x2800, $0x38;
	[tilespmem:$0x1F780] =	vst v63  }
0x4d: {  	_ = 	snop  }
0x4e: {  	[tilespmem:s9], [sflag:$0x2] =	stream.linear.gather [hbm4b:s29+s4], $0x2800, $0x38;
	[tilespmem:$0x1F780] =	vst v63  }
0x4f: {  	_ =	swait.ge [sflag:s10], $0x2800  }
0x50: {  	[sflag:s10] =	ssyncset.done $0x0  }
0x51: {  	[sflag:s10] =	ssyncadd.s32 $0xFFFFD800  }
0x52: {  	[spmem:s19] =	stream.linear.scatter [tilespmem:s6], [sflag:$0x1], $0x2800, $0x38;
	[tilespmem:$0x1F780] =	vst v63  }
0x53: {  	_ =	swait.ge [sflag:s11], $0x2800  }
0x54: {  	[sflag:s11] =	ssyncset.done $0x0  }
0x55: {  	[sflag:s11] =	ssyncadd.s32 $0xFFFFD800  }
0x56: {  	[spmem:s20] =	stream.linear.scatter [tilespmem:s9], [sflag:$0x2], $0x2800, $0x38;
	[tilespmem:$0x1F780] =	vst v63  }
0x57: {  	_ =	swait.ge [sflag:s10], $0x2800  }
0x58: {  	[sflag:s10] =	ssyncset.done $0x0  }
0x59: {  	[sflag:s10] =	ssyncadd.s32 $0xFFFFD800  }
0x5a: {  	_ =	swait.ge [sflag:s11], $0x2800  }
0x5b: {  	[sflag:s11] =	ssyncset.done $0x0  }
0x5c: {  	[sflag:s11] =	ssyncadd.s32 $0xFFFFD800  }
0x5d: {  	[tilespmem:s6], [sflag:$0x1] =	stream.linear.gather [hbm4b:s30+s4], $0x2800, $0x38;
	[tilespmem:$0x1F780] =	vst v63  }
0x5e: {  	_ = 	snop  }
0x5f: {  	[tilespmem:s9], [sflag:$0x2] =	stream.linear.gather [hbm4b:s31+s4], $0x2800, $0x38;
	[tilespmem:$0x1F780] =	vst v63  }
0x60: {  	_ =	swait.ge [sflag:s10], $0x2800  }
0x61: {  	[sflag:s10] =	ssyncset.done $0x0  }
0x62: {  	[sflag:s10] =	ssyncadd.s32 $0xFFFFD800  }
0x63: {  	[spmem:s2] =	stream.linear.scatter [tilespmem:s6], [sflag:$0x1], $0x2800, $0x38;
	[tilespmem:$0x1F780] =	vst v63  }
0x64: {  	_ =	swait.ge [sflag:s11], $0x2800  }
0x65: {  	[sflag:s11] =	ssyncset.done $0x0  }
0x66: {  	[sflag:s11] =	ssyncadd.s32 $0xFFFFD800  }
0x67: {  	[spmem:s0] =	stream.linear.scatter [tilespmem:s9], [sflag:$0x2], $0x2800, $0x38;
	[tilespmem:$0x1F780] =	vst v63  }
0x68: {  	_ =	swait.ge [sflag:s10], $0x2800  }
0x69: {  	[sflag:s10] =	ssyncset.done $0x0  }
0x6a: {  	[sflag:s10] =	ssyncadd.s32 $0xFFFFD800  }
0x6b: {  	_ =	swait.ge [sflag:s11], $0x2800  }
0x6c: {  	[sflag:s11] =	ssyncset.done $0x0  }
0x6d: {  	[sflag:s11] =	ssyncadd.s32 $0xFFFFD800  }
0x6e: {  	[bflag:$0x0] =	sbarrier.arrive $0xFFFF  }
0x6f: {  	[tilespmem:s6], [sflag:$0x1] =	stream.indirect.gather [hbm4b:s1+s13], $0x80, s4, s13, $0xb8;
	[tilespmem:$0x1F780] =	vst v63  }
0x70: {  	s24 =	simm.s32 $0x50  }
0x71: {  	[tilespmem:s9], [sflag:$0x2] =	stream.indirect.gather [hbm4b:s1+s13], $0x80, s24, s13, $0xb8;
	[tilespmem:$0x1F780] =	vst v63  }
0x72: {  	_ =	swait.ge [sflag:s10], $0x2800  }
0x73: {  	[sflag:s10] =	ssyncset.done $0x0  }
0x74: {  	s18 =	simm.s32 $0x2780;
	[sflag:s10] =	ssyncadd.s32 $0xFFFFD800  }
0x75: {  	[spmem:s3] =	stream.indirect.scatter.add.f32 [tilespmem:s6], [sflag:$0x1], $0x80, s18, s13, $0xb8;
	[tilespmem:$0x1F780] =	vst v63  }
0x76: {  	_ =	swait.ge [sflag:s11], $0x2800  }
0x77: {  	[sflag:s11] =	ssyncset.done $0x0  }
0x78: {  	s23 =	simm.s32 $0x2800;
	[sflag:s11] =	ssyncadd.s32 $0xFFFFD800  }
0x79: {  	[spmem:s3] =	stream.indirect.scatter.add.f32 [tilespmem:s9], [sflag:$0x2], $0x80, s23, s13, $0xb8;
	[tilespmem:$0x1F780] =	vst v63  }
0x7a: {  	_ =	swait.ge [sflag:s10], $0x2800  }
0x7b: {  	[sflag:s10] =	ssyncset.done $0x0  }
0x7c: {  	s24 =	simm.s32 $0xA0;
	[sflag:s10] =	ssyncadd.s32 $0xFFFFD800  }
0x7d: {  	[tilespmem:s6], [sflag:$0x1] =	stream.indirect.gather [hbm4b:s1+s13], $0x80, s24, s13, $0xb8;
	[tilespmem:$0x1F780] =	vst v63  }
0x7e: {  	_ =	swait.ge [sflag:s11], $0x2800  }
0x7f: {  	[sflag:s11] =	ssyncset.done $0x0  }
0x80: {  	s18 =	simm.s32 $0xF0;
	[sflag:s11] =	ssyncadd.s32 $0xFFFFD800  }
0x81: {  	[tilespmem:s9], [sflag:$0x2] =	stream.indirect.gather [hbm4b:s1+s13], $0x80, s18, s13, $0xb8;
	[tilespmem:$0x1F780] =	vst v63  }
0x82: {  	_ =	swait.ge [sflag:s10], $0x2800  }
0x83: {  	[sflag:s10] =	ssyncset.done $0x0  }
0x84: {  	s23 =	simm.s32 $0x2880;
	[sflag:s10] =	ssyncadd.s32 $0xFFFFD800  }
0x85: {  	[spmem:s3] =	stream.indirect.scatter.add.f32 [tilespmem:s6], [sflag:$0x1], $0x80, s23, s13, $0xb8;
	[tilespmem:$0x1F780] =	vst v63  }
0x86: {  	_ =	swait.ge [sflag:s11], $0x2800  }
0x87: {  	[sflag:s11] =	ssyncset.done $0x0  }
0x88: {  	s24 =	simm.s32 $0x2900;
	[sflag:s11] =	ssyncadd.s32 $0xFFFFD800  }
0x89: {  	[spmem:s3] =	stream.indirect.scatter.add.f32 [tilespmem:s9], [sflag:$0x2], $0x80, s24, s13, $0xb8;
	[tilespmem:$0x1F780] =	vst v63  }
0x8a: {  	_ =	swait.ge [sflag:s10], $0x2800  }
0x8b: {  	[sflag:s10] =	ssyncset.done $0x0  }
0x8c: {  	[sflag:s10] =	ssyncadd.s32 $0xFFFFD800  }
0x8d: {  	_ =	swait.ge [sflag:s11], $0x2800  }
0x8e: {  	s17 =	simm.s32 $0x800;
	s18 =	simm.s32 $0x0;
	[sflag:s11] =	ssyncset.done $0x0  }
.LBB2_2:
0x8f: {  	p0 =	sne.s32 s17, $0xF000;
	[sflag:s11] =	ssyncadd.s32 $0xFFFFD800;
	s18 =	sadd.s32 $0x140, s18  }
0x90: {  	[tilespmem:s6], [sflag:$0x1] =	stream.indirect.gather [hbm4b:s1+s13], $0x80, s18, s13, $0xb8;
	[tilespmem:$0x1F780] =	vst v63  }
0x91: {  	s24 =	smov.u32 s17;
	s17 =	sadd.s32 $0x800, s17;
	s23 =	sadd.s32 $0x50, s18  }
0x92: {  	[tilespmem:s9], [sflag:$0x2] =	stream.indirect.gather [hbm4b:s1+s13], $0x80, s23, s13, $0xb8;
	[tilespmem:$0x1F780] =	vst v63  }
0x93: {  	_ =	swait.ge [sflag:s10], $0x2800  }
0x94: {  	s23 =	sshra.s32 s24, $0x2;
	[sflag:s10] =	ssyncset.done $0x0  }
0x95: {  	s24 =	sadd.s32 $0x2780, s23;
	[sflag:s10] =	ssyncadd.s32 $0xFFFFD800  }
0x96: {  	[spmem:s3] =	stream.indirect.scatter.add.f32 [tilespmem:s6], [sflag:$0x1], $0x80, s24, s13, $0xb8;
	[tilespmem:$0x1F780] =	vst v63  }
0x97: {  	_ =	swait.ge [sflag:s11], $0x2800  }
0x98: {  	[sflag:s11] =	ssyncset.done $0x0  }
0x99: {  	s24 =	sadd.s32 $0x2800, s23;
	[sflag:s11] =	ssyncadd.s32 $0xFFFFD800  }
0x9a: {  	[spmem:s3] =	stream.indirect.scatter.add.f32 [tilespmem:s9], [sflag:$0x2], $0x80, s24, s13, $0xb8;
	[tilespmem:$0x1F780] =	vst v63  }
0x9b: {  	_ =	swait.ge [sflag:s10], $0x2800  }
0x9c: {  	[sflag:s10] =	ssyncset.done $0x0  }
0x9d: {  	s24 =	sadd.s32 $0xA0, s18;
	[sflag:s10] =	ssyncadd.s32 $0xFFFFD800  }
0x9e: {  	[tilespmem:s6], [sflag:$0x1] =	stream.indirect.gather [hbm4b:s1+s13], $0x80, s24, s13, $0xb8;
	[tilespmem:$0x1F780] =	vst v63  }
0x9f: {  	_ =	swait.ge [sflag:s11], $0x2800  }
0xa0: {  	[sflag:s11] =	ssyncset.done $0x0  }
0xa1: {  	s24 =	sadd.s32 $0xF0, s18;
	[sflag:s11] =	ssyncadd.s32 $0xFFFFD800  }
0xa2: {  	[tilespmem:s9], [sflag:$0x2] =	stream.indirect.gather [hbm4b:s1+s13], $0x80, s24, s13, $0xb8;
	[tilespmem:$0x1F780] =	vst v63  }
0xa3: {  	_ =	swait.ge [sflag:s10], $0x2800  }
0xa4: {  	[sflag:s10] =	ssyncset.done $0x0  }
0xa5: {  	s24 =	sadd.s32 $0x2880, s23;
	[sflag:s10] =	ssyncadd.s32 $0xFFFFD800  }
0xa6: {  	[spmem:s3] =	stream.indirect.scatter.add.f32 [tilespmem:s6], [sflag:$0x1], $0x80, s24, s13, $0xb8;
	[tilespmem:$0x1F780] =	vst v63  }
0xa7: {  	_ =	swait.ge [sflag:s11], $0x2800  }
0xa8: {  	[sflag:s11] =	ssyncset.done $0x0  }
0xa9: {  	s23 =	sadd.s32 $0x2900, s23;
	[sflag:s11] =	ssyncadd.s32 $0xFFFFD800  }
0xaa: {  	[spmem:s3] =	stream.indirect.scatter.add.f32 [tilespmem:s9], [sflag:$0x2], $0x80, s23, s13, $0xb8;
	[tilespmem:$0x1F780] =	vst v63  }
.Ltmp0:
0xab: {  	_ =	swait.ge [sflag:s10], $0x2800;
	(pc) =	sbr.rel @p0 .LBB2_2-.Ltmp0, $4  }
0xac: {  	[sflag:s10] =	ssyncset.done $0x0  }
0xad: {  	[sflag:s10] =	ssyncadd.s32 $0xFFFFD800  }
0xae: {  	_ =	swait.ge [sflag:s11], $0x2800  }
0xaf: {  	[sflag:s11] =	ssyncset.done $0x0  }
0xb0: {  	[sflag:s11] =	ssyncadd.s32 $0xFFFFD800;
	s17 =	simm.s32 $0x26C0  }
0xb1: {  	[tilespmem:s6], [sflag:$0x1] =	stream.indirect.gather [hbm4b:s1+s13], $0x80, s17, s13, $0xb8;
	[tilespmem:$0x1F780] =	vst v63  }
0xb2: {  	_ =	swait.ge [sflag:s10], $0x2800  }
0xb3: {  	[sflag:s10] =	ssyncset.done $0x0  }
0xb4: {  	s24 =	simm.s32 $0x6580;
	[sflag:s10] =	ssyncadd.s32 $0xFFFFD800  }
0xb5: {  	[spmem:s3] =	stream.indirect.scatter.add.f32 [tilespmem:s6], [sflag:$0x3], $0x80, s24, s13, $0xb8;
	[tilespmem:$0x1F780] =	vst v63  }
0xb6: {  	_ =	swait.ge [sflag:s5], $0x2800  }
0xb7: {  	[sflag:s5] =	ssyncset.done $0x0  }
0xb8: {  	[sflag:s5] =	ssyncadd.s32 $0xFFFFD800  }
0xb9: {  	[bflag:$0x0] =	sbarrier.arrive $0xFFFF  }
0xba: {  	[tilespmem:s6], [sflag:$0x1] =	stream.linear.gather [spmem:s8], $0x2800, $0x38;
	[tilespmem:$0x1F780] =	vst v63  }
0xbb: {  	_ = 	snop  }
0xbc: {  	[tilespmem:s9], [sflag:$0x2] =	stream.linear.gather [spmem:s12], $0x2800, $0x38;
	[tilespmem:$0x1F780] =	vst v63  }
0xbd: {  	_ =	swait.ge [sflag:s10], $0x2800  }
0xbe: {  	[sflag:s10] =	ssyncset.done $0x0;
	s18 =	rddreg [dreg:$0x7]  }
0xbf: {  	[sflag:s10] =	ssyncadd.s32 $0xFFFFD800;
	s17 =	sadd.s32 s18, s7  }
0xc0: {  	[hbm4b:s17+s4] =	stream.linear.scatter [tilespmem:s6], [sflag:$0x1], $0x2800, $0x38;
	[tilespmem:$0x1F780] =	vst v63  }
0xc1: {  	_ =	swait.ge [sflag:s11], $0x2800  }
0xc2: {  	[sflag:s11] =	ssyncset.done $0x0;
	s23 =	rddreg [dreg:$0x8]  }
0xc3: {  	[sflag:s11] =	ssyncadd.s32 $0xFFFFD800;
	s17 =	sadd.s32 s23, s7  }
0xc4: {  	[hbm4b:s17+s4] =	stream.linear.scatter [tilespmem:s9], [sflag:$0x2], $0x2800, $0x38;
	[tilespmem:$0x1F780] =	vst v63  }
0xc5: {  	_ =	swait.ge [sflag:s10], $0x2800  }
0xc6: {  	[sflag:s10] =	ssyncset.done $0x0  }
0xc7: {  	[sflag:s10] =	ssyncadd.s32 $0xFFFFD800  }
0xc8: {  	_ =	swait.ge [sflag:s11], $0x2800  }
0xc9: {  	[sflag:s11] =	ssyncset.done $0x0  }
0xca: {  	[sflag:s11] =	ssyncadd.s32 $0xFFFFD800  }
0xcb: {  	[tilespmem:s6], [sflag:$0x1] =	stream.linear.gather [spmem:s15], $0x2800, $0x38;
	[tilespmem:$0x1F780] =	vst v63  }
0xcc: {  	_ = 	snop  }
0xcd: {  	[tilespmem:s9], [sflag:$0x2] =	stream.linear.gather [spmem:s16], $0x2800, $0x38;
	[tilespmem:$0x1F780] =	vst v63  }
0xce: {  	_ =	swait.ge [sflag:s10], $0x2800  }
0xcf: {  	[sflag:s10] =	ssyncset.done $0x0;
	s24 =	rddreg [dreg:$0x9]  }
0xd0: {  	[sflag:s10] =	ssyncadd.s32 $0xFFFFD800;
	s17 =	sadd.s32 s24, s7  }
0xd1: {  	[hbm4b:s17+s4] =	stream.linear.scatter [tilespmem:s6], [sflag:$0x1], $0x2800, $0x38;
	[tilespmem:$0x1F780] =	vst v63  }
0xd2: {  	_ =	swait.ge [sflag:s11], $0x2800  }
0xd3: {  	[sflag:s11] =	ssyncset.done $0x0  }
0xd4: {  	s18 =	sadd.s32 s25, s7;
	[sflag:s11] =	ssyncadd.s32 $0xFFFFD800  }
0xd5: {  	[hbm4b:s18+s4] =	stream.linear.scatter [tilespmem:s9], [sflag:$0x2], $0x2800, $0x38;
	[tilespmem:$0x1F780] =	vst v63  }
0xd6: {  	_ =	swait.ge [sflag:s10], $0x2800  }
0xd7: {  	[sflag:s10] =	ssyncset.done $0x0  }
0xd8: {  	[sflag:s10] =	ssyncadd.s32 $0xFFFFD800  }
0xd9: {  	_ =	swait.ge [sflag:s11], $0x2800  }
0xda: {  	[sflag:s11] =	ssyncset.done $0x0  }
0xdb: {  	[sflag:s11] =	ssyncadd.s32 $0xFFFFD800  }
0xdc: {  	[tilespmem:s6], [sflag:$0x1] =	stream.linear.gather [spmem:s19], $0x2800, $0x38;
	[tilespmem:$0x1F780] =	vst v63  }
0xdd: {  	_ = 	snop  }
0xde: {  	[tilespmem:s9], [sflag:$0x2] =	stream.linear.gather [spmem:s20], $0x2800, $0x38;
	[tilespmem:$0x1F780] =	vst v63  }
0xdf: {  	_ =	swait.ge [sflag:s10], $0x2800  }
0xe0: {  	[sflag:s10] =	ssyncset.done $0x0  }
0xe1: {  	s23 =	sadd.s32 s28, s7;
	[sflag:s10] =	ssyncadd.s32 $0xFFFFD800  }
0xe2: {  	[hbm4b:s23+s4] =	stream.linear.scatter [tilespmem:s6], [sflag:$0x1], $0x2800, $0x38;
	[tilespmem:$0x1F780] =	vst v63  }
0xe3: {  	_ =	swait.ge [sflag:s11], $0x2800  }
0xe4: {  	[sflag:s11] =	ssyncset.done $0x0  }
0xe5: {  	s24 =	sadd.s32 s26, s7;
	[sflag:s11] =	ssyncadd.s32 $0xFFFFD800  }
0xe6: {  	[hbm4b:s24+s4] =	stream.linear.scatter [tilespmem:s9], [sflag:$0x2], $0x2800, $0x38;
	[tilespmem:$0x1F780] =	vst v63  }
0xe7: {  	_ =	swait.ge [sflag:s10], $0x2800  }
0xe8: {  	[sflag:s10] =	ssyncset.done $0x0  }
0xe9: {  	[sflag:s10] =	ssyncadd.s32 $0xFFFFD800  }
0xea: {  	_ =	swait.ge [sflag:s11], $0x2800  }
0xeb: {  	[sflag:s11] =	ssyncset.done $0x0  }
0xec: {  	[sflag:s11] =	ssyncadd.s32 $0xFFFFD800  }
0xed: {  	[tilespmem:s6], [sflag:$0x1] =	stream.linear.gather [spmem:s2], $0x2800, $0x38;
	[tilespmem:$0x1F780] =	vst v63  }
0xee: {  	_ = 	snop  }
0xef: {  	[tilespmem:s9], [sflag:$0x2] =	stream.linear.gather [spmem:s0], $0x2800, $0x38;
	[tilespmem:$0x1F780] =	vst v63  }
0xf0: {  	_ =	swait.ge [sflag:s10], $0x2800  }
0xf1: {  	[sflag:s10] =	ssyncset.done $0x0  }
0xf2: {  	s18 =	sadd.s32 s21, s7;
	[sflag:s10] =	ssyncadd.s32 $0xFFFFD800  }
0xf3: {  	[hbm4b:s18+s4] =	stream.linear.scatter [tilespmem:s6], [sflag:$0x1], $0x2800, $0x38;
	[tilespmem:$0x1F780] =	vst v63  }
0xf4: {  	_ =	swait.ge [sflag:s11], $0x2800  }
0xf5: {  	[sflag:s11] =	ssyncset.done $0x0  }
0xf6: {  	s23 =	sadd.s32 s22, s7;
	[sflag:s11] =	ssyncadd.s32 $0xFFFFD800  }
0xf7: {  	[hbm4b:s23+s4] =	stream.linear.scatter [tilespmem:s9], [sflag:$0x2], $0x2800, $0x38;
	[tilespmem:$0x1F780] =	vst v63  }
0xf8: {  	_ =	swait.ge [sflag:s10], $0x2800  }
0xf9: {  	[sflag:s10] =	ssyncset.done $0x0  }
0xfa: {  	[sflag:s10] =	ssyncadd.s32 $0xFFFFD800  }
0xfb: {  	_ =	swait.ge [sflag:s11], $0x2800  }
0xfc: {  	s14 =	sadd.s32 $0x1, s14;
	s24 =	rddreg [dreg:$0x6]  }
0xfd: {  	p0 =	sne.s32 s14, s24  }
.Ltmp1:
0xfe: {  	_ = 	snop;
	(pc) =	sbr.rel @p0 .LBB2_1-.Ltmp1, $3  }
0xff: {  	_ =	sdelay $0x1  }
0x100: {  	[sflag:s11] =	ssyncset.done $0x0  }
0x101: {  	[sflag:s11] =	ssyncadd.s32 $0xFFFFD800  }
0x102: {  	_ =	sfence.sel $0x180000  }
0x103: {  	[bflag:$0x0] =	sbarrier.arrive $0xFFFF  }
0x104: {  	_ =	strace $0x9000004A  }
0x105: {  	s0 =	stileid.u32;
	[bflag:$0x2] =	sbarrier.arrive $0xFFFF  }
0x106: {  	p0 =	sne.s32 s0, $0x0;
	s0 =	rddreg [dreg:$0x3]  }
0x107: {  	s0 =	sadd.s32 @!p0 $0x100000, s0  }
0x108: {  	[sflag:s0] =	ssyncadd.tile.s32 @!p0 $0x1;
	_ =	shalt  }
.Lfunc_end2:
_tile_overlayer_lowered:
.L_overlay_start_2:
0x109: {  	(tag) =	ssettag $0x2  }
0x10a: {  	s0 =	rddreg [dreg:$0x0];
	s2 =	stileid.u32  }
0x10b: {  	s1 =	rddreg [dreg:$0x1];
	p0 =	sne.s32 s2, $0x0  }
0x10c: {  	s3 =	rddreg [dreg:$0x2];
	[bflag:$0x3] =	sbarrier.arrive $0xFFFF;
	s2 =	simm.s32 @!p0 $0x1C03  }
0x10d: {  	[timem:s3], [sflag:s2] =	dma.local @!p0 [hbm:s0], s1  }
0x10e: {  	s0 =	simm.s32 @!p0 $0x3  }
0x10f: {  	_ =	swait.ge @!p0 [sflag:s0], s1  }
0x110: {  	s1 =	ssub.s32 @!p0 $0x0, s1;
	[sflag:s0] =	ssyncset.done @!p0 $0x0  }
0x111: {  	[sflag:s0] =	ssyncadd.s32 @!p0 s1  }
0x112: {  	[bflag:$0x3] =	sbarrier.arrive $0xFFFF  }
0x113: {  	_ =	shalt  }

</sc_bundles>
